<compile_context>
chip_gen: v7x
topology: tpu7x:2x2x1
jax: 0.10.2.dev20260603
libtpu: 0.0.44.dev20260713+nightly
codegen_flags: <defaults>
</compile_context>

<pallas_src>
import jax
import jax.numpy as jnp
from jax import lax
from jax.experimental import pallas as pl
from jax.experimental.pallas import tpu as pltpu
from jax.experimental.pallas import tpu_sc as plsc

VOCAB = 1000000
EMBED_DIM = 32

NC = 2
NS = 16
NW = NC * NS

B = 4096
T = 200
BBLK = B // NW
NTR = EMBED_DIM // 8
TPITCH = BBLK + 1
NBUF = 4
NIDX = NBUF


def _body(xt_ref, table_ref, out_ref, *scratch):
    idx_v = scratch[0:NIDX]
    rows_v = scratch[NIDX:NIDX + NBUF]
    tile_v = scratch[NIDX + NBUF:NIDX + 2 * NBUF]
    isem = scratch[NIDX + 2 * NBUF:2 * NIDX + 2 * NBUF]
    gsem = scratch[2 * NIDX + 2 * NBUF:2 * NIDX + 3 * NBUF]
    osem = scratch[2 * NIDX + 3 * NBUF:2 * NIDX + 4 * NBUF]

    wid = lax.axis_index("s") * NC + lax.axis_index("c")

    diota = lax.iota(jnp.int32, 16)
    tr_lo, dl_lo = diota // 8, diota % 8
    tr_hi, dl_hi = (diota + 16) // 8, (diota + 16) % 8

    tile3d = tuple(tv.at[:, :, pl.ds(0, BBLK)] for tv in tile_v)

    def idx_copy(t, i):
        return pltpu.make_async_copy(
            xt_ref.at[t // 8, wid, t % 8], idx_v[i], isem[i]
        )

    def gather_copy(i, b):
        return pltpu.make_async_copy(
            table_ref.at[idx_v[i]], rows_v[b], gsem[b]
        )

    def out_copy(t, b):
        return pltpu.make_async_copy(tile3d[b], out_ref.at[t, :, wid], osem[b])

    for i in range(NBUF):
        idx_copy(i, i).start()
    for b in range(2):
        idx_copy(b, b).wait()
        gather_copy(b, b).start()

    @pl.loop(0, T, step=NBUF)
    def _t4(t0):
        for b in range(NBUF):
            t = t0 + b
            gather_copy(b, b).wait()

            @pl.when(t + NBUF < T)
            def _():
                idx_copy(t + NBUF, b).start()

            @pl.when(t + 2 < T)
            def _():
                b2 = (b + 2) % NBUF
                idx_copy(t + 2, b2).wait()
                gather_copy(b2, b2).start()

            @pl.when(t >= NBUF)
            def _():
                out_copy(t, b).wait()

            @pl.loop(0, BBLK, unroll=8)
            def _bb(bb):
                bbv = jnp.full((16,), bb, jnp.int32)
                lo = rows_v[b][bb, pl.ds(0, 16)]
                hi = rows_v[b][bb, pl.ds(16, 16)]
                plsc.store_scatter(tile_v[b], [tr_lo, dl_lo, bbv], lo)
                plsc.store_scatter(tile_v[b], [tr_hi, dl_hi, bbv], hi)

            out_copy(t, b).start()

    for b in range(NBUF):
        out_copy(T - NBUF + b, b).wait()


@jax.jit
def kernel(x, table):
    xt = (
        x.T.astype(jnp.int32)
        .reshape(T // 8, 8, NW, BBLK)
        .transpose(0, 2, 1, 3)
    )
    mesh = plsc.VectorSubcoreMesh(
        core_axis_name="c", subcore_axis_name="s", num_cores=NC, num_subcores=NS
    )
    out5 = pl.kernel(
        _body,
        out_type=jax.ShapeDtypeStruct((T, NTR, NW, 8, BBLK), jnp.float32),
        mesh=mesh,
        scratch_types=(
            [pltpu.VMEM((BBLK,), jnp.int32)] * NIDX
            + [pltpu.VMEM((BBLK, EMBED_DIM), jnp.float32)] * NBUF
            + [pltpu.VMEM((NTR, 8, TPITCH), jnp.float32)] * NBUF
            + [pltpu.SemaphoreType.DMA] * (NIDX + 2 * NBUF)
        ),
        compiler_params=pltpu.CompilerParams(
            use_tc_tiling_on_sc=False, needs_layout_passes=False
        ),
    )(xt, table)
    return out5.transpose(2, 4, 0, 1, 3).reshape(B, T, EMBED_DIM)

# --- scband reference (transcript-rebuilt; emitter-appended) ---
"""Pipeline reference for scband-phoneme-embedding-19138374271100 (READ-ONLY COPY).

The authoritative reference and input builder live on the scoring server;
editing this copy changes nothing except your own understanding.
"""

import jax, jax.numpy as jnp
import numpy as np

VOCAB = 1000000
EMBED_DIM = 32

def setup_inputs(seed: int = 0) -> dict:
    key = jax.random.key(seed)
    k1, k2 = jax.random.split(key)
    x = jax.random.randint(k1, (4096, 200), 0, VOCAB, dtype=jnp.int64)
    # Keras Embedding default initializer is uniform(-0.05, 0.05)
    table = jax.random.uniform(k2, (VOCAB, EMBED_DIM), dtype=jnp.float32, minval=-0.05, maxval=0.05)
    return {"x": x, "table": table}

def reference(x, table):
    # layers.Embedding(vocab_size, embed_dim)(x) == gather rows of table
    return jnp.take(table, x, axis=0)

if __name__ == "__main__":
    import jax
    _d = setup_inputs()
    print(jax.jit(kernel)(*tuple(_d.values())))

</pallas_src>

<mosaic_0001>
#map = affine_map<(d0, d1) -> (0, 0, 0, 0)>
#map1 = affine_map<(d0, d1) -> (0, 0)>
#map2 = affine_map<(d0, d1) -> (0, 0, 0, 0, 0)>
module attributes {stable_mosaic.version = 14 : i64} {
  func.func @_body(%arg0: i32, %arg1: i32, %arg2: memref<25x32x8x128xi32, #tpu.memory_space<hbm>>, %arg3: memref<1000000x32xf32, #tpu.memory_space<hbm>>, %arg4: memref<200x4x32x8x128xf32, #tpu.memory_space<hbm>>, %arg5: memref<128xi32, #tpu.memory_space<vmem>>, %arg6: memref<128xi32, #tpu.memory_space<vmem>>, %arg7: memref<128xi32, #tpu.memory_space<vmem>>, %arg8: memref<128xi32, #tpu.memory_space<vmem>>, %arg9: memref<128x32xf32, #tpu.memory_space<vmem>>, %arg10: memref<128x32xf32, #tpu.memory_space<vmem>>, %arg11: memref<128x32xf32, #tpu.memory_space<vmem>>, %arg12: memref<128x32xf32, #tpu.memory_space<vmem>>, %arg13: memref<4x8x129xf32, #tpu.memory_space<vmem>>, %arg14: memref<4x8x129xf32, #tpu.memory_space<vmem>>, %arg15: memref<4x8x129xf32, #tpu.memory_space<vmem>>, %arg16: memref<4x8x129xf32, #tpu.memory_space<vmem>>, %arg17: memref<!tpu.dma_semaphore, #tpu.memory_space<semaphore_mem>>, %arg18: memref<!tpu.dma_semaphore, #tpu.memory_space<semaphore_mem>>, %arg19: memref<!tpu.dma_semaphore, #tpu.memory_space<semaphore_mem>>, %arg20: memref<!tpu.dma_semaphore, #tpu.memory_space<semaphore_mem>>, %arg21: memref<!tpu.dma_semaphore, #tpu.memory_space<semaphore_mem>>, %arg22: memref<!tpu.dma_semaphore, #tpu.memory_space<semaphore_mem>>, %arg23: memref<!tpu.dma_semaphore, #tpu.memory_space<semaphore_mem>>, %arg24: memref<!tpu.dma_semaphore, #tpu.memory_space<semaphore_mem>>, %arg25: memref<!tpu.dma_semaphore, #tpu.memory_space<semaphore_mem>>, %arg26: memref<!tpu.dma_semaphore, #tpu.memory_space<semaphore_mem>>, %arg27: memref<!tpu.dma_semaphore, #tpu.memory_space<semaphore_mem>>, %arg28: memref<!tpu.dma_semaphore, #tpu.memory_space<semaphore_mem>>) attributes {dimension_semantics = [#tpu.dimension_semantics<core_parallel>, #tpu.dimension_semantics<subcore_parallel>], iteration_bounds = array<i64: 2, 16>, scalar_prefetch = 0 : i64, scratch_operands = 24 : i64, tpu.core_type = #tpu.core_type<sc_vector_subcore>, window_params = [{transform_indices = #map}, {transform_indices = #map1}, {transform_indices = #map2}]} {
    %mul3A = arith.constant 2 : i32
    %mul3A_0 = arith.muli %arg1, %mul3A : i32
    %add3A = arith.addi %mul3A_0, %arg0 : i32
    %iota3A = tpu.iota {dimensions = array<i32: 0>} : vector<16xi32>
    %jit3A = arith.constant 8 : i32
    %div3A = vector.broadcast %jit3A : i32 to vector<16xi32>
    %div3A_1 = arith.divsi %iota3A, %div3A : vector<16xi32>
    %sign3A = arith.constant 0 : i32
    %sign3A_2 = vector.broadcast %sign3A : i32 to vector<16xi32>
    %sign3A_3 = arith.cmpi sgt, %iota3A, %sign3A_2 : vector<16xi32>
    %sign3A_4 = arith.extui %sign3A_3 : vector<16xi1> to vector<16xi32>
    %sign3A_5 = arith.constant 0 : i32
    %sign3A_6 = vector.broadcast %sign3A_5 : i32 to vector<16xi32>
    %sign3A_7 = arith.cmpi slt, %iota3A, %sign3A_6 : vector<16xi32>
    %sign3A_8 = arith.extui %sign3A_7 : vector<16xi1> to vector<16xi32>
    %sign3A_9 = arith.subi %sign3A_4, %sign3A_8 : vector<16xi32>
    %sign3A_10 = arith.constant 0 : i32
    %sign3A_11 = arith.cmpi sgt, %jit3A, %sign3A_10 : i32
    %sign3A_12 = arith.extui %sign3A_11 : i1 to i32
    %sign3A_13 = arith.constant 0 : i32
    %sign3A_14 = arith.cmpi slt, %jit3A, %sign3A_13 : i32
    %sign3A_15 = arith.extui %sign3A_14 : i1 to i32
    %sign3A_16 = arith.subi %sign3A_12, %sign3A_15 : i32
    %ne3A = vector.broadcast %sign3A_16 : i32 to vector<16xi32>
    %ne3A_17 = arith.cmpi ne, %sign3A_9, %ne3A : vector<16xi32>
    %rem3A = vector.broadcast %jit3A : i32 to vector<16xi32>
    %rem3A_18 = arith.remsi %iota3A, %rem3A : vector<16xi32>
    %ne3A_19 = arith.constant 0 : i32
    %ne3A_20 = vector.broadcast %ne3A_19 : i32 to vector<16xi32>
    %ne3A_21 = arith.cmpi ne, %rem3A_18, %ne3A_20 : vector<16xi32>
    %and3A = arith.andi %ne3A_17, %ne3A_21 : vector<16xi1>
    %sub3A = arith.constant 1 : i32
    %sub3A_22 = vector.broadcast %sub3A : i32 to vector<16xi32>
    %sub3A_23 = arith.subi %div3A_1, %sub3A_22 : vector<16xi32>
    %select_n3A = arith.select %and3A, %sub3A_23, %div3A_1 : vector<16xi1>, vector<16xi32>
    %jit3A_24 = arith.constant 8 : i32
    %eq3A = arith.constant 0 : i32
    %eq3A_25 = arith.cmpi eq, %jit3A_24, %eq3A : i32
    %jit3A_26 = arith.constant 1 : i32
    %select_n3A_27 = arith.select %eq3A_25, %jit3A_26, %jit3A_24 : i32
    %rem3A_28 = vector.broadcast %select_n3A_27 : i32 to vector<16xi32>
    %rem3A_29 = arith.remsi %iota3A, %rem3A_28 : vector<16xi32>
    %ne3A_30 = arith.constant 0 : i32
    %ne3A_31 = vector.broadcast %ne3A_30 : i32 to vector<16xi32>
    %ne3A_32 = arith.cmpi ne, %rem3A_29, %ne3A_31 : vector<16xi32>
    %lt3A = arith.constant 0 : i32
    %lt3A_33 = vector.broadcast %lt3A : i32 to vector<16xi32>
    %lt3A_34 = arith.cmpi slt, %rem3A_29, %lt3A_33 : vector<16xi32>
    %lt3A_35 = arith.constant 0 : i32
    %lt3A_36 = arith.cmpi slt, %select_n3A_27, %lt3A_35 : i32
    %ne3A_37 = vector.broadcast %lt3A_36 : i1 to vector<16xi1>
    %ne3A_38 = vector.broadcast %ne3A_37 : vector<16xi1> to vector<16xi1>
    %ne3A_39 = arith.xori %lt3A_34, %ne3A_38 : vector<16xi1>
    %and3A_40 = arith.andi %ne3A_39, %ne3A_32 : vector<16xi1>
    %add3A_41 = vector.broadcast %select_n3A_27 : i32 to vector<16xi32>
    %add3A_42 = arith.addi %rem3A_29, %add3A_41 : vector<16xi32>
    %select_n3A_43 = arith.select %and3A_40, %add3A_42, %rem3A_29 : vector<16xi1>, vector<16xi32>
    %add3A_44 = arith.constant 16 : i32
    %add3A_45 = vector.broadcast %add3A_44 : i32 to vector<16xi32>
    %add3A_46 = arith.addi %iota3A, %add3A_45 : vector<16xi32>
    %jit3A_47 = arith.constant 8 : i32
    %div3A_48 = vector.broadcast %jit3A_47 : i32 to vector<16xi32>
    %div3A_49 = arith.divsi %add3A_46, %div3A_48 : vector<16xi32>
    %sign3A_50 = arith.constant 0 : i32
    %sign3A_51 = vector.broadcast %sign3A_50 : i32 to vector<16xi32>
    %sign3A_52 = arith.cmpi sgt, %add3A_46, %sign3A_51 : vector<16xi32>
    %sign3A_53 = arith.extui %sign3A_52 : vector<16xi1> to vector<16xi32>
    %sign3A_54 = arith.constant 0 : i32
    %sign3A_55 = vector.broadcast %sign3A_54 : i32 to vector<16xi32>
    %sign3A_56 = arith.cmpi slt, %add3A_46, %sign3A_55 : vector<16xi32>
    %sign3A_57 = arith.extui %sign3A_56 : vector<16xi1> to vector<16xi32>
    %sign3A_58 = arith.subi %sign3A_53, %sign3A_57 : vector<16xi32>
    %sign3A_59 = arith.constant 0 : i32
    %sign3A_60 = arith.cmpi sgt, %jit3A_47, %sign3A_59 : i32
    %sign3A_61 = arith.extui %sign3A_60 : i1 to i32
    %sign3A_62 = arith.constant 0 : i32
    %sign3A_63 = arith.cmpi slt, %jit3A_47, %sign3A_62 : i32
    %sign3A_64 = arith.extui %sign3A_63 : i1 to i32
    %sign3A_65 = arith.subi %sign3A_61, %sign3A_64 : i32
    %ne3A_66 = vector.broadcast %sign3A_65 : i32 to vector<16xi32>
    %ne3A_67 = arith.cmpi ne, %sign3A_58, %ne3A_66 : vector<16xi32>
    %rem3A_68 = vector.broadcast %jit3A_47 : i32 to vector<16xi32>
    %rem3A_69 = arith.remsi %add3A_46, %rem3A_68 : vector<16xi32>
    %ne3A_70 = arith.constant 0 : i32
    %ne3A_71 = vector.broadcast %ne3A_70 : i32 to vector<16xi32>
    %ne3A_72 = arith.cmpi ne, %rem3A_69, %ne3A_71 : vector<16xi32>
    %and3A_73 = arith.andi %ne3A_67, %ne3A_72 : vector<16xi1>
    %sub3A_74 = arith.constant 1 : i32
    %sub3A_75 = vector.broadcast %sub3A_74 : i32 to vector<16xi32>
    %sub3A_76 = arith.subi %div3A_49, %sub3A_75 : vector<16xi32>
    %select_n3A_77 = arith.select %and3A_73, %sub3A_76, %div3A_49 : vector<16xi1>, vector<16xi32>
    %add3A_78 = arith.constant 16 : i32
    %add3A_79 = vector.broadcast %add3A_78 : i32 to vector<16xi32>
    %add3A_80 = arith.addi %iota3A, %add3A_79 : vector<16xi32>
    %jit3A_81 = arith.constant 8 : i32
    %eq3A_82 = arith.constant 0 : i32
    %eq3A_83 = arith.cmpi eq, %jit3A_81, %eq3A_82 : i32
    %jit3A_84 = arith.constant 1 : i32
    %select_n3A_85 = arith.select %eq3A_83, %jit3A_84, %jit3A_81 : i32
    %rem3A_86 = vector.broadcast %select_n3A_85 : i32 to vector<16xi32>
    %rem3A_87 = arith.remsi %add3A_80, %rem3A_86 : vector<16xi32>
    %ne3A_88 = arith.constant 0 : i32
    %ne3A_89 = vector.broadcast %ne3A_88 : i32 to vector<16xi32>
    %ne3A_90 = arith.cmpi ne, %rem3A_87, %ne3A_89 : vector<16xi32>
    %lt3A_91 = arith.constant 0 : i32
    %lt3A_92 = vector.broadcast %lt3A_91 : i32 to vector<16xi32>
    %lt3A_93 = arith.cmpi slt, %rem3A_87, %lt3A_92 : vector<16xi32>
    %lt3A_94 = arith.constant 0 : i32
    %lt3A_95 = arith.cmpi slt, %select_n3A_85, %lt3A_94 : i32
    %ne3A_96 = vector.broadcast %lt3A_95 : i1 to vector<16xi1>
    %ne3A_97 = vector.broadcast %ne3A_96 : vector<16xi1> to vector<16xi1>
    %ne3A_98 = arith.xori %lt3A_93, %ne3A_97 : vector<16xi1>
    %and3A_99 = arith.andi %ne3A_98, %ne3A_90 : vector<16xi1>
    %add3A_100 = vector.broadcast %select_n3A_85 : i32 to vector<16xi32>
    %add3A_101 = arith.addi %rem3A_87, %add3A_100 : vector<16xi32>
    %select_n3A_102 = arith.select %and3A_99, %add3A_101, %rem3A_87 : vector<16xi1>, vector<16xi32>
    %dma_start3A = arith.constant 0 : i32
    %dma_start3A_103 = arith.constant 0 : i32
    %dma_start3A_104 = arith.constant 0 : i32
    %dma_start3A_105 = tpu.memref_slice %arg2[%dma_start3A, %add3A, %dma_start3A_103, %dma_start3A_104] : memref<25x32x8x128xi32, #tpu.memory_space<hbm>> -> memref<1x1x1x128xi32, #tpu.memory_space<hbm>>
    %dma_start3A_106 = tpu.memref_squeeze %dma_start3A_105 : memref<1x1x1x128xi32, #tpu.memory_space<hbm>> -> memref<128xi32, #tpu.memory_space<hbm>>
    %dma_start3A_107 = arith.constant 0 : i32
    %dma_start3A_108 = tpu.memref_slice %arg2[%dma_start3A, %add3A, %dma_start3A_103, %dma_start3A_107] : memref<25x32x8x128xi32, #tpu.memory_space<hbm>> -> memref<1x1x1x128xi32, #tpu.memory_space<hbm>>
    %dma_start3A_109 = tpu.memref_squeeze %dma_start3A_108 : memref<1x1x1x128xi32, #tpu.memory_space<hbm>> -> memref<128xi32, #tpu.memory_space<hbm>>
    tpu.enqueue_dma source(%dma_start3A_109 : memref<128xi32, #tpu.memory_space<hbm>>) target(%arg5 : memref<128xi32, #tpu.memory_space<vmem>>) target_semaphore(%arg17 : memref<!tpu.dma_semaphore, #tpu.memory_space<semaphore_mem>>)
    %dma_start3A_110 = arith.constant 0 : i32
    %dma_start3A_111 = arith.constant 1 : i32
    %dma_start3A_112 = arith.constant 0 : i32
    %dma_start3A_113 = tpu.memref_slice %arg2[%dma_start3A_110, %add3A, %dma_start3A_111, %dma_start3A_112] : memref<25x32x8x128xi32, #tpu.memory_space<hbm>> -> memref<1x1x1x128xi32, #tpu.memory_space<hbm>>
    %dma_start3A_114 = tpu.memref_squeeze %dma_start3A_113 : memref<1x1x1x128xi32, #tpu.memory_space<hbm>> -> memref<128xi32, #tpu.memory_space<hbm>>
    %dma_start3A_115 = arith.constant 0 : i32
    %dma_start3A_116 = tpu.memref_slice %arg2[%dma_start3A_110, %add3A, %dma_start3A_111, %dma_start3A_115] : memref<25x32x8x128xi32, #tpu.memory_space<hbm>> -> memref<1x1x1x128xi32, #tpu.memory_space<hbm>>
    %dma_start3A_117 = tpu.memref_squeeze %dma_start3A_116 : memref<1x1x1x128xi32, #tpu.memory_space<hbm>> -> memref<128xi32, #tpu.memory_space<hbm>>
    tpu.enqueue_dma source(%dma_start3A_117 : memref<128xi32, #tpu.memory_space<hbm>>) target(%arg6 : memref<128xi32, #tpu.memory_space<vmem>>) target_semaphore(%arg18 : memref<!tpu.dma_semaphore, #tpu.memory_space<semaphore_mem>>)
    %dma_start3A_118 = arith.constant 0 : i32
    %dma_start3A_119 = arith.constant 2 : i32
    %dma_start3A_120 = arith.constant 0 : i32
    %dma_start3A_121 = tpu.memref_slice %arg2[%dma_start3A_118, %add3A, %dma_start3A_119, %dma_start3A_120] : memref<25x32x8x128xi32, #tpu.memory_space<hbm>> -> memref<1x1x1x128xi32, #tpu.memory_space<hbm>>
    %dma_start3A_122 = tpu.memref_squeeze %dma_start3A_121 : memref<1x1x1x128xi32, #tpu.memory_space<hbm>> -> memref<128xi32, #tpu.memory_space<hbm>>
    %dma_start3A_123 = arith.constant 0 : i32
    %dma_start3A_124 = tpu.memref_slice %arg2[%dma_start3A_118, %add3A, %dma_start3A_119, %dma_start3A_123] : memref<25x32x8x128xi32, #tpu.memory_space<hbm>> -> memref<1x1x1x128xi32, #tpu.memory_space<hbm>>
    %dma_start3A_125 = tpu.memref_squeeze %dma_start3A_124 : memref<1x1x1x128xi32, #tpu.memory_space<hbm>> -> memref<128xi32, #tpu.memory_space<hbm>>
    tpu.enqueue_dma source(%dma_start3A_125 : memref<128xi32, #tpu.memory_space<hbm>>) target(%arg7 : memref<128xi32, #tpu.memory_space<vmem>>) target_semaphore(%arg19 : memref<!tpu.dma_semaphore, #tpu.memory_space<semaphore_mem>>)
    %dma_start3A_126 = arith.constant 0 : i32
    %dma_start3A_127 = arith.constant 3 : i32
    %dma_start3A_128 = arith.constant 0 : i32
    %dma_start3A_129 = tpu.memref_slice %arg2[%dma_start3A_126, %add3A, %dma_start3A_127, %dma_start3A_128] : memref<25x32x8x128xi32, #tpu.memory_space<hbm>> -> memref<1x1x1x128xi32, #tpu.memory_space<hbm>>
    %dma_start3A_130 = tpu.memref_squeeze %dma_start3A_129 : memref<1x1x1x128xi32, #tpu.memory_space<hbm>> -> memref<128xi32, #tpu.memory_space<hbm>>
    %dma_start3A_131 = arith.constant 0 : i32
    %dma_start3A_132 = tpu.memref_slice %arg2[%dma_start3A_126, %add3A, %dma_start3A_127, %dma_start3A_131] : memref<25x32x8x128xi32, #tpu.memory_space<hbm>> -> memref<1x1x1x128xi32, #tpu.memory_space<hbm>>
    %dma_start3A_133 = tpu.memref_squeeze %dma_start3A_132 : memref<1x1x1x128xi32, #tpu.memory_space<hbm>> -> memref<128xi32, #tpu.memory_space<hbm>>
    tpu.enqueue_dma source(%dma_start3A_133 : memref<128xi32, #tpu.memory_space<hbm>>) target(%arg8 : memref<128xi32, #tpu.memory_space<vmem>>) target_semaphore(%arg20 : memref<!tpu.dma_semaphore, #tpu.memory_space<semaphore_mem>>)
    %dma_wait3A = arith.constant 0 : i32
    %dma_wait3A_134 = arith.constant 0 : i32
    %dma_wait3A_135 = arith.constant 0 : i32
    %dma_wait3A_136 = tpu.memref_slice %arg2[%dma_wait3A, %add3A, %dma_wait3A_134, %dma_wait3A_135] : memref<25x32x8x128xi32, #tpu.memory_space<hbm>> -> memref<1x1x1x128xi32, #tpu.memory_space<hbm>>
    %dma_wait3A_137 = tpu.memref_squeeze %dma_wait3A_136 : memref<1x1x1x128xi32, #tpu.memory_space<hbm>> -> memref<128xi32, #tpu.memory_space<hbm>>
    %dma_wait3A_138 = arith.constant 0 : i32
    %dma_wait3A_139 = tpu.memref_slice %arg2[%dma_wait3A, %add3A, %dma_wait3A_134, %dma_wait3A_138] : memref<25x32x8x128xi32, #tpu.memory_space<hbm>> -> memref<1x1x1x128xi32, #tpu.memory_space<hbm>>
    %dma_wait3A_140 = tpu.memref_squeeze %dma_wait3A_139 : memref<1x1x1x128xi32, #tpu.memory_space<hbm>> -> memref<128xi32, #tpu.memory_space<hbm>>
    tpu.wait_dma2 semaphore(%arg17 : memref<!tpu.dma_semaphore, #tpu.memory_space<semaphore_mem>>) src(%dma_wait3A_140 : memref<128xi32, #tpu.memory_space<hbm>>) dst(%arg5 : memref<128xi32, #tpu.memory_space<vmem>>)
    %dma_start3A_141 = arith.constant 0 : i32
    %dma_start3A_142 = arith.constant 0 : i32
    %dma_start3A_143 = tpu.memref_slice %arg3[%dma_start3A_141, %dma_start3A_142] : memref<1000000x32xf32, #tpu.memory_space<hbm>> -> memref<1000000x32xf32, #tpu.memory_space<hbm>>
    tpu.enqueue_indirect_dma source(%dma_start3A_143 : memref<1000000x32xf32, #tpu.memory_space<hbm>>) target(%arg9 : memref<128x32xf32, #tpu.memory_space<vmem>>) offsets(%arg5 : memref<128xi32, #tpu.memory_space<vmem>>) semaphore(%arg21 : memref<!tpu.dma_semaphore, #tpu.memory_space<semaphore_mem>>)
    %dma_wait3A_144 = arith.constant 0 : i32
    %dma_wait3A_145 = arith.constant 1 : i32
    %dma_wait3A_146 = arith.constant 0 : i32
    %dma_wait3A_147 = tpu.memref_slice %arg2[%dma_wait3A_144, %add3A, %dma_wait3A_145, %dma_wait3A_146] : memref<25x32x8x128xi32, #tpu.memory_space<hbm>> -> memref<1x1x1x128xi32, #tpu.memory_space<hbm>>
    %dma_wait3A_148 = tpu.memref_squeeze %dma_wait3A_147 : memref<1x1x1x128xi32, #tpu.memory_space<hbm>> -> memref<128xi32, #tpu.memory_space<hbm>>
    %dma_wait3A_149 = arith.constant 0 : i32
    %dma_wait3A_150 = tpu.memref_slice %arg2[%dma_wait3A_144, %add3A, %dma_wait3A_145, %dma_wait3A_149] : memref<25x32x8x128xi32, #tpu.memory_space<hbm>> -> memref<1x1x1x128xi32, #tpu.memory_space<hbm>>
    %dma_wait3A_151 = tpu.memref_squeeze %dma_wait3A_150 : memref<1x1x1x128xi32, #tpu.memory_space<hbm>> -> memref<128xi32, #tpu.memory_space<hbm>>
    tpu.wait_dma2 semaphore(%arg18 : memref<!tpu.dma_semaphore, #tpu.memory_space<semaphore_mem>>) src(%dma_wait3A_151 : memref<128xi32, #tpu.memory_space<hbm>>) dst(%arg6 : memref<128xi32, #tpu.memory_space<vmem>>)
    %dma_start3A_152 = arith.constant 0 : i32
    %dma_start3A_153 = arith.constant 0 : i32
    %dma_start3A_154 = tpu.memref_slice %arg3[%dma_start3A_152, %dma_start3A_153] : memref<1000000x32xf32, #tpu.memory_space<hbm>> -> memref<1000000x32xf32, #tpu.memory_space<hbm>>
    tpu.enqueue_indirect_dma source(%dma_start3A_154 : memref<1000000x32xf32, #tpu.memory_space<hbm>>) target(%arg10 : memref<128x32xf32, #tpu.memory_space<vmem>>) offsets(%arg6 : memref<128xi32, #tpu.memory_space<vmem>>) semaphore(%arg22 : memref<!tpu.dma_semaphore, #tpu.memory_space<semaphore_mem>>)
    %scan3A = arith.constant 0 : i32
    %scan3A_155 = arith.constant 50 : i32
    %scan3A_156 = arith.addi %scan3A, %scan3A_155 : i32
    %scan3A_157 = arith.constant 1 : i32
    scf.for %scan3A_235 = %scan3A to %scan3A_156 step %scan3A_157  : i32 {
      %mul3A_236 = arith.constant 4 : i32
      %mul3A_237 = arith.muli %scan3A_235, %mul3A_236 : i32
      %add3A_238 = arith.constant 0 : i32
      %add3A_239 = arith.addi %add3A_238, %mul3A_237 : i32
      %add3A_240 = arith.constant 0 : i32
      %add3A_241 = arith.addi %add3A_239, %add3A_240 : i32
      %dma_wait3A_242 = arith.constant 0 : i32
      %dma_wait3A_243 = arith.constant 0 : i32
      %dma_wait3A_244 = tpu.memref_slice %arg3[%dma_wait3A_242, %dma_wait3A_243] : memref<1000000x32xf32, #tpu.memory_space<hbm>> -> memref<1000000x32xf32, #tpu.memory_space<hbm>>
      tpu.wait_indirect_dma semaphore(%arg21 : memref<!tpu.dma_semaphore, #tpu.memory_space<semaphore_mem>>) src(%dma_wait3A_244 : memref<1000000x32xf32, #tpu.memory_space<hbm>>) dst(%arg9 : memref<128x32xf32, #tpu.memory_space<vmem>>)
      %add3A_245 = arith.constant 4 : i32
      %add3A_246 = arith.addi %add3A_241, %add3A_245 : i32
      %lt3A_247 = arith.constant 200 : i32
      %lt3A_248 = arith.cmpi slt, %add3A_246, %lt3A_247 : i32
      %convert_element_type3A = arith.extui %lt3A_248 : i1 to i32
      %cond3A = arith.constant 0 : i32
      %cond3A_249 = arith.cmpi ne, %convert_element_type3A, %cond3A : i32
      scf.if %cond3A_249 {
        %add3A_425 = arith.constant 4 : i32
        %add3A_426 = arith.addi %add3A_241, %add3A_425 : i32
        %jit3A_427 = arith.constant 8 : i32
        %div3A_428 = arith.divsi %add3A_426, %jit3A_427 : i32
        %sign3A_429 = arith.constant 0 : i32
        %sign3A_430 = arith.cmpi sgt, %add3A_426, %sign3A_429 : i32
        %sign3A_431 = arith.extui %sign3A_430 : i1 to i32
        %sign3A_432 = arith.constant 0 : i32
        %sign3A_433 = arith.cmpi slt, %add3A_426, %sign3A_432 : i32
        %sign3A_434 = arith.extui %sign3A_433 : i1 to i32
        %sign3A_435 = arith.subi %sign3A_431, %sign3A_434 : i32
        %sign3A_436 = arith.constant 0 : i32
        %sign3A_437 = arith.cmpi sgt, %jit3A_427, %sign3A_436 : i32
        %sign3A_438 = arith.extui %sign3A_437 : i1 to i32
        %sign3A_439 = arith.constant 0 : i32
        %sign3A_440 = arith.cmpi slt, %jit3A_427, %sign3A_439 : i32
        %sign3A_441 = arith.extui %sign3A_440 : i1 to i32
        %sign3A_442 = arith.subi %sign3A_438, %sign3A_441 : i32
        %ne3A_443 = arith.cmpi ne, %sign3A_435, %sign3A_442 : i32
        %rem3A_444 = arith.remsi %add3A_426, %jit3A_427 : i32
        %ne3A_445 = arith.constant 0 : i32
        %ne3A_446 = arith.cmpi ne, %rem3A_444, %ne3A_445 : i32
        %and3A_447 = arith.andi %ne3A_443, %ne3A_446 : i1
        %sub3A_448 = arith.constant 1 : i32
        %sub3A_449 = arith.subi %div3A_428, %sub3A_448 : i32
        %select_n3A_450 = arith.select %and3A_447, %sub3A_449, %div3A_428 : i32
        %jit3A_451 = arith.constant 8 : i32
        %eq3A_452 = arith.constant 0 : i32
        %eq3A_453 = arith.cmpi eq, %jit3A_451, %eq3A_452 : i32
        %jit3A_454 = arith.constant 1 : i32
        %select_n3A_455 = arith.select %eq3A_453, %jit3A_454, %jit3A_451 : i32
        %rem3A_456 = arith.remsi %add3A_426, %select_n3A_455 : i32
        %ne3A_457 = arith.constant 0 : i32
        %ne3A_458 = arith.cmpi ne, %rem3A_456, %ne3A_457 : i32
        %lt3A_459 = arith.constant 0 : i32
        %lt3A_460 = arith.cmpi slt, %rem3A_456, %lt3A_459 : i32
        %lt3A_461 = arith.constant 0 : i32
        %lt3A_462 = arith.cmpi slt, %select_n3A_455, %lt3A_461 : i32
        %ne3A_463 = arith.xori %lt3A_460, %lt3A_462 : i1
        %and3A_464 = arith.andi %ne3A_463, %ne3A_458 : i1
        %add3A_465 = arith.addi %rem3A_456, %select_n3A_455 : i32
        %select_n3A_466 = arith.select %and3A_464, %add3A_465, %rem3A_456 : i32
        %dma_start3A_467 = arith.constant 0 : i32
        %dma_start3A_468 = tpu.memref_slice %arg2[%select_n3A_450, %add3A, %select_n3A_466, %dma_start3A_467] : memref<25x32x8x128xi32, #tpu.memory_space<hbm>> -> memref<1x1x1x128xi32, #tpu.memory_space<hbm>>
        %dma_start3A_469 = tpu.memref_squeeze %dma_start3A_468 : memref<1x1x1x128xi32, #tpu.memory_space<hbm>> -> memref<128xi32, #tpu.memory_space<hbm>>
        %dma_start3A_470 = arith.constant 0 : i32
        %dma_start3A_471 = tpu.memref_slice %arg2[%select_n3A_450, %add3A, %select_n3A_466, %dma_start3A_470] : memref<25x32x8x128xi32, #tpu.memory_space<hbm>> -> memref<1x1x1x128xi32, #tpu.memory_space<hbm>>
        %dma_start3A_472 = tpu.memref_squeeze %dma_start3A_471 : memref<1x1x1x128xi32, #tpu.memory_space<hbm>> -> memref<128xi32, #tpu.memory_space<hbm>>
        tpu.enqueue_dma source(%dma_start3A_472 : memref<128xi32, #tpu.memory_space<hbm>>) target(%arg5 : memref<128xi32, #tpu.memory_space<vmem>>) target_semaphore(%arg17 : memref<!tpu.dma_semaphore, #tpu.memory_space<semaphore_mem>>)
      } else {
      }
      %add3A_250 = arith.constant 2 : i32
      %add3A_251 = arith.addi %add3A_241, %add3A_250 : i32
      %lt3A_252 = arith.constant 200 : i32
      %lt3A_253 = arith.cmpi slt, %add3A_251, %lt3A_252 : i32
      %convert_element_type3A_254 = arith.extui %lt3A_253 : i1 to i32
      %cond3A_255 = arith.constant 0 : i32
      %cond3A_256 = arith.cmpi ne, %convert_element_type3A_254, %cond3A_255 : i32
      scf.if %cond3A_256 {
        %add3A_425 = arith.constant 2 : i32
        %add3A_426 = arith.addi %add3A_241, %add3A_425 : i32
        %jit3A_427 = arith.constant 8 : i32
        %div3A_428 = arith.divsi %add3A_426, %jit3A_427 : i32
        %sign3A_429 = arith.constant 0 : i32
        %sign3A_430 = arith.cmpi sgt, %add3A_426, %sign3A_429 : i32
        %sign3A_431 = arith.extui %sign3A_430 : i1 to i32
        %sign3A_432 = arith.constant 0 : i32
        %sign3A_433 = arith.cmpi slt, %add3A_426, %sign3A_432 : i32
        %sign3A_434 = arith.extui %sign3A_433 : i1 to i32
        %sign3A_435 = arith.subi %sign3A_431, %sign3A_434 : i32
        %sign3A_436 = arith.constant 0 : i32
        %sign3A_437 = arith.cmpi sgt, %jit3A_427, %sign3A_436 : i32
        %sign3A_438 = arith.extui %sign3A_437 : i1 to i32
        %sign3A_439 = arith.constant 0 : i32
        %sign3A_440 = arith.cmpi slt, %jit3A_427, %sign3A_439 : i32
        %sign3A_441 = arith.extui %sign3A_440 : i1 to i32
        %sign3A_442 = arith.subi %sign3A_438, %sign3A_441 : i32
        %ne3A_443 = arith.cmpi ne, %sign3A_435, %sign3A_442 : i32
        %rem3A_444 = arith.remsi %add3A_426, %jit3A_427 : i32
        %ne3A_445 = arith.constant 0 : i32
        %ne3A_446 = arith.cmpi ne, %rem3A_444, %ne3A_445 : i32
        %and3A_447 = arith.andi %ne3A_443, %ne3A_446 : i1
        %sub3A_448 = arith.constant 1 : i32
        %sub3A_449 = arith.subi %div3A_428, %sub3A_448 : i32
        %select_n3A_450 = arith.select %and3A_447, %sub3A_449, %div3A_428 : i32
        %jit3A_451 = arith.constant 8 : i32
        %eq3A_452 = arith.constant 0 : i32
        %eq3A_453 = arith.cmpi eq, %jit3A_451, %eq3A_452 : i32
        %jit3A_454 = arith.constant 1 : i32
        %select_n3A_455 = arith.select %eq3A_453, %jit3A_454, %jit3A_451 : i32
        %rem3A_456 = arith.remsi %add3A_426, %select_n3A_455 : i32
        %ne3A_457 = arith.constant 0 : i32
        %ne3A_458 = arith.cmpi ne, %rem3A_456, %ne3A_457 : i32
        %lt3A_459 = arith.constant 0 : i32
        %lt3A_460 = arith.cmpi slt, %rem3A_456, %lt3A_459 : i32
        %lt3A_461 = arith.constant 0 : i32
        %lt3A_462 = arith.cmpi slt, %select_n3A_455, %lt3A_461 : i32
        %ne3A_463 = arith.xori %lt3A_460, %lt3A_462 : i1
        %and3A_464 = arith.andi %ne3A_463, %ne3A_458 : i1
        %add3A_465 = arith.addi %rem3A_456, %select_n3A_455 : i32
        %select_n3A_466 = arith.select %and3A_464, %add3A_465, %rem3A_456 : i32
        %dma_wait3A_467 = arith.constant 0 : i32
        %dma_wait3A_468 = tpu.memref_slice %arg2[%select_n3A_450, %add3A, %select_n3A_466, %dma_wait3A_467] : memref<25x32x8x128xi32, #tpu.memory_space<hbm>> -> memref<1x1x1x128xi32, #tpu.memory_space<hbm>>
        %dma_wait3A_469 = tpu.memref_squeeze %dma_wait3A_468 : memref<1x1x1x128xi32, #tpu.memory_space<hbm>> -> memref<128xi32, #tpu.memory_space<hbm>>
        %dma_wait3A_470 = arith.constant 0 : i32
        %dma_wait3A_471 = tpu.memref_slice %arg2[%select_n3A_450, %add3A, %select_n3A_466, %dma_wait3A_470] : memref<25x32x8x128xi32, #tpu.memory_space<hbm>> -> memref<1x1x1x128xi32, #tpu.memory_space<hbm>>
        %dma_wait3A_472 = tpu.memref_squeeze %dma_wait3A_471 : memref<1x1x1x128xi32, #tpu.memory_space<hbm>> -> memref<128xi32, #tpu.memory_space<hbm>>
        tpu.wait_dma2 semaphore(%arg19 : memref<!tpu.dma_semaphore, #tpu.memory_space<semaphore_mem>>) src(%dma_wait3A_472 : memref<128xi32, #tpu.memory_space<hbm>>) dst(%arg7 : memref<128xi32, #tpu.memory_space<vmem>>)
        %dma_start3A_473 = arith.constant 0 : i32
        %dma_start3A_474 = arith.constant 0 : i32
        %dma_start3A_475 = tpu.memref_slice %arg3[%dma_start3A_473, %dma_start3A_474] : memref<1000000x32xf32, #tpu.memory_space<hbm>> -> memref<1000000x32xf32, #tpu.memory_space<hbm>>
        tpu.enqueue_indirect_dma source(%dma_start3A_475 : memref<1000000x32xf32, #tpu.memory_space<hbm>>) target(%arg11 : memref<128x32xf32, #tpu.memory_space<vmem>>) offsets(%arg7 : memref<128xi32, #tpu.memory_space<vmem>>) semaphore(%arg23 : memref<!tpu.dma_semaphore, #tpu.memory_space<semaphore_mem>>)
      } else {
      }
      %ge3A = arith.constant 4 : i32
      %ge3A_257 = arith.cmpi sge, %add3A_241, %ge3A : i32
      %convert_element_type3A_258 = arith.extui %ge3A_257 : i1 to i32
      %cond3A_259 = arith.constant 0 : i32
      %cond3A_260 = arith.cmpi ne, %convert_element_type3A_258, %cond3A_259 : i32
      scf.if %cond3A_260 {
        %dma_wait3A_425 = arith.constant 0 : i32
        %dma_wait3A_426 = arith.constant 0 : i32
        %dma_wait3A_427 = arith.constant 0 : i32
        %dma_wait3A_428 = tpu.memref_slice %arg13[%dma_wait3A_425, %dma_wait3A_426, %dma_wait3A_427] : memref<4x8x129xf32, #tpu.memory_space<vmem>> -> memref<4x8x128xf32, #tpu.memory_space<vmem>>
        %dma_wait3A_429 = arith.constant 0 : i32
        %dma_wait3A_430 = arith.constant 0 : i32
        %dma_wait3A_431 = arith.constant 0 : i32
        %dma_wait3A_432 = tpu.memref_slice %arg4[%add3A_241, %dma_wait3A_429, %add3A, %dma_wait3A_430, %dma_wait3A_431] : memref<200x4x32x8x128xf32, #tpu.memory_space<hbm>> -> memref<1x4x1x8x128xf32, #tpu.memory_space<hbm>>
        %dma_wait3A_433 = tpu.memref_squeeze %dma_wait3A_432 : memref<1x4x1x8x128xf32, #tpu.memory_space<hbm>> -> memref<4x8x128xf32, #tpu.memory_space<hbm>>
        %dma_wait3A_434 = arith.constant 0 : i32
        %dma_wait3A_435 = arith.constant 0 : i32
        %dma_wait3A_436 = arith.constant 0 : i32
        %dma_wait3A_437 = tpu.memref_slice %arg4[%add3A_241, %dma_wait3A_434, %add3A, %dma_wait3A_435, %dma_wait3A_436] : memref<200x4x32x8x128xf32, #tpu.memory_space<hbm>> -> memref<1x4x1x8x128xf32, #tpu.memory_space<hbm>>
        %dma_wait3A_438 = tpu.memref_squeeze %dma_wait3A_437 : memref<1x4x1x8x128xf32, #tpu.memory_space<hbm>> -> memref<4x8x128xf32, #tpu.memory_space<hbm>>
        %dma_wait3A_439 = arith.constant 0 : i32
        %dma_wait3A_440 = arith.constant 0 : i32
        %dma_wait3A_441 = arith.constant 0 : i32
        %dma_wait3A_442 = tpu.memref_slice %arg13[%dma_wait3A_439, %dma_wait3A_440, %dma_wait3A_441] : memref<4x8x129xf32, #tpu.memory_space<vmem>> -> memref<4x8x128xf32, #tpu.memory_space<vmem>>
        tpu.wait_dma2 semaphore(%arg25 : memref<!tpu.dma_semaphore, #tpu.memory_space<semaphore_mem>>) src(%dma_wait3A_442 : memref<4x8x128xf32, #tpu.memory_space<vmem>>) dst(%dma_wait3A_438 : memref<4x8x128xf32, #tpu.memory_space<hbm>>)
      } else {
      }
      %scan3A_261 = arith.constant 0 : i32
      %scan3A_262 = arith.constant 128 : i32
      %scan3A_263 = arith.addi %scan3A_261, %scan3A_262 : i32
      %scan3A_264 = arith.constant 8 : i32
      scf.for %scan3A_425 = %scan3A_261 to %scan3A_263 step %scan3A_264  : i32 {
        %mul3A_426 = arith.constant 1 : i32
        %mul3A_427 = arith.muli %scan3A_425, %mul3A_426 : i32
        %add3A_428 = arith.constant 0 : i32
        %add3A_429 = arith.addi %add3A_428, %mul3A_427 : i32
        %broadcast_in_dim3A = vector.broadcast %add3A_429 : i32 to vector<16xi32>
        %get3A = arith.index_cast %add3A_429 : i32 to index
        %get3A_430 = arith.constant 0 : index
        %get3A_431 = tpu.vector_load %arg9[%get3A, %get3A_430] {strides = array<i32>} : memref<128x32xf32, #tpu.memory_space<vmem>>, vector<16xf32>,
        %get3A_432 = arith.index_cast %add3A_429 : i32 to index
        %get3A_433 = arith.constant 16 : index
        %get3A_434 = tpu.vector_load %arg9[%get3A_432, %get3A_433] {strides = array<i32>} : memref<128x32xf32, #tpu.memory_space<vmem>>, vector<16xf32>,
        tpu.vector_store_idx %arg13[%select_n3A, %select_n3A_43, %broadcast_in_dim3A], %get3A_431 : memref<4x8x129xf32, #tpu.memory_space<vmem>>[vector<16xi32>, vector<16xi32>, vector<16xi32>], vector<16xf32>,
        tpu.vector_store_idx %arg13[%select_n3A_77, %select_n3A_102, %broadcast_in_dim3A], %get3A_434 : memref<4x8x129xf32, #tpu.memory_space<vmem>>[vector<16xi32>, vector<16xi32>, vector<16xi32>], vector<16xf32>,
        %scan3A_435 = arith.constant 1 : i32
        %scan3A_436 = arith.addi %scan3A_425, %scan3A_435 : i32
        %mul3A_437 = arith.constant 1 : i32
        %mul3A_438 = arith.muli %scan3A_436, %mul3A_437 : i32
        %add3A_439 = arith.constant 0 : i32
        %add3A_440 = arith.addi %add3A_439, %mul3A_438 : i32
        %broadcast_in_dim3A_441 = vector.broadcast %add3A_440 : i32 to vector<16xi32>
        %get3A_442 = arith.index_cast %add3A_440 : i32 to index
        %get3A_443 = arith.constant 0 : index
        %get3A_444 = tpu.vector_load %arg9[%get3A_442, %get3A_443] {strides = array<i32>} : memref<128x32xf32, #tpu.memory_space<vmem>>, vector<16xf32>,
        %get3A_445 = arith.index_cast %add3A_440 : i32 to index
        %get3A_446 = arith.constant 16 : index
        %get3A_447 = tpu.vector_load %arg9[%get3A_445, %get3A_446] {strides = array<i32>} : memref<128x32xf32, #tpu.memory_space<vmem>>, vector<16xf32>,
        tpu.vector_store_idx %arg13[%select_n3A, %select_n3A_43, %broadcast_in_dim3A_441], %get3A_444 : memref<4x8x129xf32, #tpu.memory_space<vmem>>[vector<16xi32>, vector<16xi32>, vector<16xi32>], vector<16xf32>,
        tpu.vector_store_idx %arg13[%select_n3A_77, %select_n3A_102, %broadcast_in_dim3A_441], %get3A_447 : memref<4x8x129xf32, #tpu.memory_space<vmem>>[vector<16xi32>, vector<16xi32>, vector<16xi32>], vector<16xf32>,
        %scan3A_448 = arith.constant 2 : i32
        %scan3A_449 = arith.addi %scan3A_425, %scan3A_448 : i32
        %mul3A_450 = arith.constant 1 : i32
        %mul3A_451 = arith.muli %scan3A_449, %mul3A_450 : i32
        %add3A_452 = arith.constant 0 : i32
        %add3A_453 = arith.addi %add3A_452, %mul3A_451 : i32
        %broadcast_in_dim3A_454 = vector.broadcast %add3A_453 : i32 to vector<16xi32>
        %get3A_455 = arith.index_cast %add3A_453 : i32 to index
        %get3A_456 = arith.constant 0 : index
        %get3A_457 = tpu.vector_load %arg9[%get3A_455, %get3A_456] {strides = array<i32>} : memref<128x32xf32, #tpu.memory_space<vmem>>, vector<16xf32>,
        %get3A_458 = arith.index_cast %add3A_453 : i32 to index
        %get3A_459 = arith.constant 16 : index
        %get3A_460 = tpu.vector_load %arg9[%get3A_458, %get3A_459] {strides = array<i32>} : memref<128x32xf32, #tpu.memory_space<vmem>>, vector<16xf32>,
        tpu.vector_store_idx %arg13[%select_n3A, %select_n3A_43, %broadcast_in_dim3A_454], %get3A_457 : memref<4x8x129xf32, #tpu.memory_space<vmem>>[vector<16xi32>, vector<16xi32>, vector<16xi32>], vector<16xf32>,
        tpu.vector_store_idx %arg13[%select_n3A_77, %select_n3A_102, %broadcast_in_dim3A_454], %get3A_460 : memref<4x8x129xf32, #tpu.memory_space<vmem>>[vector<16xi32>, vector<16xi32>, vector<16xi32>], vector<16xf32>,
        %scan3A_461 = arith.constant 3 : i32
        %scan3A_462 = arith.addi %scan3A_425, %scan3A_461 : i32
        %mul3A_463 = arith.constant 1 : i32
        %mul3A_464 = arith.muli %scan3A_462, %mul3A_463 : i32
        %add3A_465 = arith.constant 0 : i32
        %add3A_466 = arith.addi %add3A_465, %mul3A_464 : i32
        %broadcast_in_dim3A_467 = vector.broadcast %add3A_466 : i32 to vector<16xi32>
        %get3A_468 = arith.index_cast %add3A_466 : i32 to index
        %get3A_469 = arith.constant 0 : index
        %get3A_470 = tpu.vector_load %arg9[%get3A_468, %get3A_469] {strides = array<i32>} : memref<128x32xf32, #tpu.memory_space<vmem>>, vector<16xf32>,
        %get3A_471 = arith.index_cast %add3A_466 : i32 to index
        %get3A_472 = arith.constant 16 : index
        %get3A_473 = tpu.vector_load %arg9[%get3A_471, %get3A_472] {strides = array<i32>} : memref<128x32xf32, #tpu.memory_space<vmem>>, vector<16xf32>,
        tpu.vector_store_idx %arg13[%select_n3A, %select_n3A_43, %broadcast_in_dim3A_467], %get3A_470 : memref<4x8x129xf32, #tpu.memory_space<vmem>>[vector<16xi32>, vector<16xi32>, vector<16xi32>], vector<16xf32>,
        tpu.vector_store_idx %arg13[%select_n3A_77, %select_n3A_102, %broadcast_in_dim3A_467], %get3A_473 : memref<4x8x129xf32, #tpu.memory_space<vmem>>[vector<16xi32>, vector<16xi32>, vector<16xi32>], vector<16xf32>,
        %scan3A_474 = arith.constant 4 : i32
        %scan3A_475 = arith.addi %scan3A_425, %scan3A_474 : i32
        %mul3A_476 = arith.constant 1 : i32
        %mul3A_477 = arith.muli %scan3A_475, %mul3A_476 : i32
        %add3A_478 = arith.constant 0 : i32
        %add3A_479 = arith.addi %add3A_478, %mul3A_477 : i32
        %broadcast_in_dim3A_480 = vector.broadcast %add3A_479 : i32 to vector<16xi32>
        %get3A_481 = arith.index_cast %add3A_479 : i32 to index
        %get3A_482 = arith.constant 0 : index
        %get3A_483 = tpu.vector_load %arg9[%get3A_481, %get3A_482] {strides = array<i32>} : memref<128x32xf32, #tpu.memory_space<vmem>>, vector<16xf32>,
        %get3A_484 = arith.index_cast %add3A_479 : i32 to index
        %get3A_485 = arith.constant 16 : index
        %get3A_486 = tpu.vector_load %arg9[%get3A_484, %get3A_485] {strides = array<i32>} : memref<128x32xf32, #tpu.memory_space<vmem>>, vector<16xf32>,
        tpu.vector_store_idx %arg13[%select_n3A, %select_n3A_43, %broadcast_in_dim3A_480], %get3A_483 : memref<4x8x129xf32, #tpu.memory_space<vmem>>[vector<16xi32>, vector<16xi32>, vector<16xi32>], vector<16xf32>,
        tpu.vector_store_idx %arg13[%select_n3A_77, %select_n3A_102, %broadcast_in_dim3A_480], %get3A_486 : memref<4x8x129xf32, #tpu.memory_space<vmem>>[vector<16xi32>, vector<16xi32>, vector<16xi32>], vector<16xf32>,
        %scan3A_487 = arith.constant 5 : i32
        %scan3A_488 = arith.addi %scan3A_425, %scan3A_487 : i32
        %mul3A_489 = arith.constant 1 : i32
        %mul3A_490 = arith.muli %scan3A_488, %mul3A_489 : i32
        %add3A_491 = arith.constant 0 : i32
        %add3A_492 = arith.addi %add3A_491, %mul3A_490 : i32
        %broadcast_in_dim3A_493 = vector.broadcast %add3A_492 : i32 to vector<16xi32>
        %get3A_494 = arith.index_cast %add3A_492 : i32 to index
        %get3A_495 = arith.constant 0 : index
        %get3A_496 = tpu.vector_load %arg9[%get3A_494, %get3A_495] {strides = array<i32>} : memref<128x32xf32, #tpu.memory_space<vmem>>, vector<16xf32>,
        %get3A_497 = arith.index_cast %add3A_492 : i32 to index
        %get3A_498 = arith.constant 16 : index
        %get3A_499 = tpu.vector_load %arg9[%get3A_497, %get3A_498] {strides = array<i32>} : memref<128x32xf32, #tpu.memory_space<vmem>>, vector<16xf32>,
        tpu.vector_store_idx %arg13[%select_n3A, %select_n3A_43, %broadcast_in_dim3A_493], %get3A_496 : memref<4x8x129xf32, #tpu.memory_space<vmem>>[vector<16xi32>, vector<16xi32>, vector<16xi32>], vector<16xf32>,
        tpu.vector_store_idx %arg13[%select_n3A_77, %select_n3A_102, %broadcast_in_dim3A_493], %get3A_499 : memref<4x8x129xf32, #tpu.memory_space<vmem>>[vector<16xi32>, vector<16xi32>, vector<16xi32>], vector<16xf32>,
        %scan3A_500 = arith.constant 6 : i32
        %scan3A_501 = arith.addi %scan3A_425, %scan3A_500 : i32
        %mul3A_502 = arith.constant 1 : i32
        %mul3A_503 = arith.muli %scan3A_501, %mul3A_502 : i32
        %add3A_504 = arith.constant 0 : i32
        %add3A_505 = arith.addi %add3A_504, %mul3A_503 : i32
        %broadcast_in_dim3A_506 = vector.broadcast %add3A_505 : i32 to vector<16xi32>
        %get3A_507 = arith.index_cast %add3A_505 : i32 to index
        %get3A_508 = arith.constant 0 : index
        %get3A_509 = tpu.vector_load %arg9[%get3A_507, %get3A_508] {strides = array<i32>} : memref<128x32xf32, #tpu.memory_space<vmem>>, vector<16xf32>,
        %get3A_510 = arith.index_cast %add3A_505 : i32 to index
        %get3A_511 = arith.constant 16 : index
        %get3A_512 = tpu.vector_load %arg9[%get3A_510, %get3A_511] {strides = array<i32>} : memref<128x32xf32, #tpu.memory_space<vmem>>, vector<16xf32>,
        tpu.vector_store_idx %arg13[%select_n3A, %select_n3A_43, %broadcast_in_dim3A_506], %get3A_509 : memref<4x8x129xf32, #tpu.memory_space<vmem>>[vector<16xi32>, vector<16xi32>, vector<16xi32>], vector<16xf32>,
        tpu.vector_store_idx %arg13[%select_n3A_77, %select_n3A_102, %broadcast_in_dim3A_506], %get3A_512 : memref<4x8x129xf32, #tpu.memory_space<vmem>>[vector<16xi32>, vector<16xi32>, vector<16xi32>], vector<16xf32>,
        %scan3A_513 = arith.constant 7 : i32
        %scan3A_514 = arith.addi %scan3A_425, %scan3A_513 : i32
        %mul3A_515 = arith.constant 1 : i32
        %mul3A_516 = arith.muli %scan3A_514, %mul3A_515 : i32
        %add3A_517 = arith.constant 0 : i32
        %add3A_518 = arith.addi %add3A_517, %mul3A_516 : i32
        %broadcast_in_dim3A_519 = vector.broadcast %add3A_518 : i32 to vector<16xi32>
        %get3A_520 = arith.index_cast %add3A_518 : i32 to index
        %get3A_521 = arith.constant 0 : index
        %get3A_522 = tpu.vector_load %arg9[%get3A_520, %get3A_521] {strides = array<i32>} : memref<128x32xf32, #tpu.memory_space<vmem>>, vector<16xf32>,
        %get3A_523 = arith.index_cast %add3A_518 : i32 to index
        %get3A_524 = arith.constant 16 : index
        %get3A_525 = tpu.vector_load %arg9[%get3A_523, %get3A_524] {strides = array<i32>} : memref<128x32xf32, #tpu.memory_space<vmem>>, vector<16xf32>,
        tpu.vector_store_idx %arg13[%select_n3A, %select_n3A_43, %broadcast_in_dim3A_519], %get3A_522 : memref<4x8x129xf32, #tpu.memory_space<vmem>>[vector<16xi32>, vector<16xi32>, vector<16xi32>], vector<16xf32>,
        tpu.vector_store_idx %arg13[%select_n3A_77, %select_n3A_102, %broadcast_in_dim3A_519], %get3A_525 : memref<4x8x129xf32, #tpu.memory_space<vmem>>[vector<16xi32>, vector<16xi32>, vector<16xi32>], vector<16xf32>,
      }
      %scan3A_265 = arith.constant 128 : i32
      %dma_start3A_266 = arith.constant 0 : i32
      %dma_start3A_267 = arith.constant 0 : i32
      %dma_start3A_268 = arith.constant 0 : i32
      %dma_start3A_269 = tpu.memref_slice %arg13[%dma_start3A_266, %dma_start3A_267, %dma_start3A_268] : memref<4x8x129xf32, #tpu.memory_space<vmem>> -> memref<4x8x128xf32, #tpu.memory_space<vmem>>
      %dma_start3A_270 = arith.constant 0 : i32
      %dma_start3A_271 = arith.constant 0 : i32
      %dma_start3A_272 = arith.constant 0 : i32
      %dma_start3A_273 = tpu.memref_slice %arg4[%add3A_241, %dma_start3A_270, %add3A, %dma_start3A_271, %dma_start3A_272] : memref<200x4x32x8x128xf32, #tpu.memory_space<hbm>> -> memref<1x4x1x8x128xf32, #tpu.memory_space<hbm>>
      %dma_start3A_274 = tpu.memref_squeeze %dma_start3A_273 : memref<1x4x1x8x128xf32, #tpu.memory_space<hbm>> -> memref<4x8x128xf32, #tpu.memory_space<hbm>>
      %dma_start3A_275 = arith.constant 0 : i32
      %dma_start3A_276 = arith.constant 0 : i32
      %dma_start3A_277 = arith.constant 0 : i32
      %dma_start3A_278 = tpu.memref_slice %arg4[%add3A_241, %dma_start3A_275, %add3A, %dma_start3A_276, %dma_start3A_277] : memref<200x4x32x8x128xf32, #tpu.memory_space<hbm>> -> memref<1x4x1x8x128xf32, #tpu.memory_space<hbm>>
      %dma_start3A_279 = tpu.memref_squeeze %dma_start3A_278 : memref<1x4x1x8x128xf32, #tpu.memory_space<hbm>> -> memref<4x8x128xf32, #tpu.memory_space<hbm>>
      %dma_start3A_280 = arith.constant 0 : i32
      %dma_start3A_281 = arith.constant 0 : i32
      %dma_start3A_282 = arith.constant 0 : i32
      %dma_start3A_283 = tpu.memref_slice %arg13[%dma_start3A_280, %dma_start3A_281, %dma_start3A_282] : memref<4x8x129xf32, #tpu.memory_space<vmem>> -> memref<4x8x128xf32, #tpu.memory_space<vmem>>
      tpu.enqueue_dma source(%dma_start3A_283 : memref<4x8x128xf32, #tpu.memory_space<vmem>>) target(%dma_start3A_279 : memref<4x8x128xf32, #tpu.memory_space<hbm>>) target_semaphore(%arg25 : memref<!tpu.dma_semaphore, #tpu.memory_space<semaphore_mem>>)
      %add3A_284 = arith.constant 1 : i32
      %add3A_285 = arith.addi %add3A_239, %add3A_284 : i32
      %dma_wait3A_286 = arith.constant 0 : i32
      %dma_wait3A_287 = arith.constant 0 : i32
      %dma_wait3A_288 = tpu.memref_slice %arg3[%dma_wait3A_286, %dma_wait3A_287] : memref<1000000x32xf32, #tpu.memory_space<hbm>> -> memref<1000000x32xf32, #tpu.memory_space<hbm>>
      tpu.wait_indirect_dma semaphore(%arg22 : memref<!tpu.dma_semaphore, #tpu.memory_space<semaphore_mem>>) src(%dma_wait3A_288 : memref<1000000x32xf32, #tpu.memory_space<hbm>>) dst(%arg10 : memref<128x32xf32, #tpu.memory_space<vmem>>)
      %add3A_289 = arith.constant 4 : i32
      %add3A_290 = arith.addi %add3A_285, %add3A_289 : i32
      %lt3A_291 = arith.constant 200 : i32
      %lt3A_292 = arith.cmpi slt, %add3A_290, %lt3A_291 : i32
      %convert_element_type3A_293 = arith.extui %lt3A_292 : i1 to i32
      %cond3A_294 = arith.constant 0 : i32
      %cond3A_295 = arith.cmpi ne, %convert_element_type3A_293, %cond3A_294 : i32
      scf.if %cond3A_295 {
        %add3A_425 = arith.constant 4 : i32
        %add3A_426 = arith.addi %add3A_285, %add3A_425 : i32
        %jit3A_427 = arith.constant 8 : i32
        %div3A_428 = arith.divsi %add3A_426, %jit3A_427 : i32
        %sign3A_429 = arith.constant 0 : i32
        %sign3A_430 = arith.cmpi sgt, %add3A_426, %sign3A_429 : i32
        %sign3A_431 = arith.extui %sign3A_430 : i1 to i32
        %sign3A_432 = arith.constant 0 : i32
        %sign3A_433 = arith.cmpi slt, %add3A_426, %sign3A_432 : i32
        %sign3A_434 = arith.extui %sign3A_433 : i1 to i32
        %sign3A_435 = arith.subi %sign3A_431, %sign3A_434 : i32
        %sign3A_436 = arith.constant 0 : i32
        %sign3A_437 = arith.cmpi sgt, %jit3A_427, %sign3A_436 : i32
        %sign3A_438 = arith.extui %sign3A_437 : i1 to i32
        %sign3A_439 = arith.constant 0 : i32
        %sign3A_440 = arith.cmpi slt, %jit3A_427, %sign3A_439 : i32
        %sign3A_441 = arith.extui %sign3A_440 : i1 to i32
        %sign3A_442 = arith.subi %sign3A_438, %sign3A_441 : i32
        %ne3A_443 = arith.cmpi ne, %sign3A_435, %sign3A_442 : i32
        %rem3A_444 = arith.remsi %add3A_426, %jit3A_427 : i32
        %ne3A_445 = arith.constant 0 : i32
        %ne3A_446 = arith.cmpi ne, %rem3A_444, %ne3A_445 : i32
        %and3A_447 = arith.andi %ne3A_443, %ne3A_446 : i1
        %sub3A_448 = arith.constant 1 : i32
        %sub3A_449 = arith.subi %div3A_428, %sub3A_448 : i32
        %select_n3A_450 = arith.select %and3A_447, %sub3A_449, %div3A_428 : i32
        %jit3A_451 = arith.constant 8 : i32
        %eq3A_452 = arith.constant 0 : i32
        %eq3A_453 = arith.cmpi eq, %jit3A_451, %eq3A_452 : i32
        %jit3A_454 = arith.constant 1 : i32
        %select_n3A_455 = arith.select %eq3A_453, %jit3A_454, %jit3A_451 : i32
        %rem3A_456 = arith.remsi %add3A_426, %select_n3A_455 : i32
        %ne3A_457 = arith.constant 0 : i32
        %ne3A_458 = arith.cmpi ne, %rem3A_456, %ne3A_457 : i32
        %lt3A_459 = arith.constant 0 : i32
        %lt3A_460 = arith.cmpi slt, %rem3A_456, %lt3A_459 : i32
        %lt3A_461 = arith.constant 0 : i32
        %lt3A_462 = arith.cmpi slt, %select_n3A_455, %lt3A_461 : i32
        %ne3A_463 = arith.xori %lt3A_460, %lt3A_462 : i1
        %and3A_464 = arith.andi %ne3A_463, %ne3A_458 : i1
        %add3A_465 = arith.addi %rem3A_456, %select_n3A_455 : i32
        %select_n3A_466 = arith.select %and3A_464, %add3A_465, %rem3A_456 : i32
        %dma_start3A_467 = arith.constant 0 : i32
        %dma_start3A_468 = tpu.memref_slice %arg2[%select_n3A_450, %add3A, %select_n3A_466, %dma_start3A_467] : memref<25x32x8x128xi32, #tpu.memory_space<hbm>> -> memref<1x1x1x128xi32, #tpu.memory_space<hbm>>
        %dma_start3A_469 = tpu.memref_squeeze %dma_start3A_468 : memref<1x1x1x128xi32, #tpu.memory_space<hbm>> -> memref<128xi32, #tpu.memory_space<hbm>>
        %dma_start3A_470 = arith.constant 0 : i32
        %dma_start3A_471 = tpu.memref_slice %arg2[%select_n3A_450, %add3A, %select_n3A_466, %dma_start3A_470] : memref<25x32x8x128xi32, #tpu.memory_space<hbm>> -> memref<1x1x1x128xi32, #tpu.memory_space<hbm>>
        %dma_start3A_472 = tpu.memref_squeeze %dma_start3A_471 : memref<1x1x1x128xi32, #tpu.memory_space<hbm>> -> memref<128xi32, #tpu.memory_space<hbm>>
        tpu.enqueue_dma source(%dma_start3A_472 : memref<128xi32, #tpu.memory_space<hbm>>) target(%arg6 : memref<128xi32, #tpu.memory_space<vmem>>) target_semaphore(%arg18 : memref<!tpu.dma_semaphore, #tpu.memory_space<semaphore_mem>>)
      } else {
      }
      %add3A_296 = arith.constant 2 : i32
      %add3A_297 = arith.addi %add3A_285, %add3A_296 : i32
      %lt3A_298 = arith.constant 200 : i32
      %lt3A_299 = arith.cmpi slt, %add3A_297, %lt3A_298 : i32
      %convert_element_type3A_300 = arith.extui %lt3A_299 : i1 to i32
      %cond3A_301 = arith.constant 0 : i32
      %cond3A_302 = arith.cmpi ne, %convert_element_type3A_300, %cond3A_301 : i32
      scf.if %cond3A_302 {
        %add3A_425 = arith.constant 2 : i32
        %add3A_426 = arith.addi %add3A_285, %add3A_425 : i32
        %jit3A_427 = arith.constant 8 : i32
        %div3A_428 = arith.divsi %add3A_426, %jit3A_427 : i32
        %sign3A_429 = arith.constant 0 : i32
        %sign3A_430 = arith.cmpi sgt, %add3A_426, %sign3A_429 : i32
        %sign3A_431 = arith.extui %sign3A_430 : i1 to i32
        %sign3A_432 = arith.constant 0 : i32
        %sign3A_433 = arith.cmpi slt, %add3A_426, %sign3A_432 : i32
        %sign3A_434 = arith.extui %sign3A_433 : i1 to i32
        %sign3A_435 = arith.subi %sign3A_431, %sign3A_434 : i32
        %sign3A_436 = arith.constant 0 : i32
        %sign3A_437 = arith.cmpi sgt, %jit3A_427, %sign3A_436 : i32
        %sign3A_438 = arith.extui %sign3A_437 : i1 to i32
        %sign3A_439 = arith.constant 0 : i32
        %sign3A_440 = arith.cmpi slt, %jit3A_427, %sign3A_439 : i32
        %sign3A_441 = arith.extui %sign3A_440 : i1 to i32
        %sign3A_442 = arith.subi %sign3A_438, %sign3A_441 : i32
        %ne3A_443 = arith.cmpi ne, %sign3A_435, %sign3A_442 : i32
        %rem3A_444 = arith.remsi %add3A_426, %jit3A_427 : i32
        %ne3A_445 = arith.constant 0 : i32
        %ne3A_446 = arith.cmpi ne, %rem3A_444, %ne3A_445 : i32
        %and3A_447 = arith.andi %ne3A_443, %ne3A_446 : i1
        %sub3A_448 = arith.constant 1 : i32
        %sub3A_449 = arith.subi %div3A_428, %sub3A_448 : i32
        %select_n3A_450 = arith.select %and3A_447, %sub3A_449, %div3A_428 : i32
        %jit3A_451 = arith.constant 8 : i32
        %eq3A_452 = arith.constant 0 : i32
        %eq3A_453 = arith.cmpi eq, %jit3A_451, %eq3A_452 : i32
        %jit3A_454 = arith.constant 1 : i32
        %select_n3A_455 = arith.select %eq3A_453, %jit3A_454, %jit3A_451 : i32
        %rem3A_456 = arith.remsi %add3A_426, %select_n3A_455 : i32
        %ne3A_457 = arith.constant 0 : i32
        %ne3A_458 = arith.cmpi ne, %rem3A_456, %ne3A_457 : i32
        %lt3A_459 = arith.constant 0 : i32
        %lt3A_460 = arith.cmpi slt, %rem3A_456, %lt3A_459 : i32
        %lt3A_461 = arith.constant 0 : i32
        %lt3A_462 = arith.cmpi slt, %select_n3A_455, %lt3A_461 : i32
        %ne3A_463 = arith.xori %lt3A_460, %lt3A_462 : i1
        %and3A_464 = arith.andi %ne3A_463, %ne3A_458 : i1
        %add3A_465 = arith.addi %rem3A_456, %select_n3A_455 : i32
        %select_n3A_466 = arith.select %and3A_464, %add3A_465, %rem3A_456 : i32
        %dma_wait3A_467 = arith.constant 0 : i32
        %dma_wait3A_468 = tpu.memref_slice %arg2[%select_n3A_450, %add3A, %select_n3A_466, %dma_wait3A_467] : memref<25x32x8x128xi32, #tpu.memory_space<hbm>> -> memref<1x1x1x128xi32, #tpu.memory_space<hbm>>
        %dma_wait3A_469 = tpu.memref_squeeze %dma_wait3A_468 : memref<1x1x1x128xi32, #tpu.memory_space<hbm>> -> memref<128xi32, #tpu.memory_space<hbm>>
        %dma_wait3A_470 = arith.constant 0 : i32
        %dma_wait3A_471 = tpu.memref_slice %arg2[%select_n3A_450, %add3A, %select_n3A_466, %dma_wait3A_470] : memref<25x32x8x128xi32, #tpu.memory_space<hbm>> -> memref<1x1x1x128xi32, #tpu.memory_space<hbm>>
        %dma_wait3A_472 = tpu.memref_squeeze %dma_wait3A_471 : memref<1x1x1x128xi32, #tpu.memory_space<hbm>> -> memref<128xi32, #tpu.memory_space<hbm>>
        tpu.wait_dma2 semaphore(%arg20 : memref<!tpu.dma_semaphore, #tpu.memory_space<semaphore_mem>>) src(%dma_wait3A_472 : memref<128xi32, #tpu.memory_space<hbm>>) dst(%arg8 : memref<128xi32, #tpu.memory_space<vmem>>)
        %dma_start3A_473 = arith.constant 0 : i32
        %dma_start3A_474 = arith.constant 0 : i32
        %dma_start3A_475 = tpu.memref_slice %arg3[%dma_start3A_473, %dma_start3A_474] : memref<1000000x32xf32, #tpu.memory_space<hbm>> -> memref<1000000x32xf32, #tpu.memory_space<hbm>>
        tpu.enqueue_indirect_dma source(%dma_start3A_475 : memref<1000000x32xf32, #tpu.memory_space<hbm>>) target(%arg12 : memref<128x32xf32, #tpu.memory_space<vmem>>) offsets(%arg8 : memref<128xi32, #tpu.memory_space<vmem>>) semaphore(%arg24 : memref<!tpu.dma_semaphore, #tpu.memory_space<semaphore_mem>>)
      } else {
      }
      %ge3A_303 = arith.constant 4 : i32
      %ge3A_304 = arith.cmpi sge, %add3A_285, %ge3A_303 : i32
      %convert_element_type3A_305 = arith.extui %ge3A_304 : i1 to i32
      %cond3A_306 = arith.constant 0 : i32
      %cond3A_307 = arith.cmpi ne, %convert_element_type3A_305, %cond3A_306 : i32
      scf.if %cond3A_307 {
        %dma_wait3A_425 = arith.constant 0 : i32
        %dma_wait3A_426 = arith.constant 0 : i32
        %dma_wait3A_427 = arith.constant 0 : i32
        %dma_wait3A_428 = tpu.memref_slice %arg14[%dma_wait3A_425, %dma_wait3A_426, %dma_wait3A_427] : memref<4x8x129xf32, #tpu.memory_space<vmem>> -> memref<4x8x128xf32, #tpu.memory_space<vmem>>
        %dma_wait3A_429 = arith.constant 0 : i32
        %dma_wait3A_430 = arith.constant 0 : i32
        %dma_wait3A_431 = arith.constant 0 : i32
        %dma_wait3A_432 = tpu.memref_slice %arg4[%add3A_285, %dma_wait3A_429, %add3A, %dma_wait3A_430, %dma_wait3A_431] : memref<200x4x32x8x128xf32, #tpu.memory_space<hbm>> -> memref<1x4x1x8x128xf32, #tpu.memory_space<hbm>>
        %dma_wait3A_433 = tpu.memref_squeeze %dma_wait3A_432 : memref<1x4x1x8x128xf32, #tpu.memory_space<hbm>> -> memref<4x8x128xf32, #tpu.memory_space<hbm>>
        %dma_wait3A_434 = arith.constant 0 : i32
        %dma_wait3A_435 = arith.constant 0 : i32
        %dma_wait3A_436 = arith.constant 0 : i32
        %dma_wait3A_437 = tpu.memref_slice %arg4[%add3A_285, %dma_wait3A_434, %add3A, %dma_wait3A_435, %dma_wait3A_436] : memref<200x4x32x8x128xf32, #tpu.memory_space<hbm>> -> memref<1x4x1x8x128xf32, #tpu.memory_space<hbm>>
        %dma_wait3A_438 = tpu.memref_squeeze %dma_wait3A_437 : memref<1x4x1x8x128xf32, #tpu.memory_space<hbm>> -> memref<4x8x128xf32, #tpu.memory_space<hbm>>
        %dma_wait3A_439 = arith.constant 0 : i32
        %dma_wait3A_440 = arith.constant 0 : i32
        %dma_wait3A_441 = arith.constant 0 : i32
        %dma_wait3A_442 = tpu.memref_slice %arg14[%dma_wait3A_439, %dma_wait3A_440, %dma_wait3A_441] : memref<4x8x129xf32, #tpu.memory_space<vmem>> -> memref<4x8x128xf32, #tpu.memory_space<vmem>>
        tpu.wait_dma2 semaphore(%arg26 : memref<!tpu.dma_semaphore, #tpu.memory_space<semaphore_mem>>) src(%dma_wait3A_442 : memref<4x8x128xf32, #tpu.memory_space<vmem>>) dst(%dma_wait3A_438 : memref<4x8x128xf32, #tpu.memory_space<hbm>>)
      } else {
      }
      %scan3A_308 = arith.constant 0 : i32
      %scan3A_309 = arith.constant 128 : i32
      %scan3A_310 = arith.addi %scan3A_308, %scan3A_309 : i32
      %scan3A_311 = arith.constant 8 : i32
      scf.for %scan3A_425 = %scan3A_308 to %scan3A_310 step %scan3A_311  : i32 {
        %mul3A_426 = arith.constant 1 : i32
        %mul3A_427 = arith.muli %scan3A_425, %mul3A_426 : i32
        %add3A_428 = arith.constant 0 : i32
        %add3A_429 = arith.addi %add3A_428, %mul3A_427 : i32
        %broadcast_in_dim3A = vector.broadcast %add3A_429 : i32 to vector<16xi32>
        %get3A = arith.index_cast %add3A_429 : i32 to index
        %get3A_430 = arith.constant 0 : index
        %get3A_431 = tpu.vector_load %arg10[%get3A, %get3A_430] {strides = array<i32>} : memref<128x32xf32, #tpu.memory_space<vmem>>, vector<16xf32>,
        %get3A_432 = arith.index_cast %add3A_429 : i32 to index
        %get3A_433 = arith.constant 16 : index
        %get3A_434 = tpu.vector_load %arg10[%get3A_432, %get3A_433] {strides = array<i32>} : memref<128x32xf32, #tpu.memory_space<vmem>>, vector<16xf32>,
        tpu.vector_store_idx %arg14[%select_n3A, %select_n3A_43, %broadcast_in_dim3A], %get3A_431 : memref<4x8x129xf32, #tpu.memory_space<vmem>>[vector<16xi32>, vector<16xi32>, vector<16xi32>], vector<16xf32>,
        tpu.vector_store_idx %arg14[%select_n3A_77, %select_n3A_102, %broadcast_in_dim3A], %get3A_434 : memref<4x8x129xf32, #tpu.memory_space<vmem>>[vector<16xi32>, vector<16xi32>, vector<16xi32>], vector<16xf32>,
        %scan3A_435 = arith.constant 1 : i32
        %scan3A_436 = arith.addi %scan3A_425, %scan3A_435 : i32
        %mul3A_437 = arith.constant 1 : i32
        %mul3A_438 = arith.muli %scan3A_436, %mul3A_437 : i32
        %add3A_439 = arith.constant 0 : i32
        %add3A_440 = arith.addi %add3A_439, %mul3A_438 : i32
        %broadcast_in_dim3A_441 = vector.broadcast %add3A_440 : i32 to vector<16xi32>
        %get3A_442 = arith.index_cast %add3A_440 : i32 to index
        %get3A_443 = arith.constant 0 : index
        %get3A_444 = tpu.vector_load %arg10[%get3A_442, %get3A_443] {strides = array<i32>} : memref<128x32xf32, #tpu.memory_space<vmem>>, vector<16xf32>,
        %get3A_445 = arith.index_cast %add3A_440 : i32 to index
        %get3A_446 = arith.constant 16 : index
        %get3A_447 = tpu.vector_load %arg10[%get3A_445, %get3A_446] {strides = array<i32>} : memref<128x32xf32, #tpu.memory_space<vmem>>, vector<16xf32>,
        tpu.vector_store_idx %arg14[%select_n3A, %select_n3A_43, %broadcast_in_dim3A_441], %get3A_444 : memref<4x8x129xf32, #tpu.memory_space<vmem>>[vector<16xi32>, vector<16xi32>, vector<16xi32>], vector<16xf32>,
        tpu.vector_store_idx %arg14[%select_n3A_77, %select_n3A_102, %broadcast_in_dim3A_441], %get3A_447 : memref<4x8x129xf32, #tpu.memory_space<vmem>>[vector<16xi32>, vector<16xi32>, vector<16xi32>], vector<16xf32>,
        %scan3A_448 = arith.constant 2 : i32
        %scan3A_449 = arith.addi %scan3A_425, %scan3A_448 : i32
        %mul3A_450 = arith.constant 1 : i32
        %mul3A_451 = arith.muli %scan3A_449, %mul3A_450 : i32
        %add3A_452 = arith.constant 0 : i32
        %add3A_453 = arith.addi %add3A_452, %mul3A_451 : i32
        %broadcast_in_dim3A_454 = vector.broadcast %add3A_453 : i32 to vector<16xi32>
        %get3A_455 = arith.index_cast %add3A_453 : i32 to index
        %get3A_456 = arith.constant 0 : index
        %get3A_457 = tpu.vector_load %arg10[%get3A_455, %get3A_456] {strides = array<i32>} : memref<128x32xf32, #tpu.memory_space<vmem>>, vector<16xf32>,
        %get3A_458 = arith.index_cast %add3A_453 : i32 to index
        %get3A_459 = arith.constant 16 : index
        %get3A_460 = tpu.vector_load %arg10[%get3A_458, %get3A_459] {strides = array<i32>} : memref<128x32xf32, #tpu.memory_space<vmem>>, vector<16xf32>,
        tpu.vector_store_idx %arg14[%select_n3A, %select_n3A_43, %broadcast_in_dim3A_454], %get3A_457 : memref<4x8x129xf32, #tpu.memory_space<vmem>>[vector<16xi32>, vector<16xi32>, vector<16xi32>], vector<16xf32>,
        tpu.vector_store_idx %arg14[%select_n3A_77, %select_n3A_102, %broadcast_in_dim3A_454], %get3A_460 : memref<4x8x129xf32, #tpu.memory_space<vmem>>[vector<16xi32>, vector<16xi32>, vector<16xi32>], vector<16xf32>,
        %scan3A_461 = arith.constant 3 : i32
        %scan3A_462 = arith.addi %scan3A_425, %scan3A_461 : i32
        %mul3A_463 = arith.constant 1 : i32
        %mul3A_464 = arith.muli %scan3A_462, %mul3A_463 : i32
        %add3A_465 = arith.constant 0 : i32
        %add3A_466 = arith.addi %add3A_465, %mul3A_464 : i32
        %broadcast_in_dim3A_467 = vector.broadcast %add3A_466 : i32 to vector<16xi32>
        %get3A_468 = arith.index_cast %add3A_466 : i32 to index
        %get3A_469 = arith.constant 0 : index
        %get3A_470 = tpu.vector_load %arg10[%get3A_468, %get3A_469] {strides = array<i32>} : memref<128x32xf32, #tpu.memory_space<vmem>>, vector<16xf32>,
        %get3A_471 = arith.index_cast %add3A_466 : i32 to index
        %get3A_472 = arith.constant 16 : index
        %get3A_473 = tpu.vector_load %arg10[%get3A_471, %get3A_472] {strides = array<i32>} : memref<128x32xf32, #tpu.memory_space<vmem>>, vector<16xf32>,
        tpu.vector_store_idx %arg14[%select_n3A, %select_n3A_43, %broadcast_in_dim3A_467], %get3A_470 : memref<4x8x129xf32, #tpu.memory_space<vmem>>[vector<16xi32>, vector<16xi32>, vector<16xi32>], vector<16xf32>,
        tpu.vector_store_idx %arg14[%select_n3A_77, %select_n3A_102, %broadcast_in_dim3A_467], %get3A_473 : memref<4x8x129xf32, #tpu.memory_space<vmem>>[vector<16xi32>, vector<16xi32>, vector<16xi32>], vector<16xf32>,
        %scan3A_474 = arith.constant 4 : i32
        %scan3A_475 = arith.addi %scan3A_425, %scan3A_474 : i32
        %mul3A_476 = arith.constant 1 : i32
        %mul3A_477 = arith.muli %scan3A_475, %mul3A_476 : i32
        %add3A_478 = arith.constant 0 : i32
        %add3A_479 = arith.addi %add3A_478, %mul3A_477 : i32
        %broadcast_in_dim3A_480 = vector.broadcast %add3A_479 : i32 to vector<16xi32>
        %get3A_481 = arith.index_cast %add3A_479 : i32 to index
        %get3A_482 = arith.constant 0 : index
        %get3A_483 = tpu.vector_load %arg10[%get3A_481, %get3A_482] {strides = array<i32>} : memref<128x32xf32, #tpu.memory_space<vmem>>, vector<16xf32>,
        %get3A_484 = arith.index_cast %add3A_479 : i32 to index
        %get3A_485 = arith.constant 16 : index
        %get3A_486 = tpu.vector_load %arg10[%get3A_484, %get3A_485] {strides = array<i32>} : memref<128x32xf32, #tpu.memory_space<vmem>>, vector<16xf32>,
        tpu.vector_store_idx %arg14[%select_n3A, %select_n3A_43, %broadcast_in_dim3A_480], %get3A_483 : memref<4x8x129xf32, #tpu.memory_space<vmem>>[vector<16xi32>, vector<16xi32>, vector<16xi32>], vector<16xf32>,
        tpu.vector_store_idx %arg14[%select_n3A_77, %select_n3A_102, %broadcast_in_dim3A_480], %get3A_486 : memref<4x8x129xf32, #tpu.memory_space<vmem>>[vector<16xi32>, vector<16xi32>, vector<16xi32>], vector<16xf32>,
        %scan3A_487 = arith.constant 5 : i32
        %scan3A_488 = arith.addi %scan3A_425, %scan3A_487 : i32
        %mul3A_489 = arith.constant 1 : i32
        %mul3A_490 = arith.muli %scan3A_488, %mul3A_489 : i32
        %add3A_491 = arith.constant 0 : i32
        %add3A_492 = arith.addi %add3A_491, %mul3A_490 : i32
        %broadcast_in_dim3A_493 = vector.broadcast %add3A_492 : i32 to vector<16xi32>
        %get3A_494 = arith.index_cast %add3A_492 : i32 to index
        %get3A_495 = arith.constant 0 : index
        %get3A_496 = tpu.vector_load %arg10[%get3A_494, %get3A_495] {strides = array<i32>} : memref<128x32xf32, #tpu.memory_space<vmem>>, vector<16xf32>,
        %get3A_497 = arith.index_cast %add3A_492 : i32 to index
        %get3A_498 = arith.constant 16 : index
        %get3A_499 = tpu.vector_load %arg10[%get3A_497, %get3A_498] {strides = array<i32>} : memref<128x32xf32, #tpu.memory_space<vmem>>, vector<16xf32>,
        tpu.vector_store_idx %arg14[%select_n3A, %select_n3A_43, %broadcast_in_dim3A_493], %get3A_496 : memref<4x8x129xf32, #tpu.memory_space<vmem>>[vector<16xi32>, vector<16xi32>, vector<16xi32>], vector<16xf32>,
        tpu.vector_store_idx %arg14[%select_n3A_77, %select_n3A_102, %broadcast_in_dim3A_493], %get3A_499 : memref<4x8x129xf32, #tpu.memory_space<vmem>>[vector<16xi32>, vector<16xi32>, vector<16xi32>], vector<16xf32>,
        %scan3A_500 = arith.constant 6 : i32
        %scan3A_501 = arith.addi %scan3A_425, %scan3A_500 : i32
        %mul3A_502 = arith.constant 1 : i32
        %mul3A_503 = arith.muli %scan3A_501, %mul3A_502 : i32
        %add3A_504 = arith.constant 0 : i32
        %add3A_505 = arith.addi %add3A_504, %mul3A_503 : i32
        %broadcast_in_dim3A_506 = vector.broadcast %add3A_505 : i32 to vector<16xi32>
        %get3A_507 = arith.index_cast %add3A_505 : i32 to index
        %get3A_508 = arith.constant 0 : index
        %get3A_509 = tpu.vector_load %arg10[%get3A_507, %get3A_508] {strides = array<i32>} : memref<128x32xf32, #tpu.memory_space<vmem>>, vector<16xf32>,
        %get3A_510 = arith.index_cast %add3A_505 : i32 to index
        %get3A_511 = arith.constant 16 : index
        %get3A_512 = tpu.vector_load %arg10[%get3A_510, %get3A_511] {strides = array<i32>} : memref<128x32xf32, #tpu.memory_space<vmem>>, vector<16xf32>,
        tpu.vector_store_idx %arg14[%select_n3A, %select_n3A_43, %broadcast_in_dim3A_506], %get3A_509 : memref<4x8x129xf32, #tpu.memory_space<vmem>>[vector<16xi32>, vector<16xi32>, vector<16xi32>], vector<16xf32>,
        tpu.vector_store_idx %arg14[%select_n3A_77, %select_n3A_102, %broadcast_in_dim3A_506], %get3A_512 : memref<4x8x129xf32, #tpu.memory_space<vmem>>[vector<16xi32>, vector<16xi32>, vector<16xi32>], vector<16xf32>,
        %scan3A_513 = arith.constant 7 : i32
        %scan3A_514 = arith.addi %scan3A_425, %scan3A_513 : i32
        %mul3A_515 = arith.constant 1 : i32
        %mul3A_516 = arith.muli %scan3A_514, %mul3A_515 : i32
        %add3A_517 = arith.constant 0 : i32
        %add3A_518 = arith.addi %add3A_517, %mul3A_516 : i32
        %broadcast_in_dim3A_519 = vector.broadcast %add3A_518 : i32 to vector<16xi32>
        %get3A_520 = arith.index_cast %add3A_518 : i32 to index
        %get3A_521 = arith.constant 0 : index
        %get3A_522 = tpu.vector_load %arg10[%get3A_520, %get3A_521] {strides = array<i32>} : memref<128x32xf32, #tpu.memory_space<vmem>>, vector<16xf32>,
        %get3A_523 = arith.index_cast %add3A_518 : i32 to index
        %get3A_524 = arith.constant 16 : index
        %get3A_525 = tpu.vector_load %arg10[%get3A_523, %get3A_524] {strides = array<i32>} : memref<128x32xf32, #tpu.memory_space<vmem>>, vector<16xf32>,
        tpu.vector_store_idx %arg14[%select_n3A, %select_n3A_43, %broadcast_in_dim3A_519], %get3A_522 : memref<4x8x129xf32, #tpu.memory_space<vmem>>[vector<16xi32>, vector<16xi32>, vector<16xi32>], vector<16xf32>,
        tpu.vector_store_idx %arg14[%select_n3A_77, %select_n3A_102, %broadcast_in_dim3A_519], %get3A_525 : memref<4x8x129xf32, #tpu.memory_space<vmem>>[vector<16xi32>, vector<16xi32>, vector<16xi32>], vector<16xf32>,
      }
      %scan3A_312 = arith.constant 128 : i32
      %dma_start3A_313 = arith.constant 0 : i32
      %dma_start3A_314 = arith.constant 0 : i32
      %dma_start3A_315 = arith.constant 0 : i32
      %dma_start3A_316 = tpu.memref_slice %arg14[%dma_start3A_313, %dma_start3A_314, %dma_start3A_315] : memref<4x8x129xf32, #tpu.memory_space<vmem>> -> memref<4x8x128xf32, #tpu.memory_space<vmem>>
      %dma_start3A_317 = arith.constant 0 : i32
      %dma_start3A_318 = arith.constant 0 : i32
      %dma_start3A_319 = arith.constant 0 : i32
      %dma_start3A_320 = tpu.memref_slice %arg4[%add3A_285, %dma_start3A_317, %add3A, %dma_start3A_318, %dma_start3A_319] : memref<200x4x32x8x128xf32, #tpu.memory_space<hbm>> -> memref<1x4x1x8x128xf32, #tpu.memory_space<hbm>>
      %dma_start3A_321 = tpu.memref_squeeze %dma_start3A_320 : memref<1x4x1x8x128xf32, #tpu.memory_space<hbm>> -> memref<4x8x128xf32, #tpu.memory_space<hbm>>
      %dma_start3A_322 = arith.constant 0 : i32
      %dma_start3A_323 = arith.constant 0 : i32
      %dma_start3A_324 = arith.constant 0 : i32
      %dma_start3A_325 = tpu.memref_slice %arg4[%add3A_285, %dma_start3A_322, %add3A, %dma_start3A_323, %dma_start3A_324] : memref<200x4x32x8x128xf32, #tpu.memory_space<hbm>> -> memref<1x4x1x8x128xf32, #tpu.memory_space<hbm>>
      %dma_start3A_326 = tpu.memref_squeeze %dma_start3A_325 : memref<1x4x1x8x128xf32, #tpu.memory_space<hbm>> -> memref<4x8x128xf32, #tpu.memory_space<hbm>>
      %dma_start3A_327 = arith.constant 0 : i32
      %dma_start3A_328 = arith.constant 0 : i32
      %dma_start3A_329 = arith.constant 0 : i32
      %dma_start3A_330 = tpu.memref_slice %arg14[%dma_start3A_327, %dma_start3A_328, %dma_start3A_329] : memref<4x8x129xf32, #tpu.memory_space<vmem>> -> memref<4x8x128xf32, #tpu.memory_space<vmem>>
      tpu.enqueue_dma source(%dma_start3A_330 : memref<4x8x128xf32, #tpu.memory_space<vmem>>) target(%dma_start3A_326 : memref<4x8x128xf32, #tpu.memory_space<hbm>>) target_semaphore(%arg26 : memref<!tpu.dma_semaphore, #tpu.memory_space<semaphore_mem>>)
      %add3A_331 = arith.constant 2 : i32
      %add3A_332 = arith.addi %add3A_239, %add3A_331 : i32
      %dma_wait3A_333 = arith.constant 0 : i32
      %dma_wait3A_334 = arith.constant 0 : i32
      %dma_wait3A_335 = tpu.memref_slice %arg3[%dma_wait3A_333, %dma_wait3A_334] : memref<1000000x32xf32, #tpu.memory_space<hbm>> -> memref<1000000x32xf32, #tpu.memory_space<hbm>>
      tpu.wait_indirect_dma semaphore(%arg23 : memref<!tpu.dma_semaphore, #tpu.memory_space<semaphore_mem>>) src(%dma_wait3A_335 : memref<1000000x32xf32, #tpu.memory_space<hbm>>) dst(%arg11 : memref<128x32xf32, #tpu.memory_space<vmem>>)
      %add3A_336 = arith.constant 4 : i32
      %add3A_337 = arith.addi %add3A_332, %add3A_336 : i32
      %lt3A_338 = arith.constant 200 : i32
      %lt3A_339 = arith.cmpi slt, %add3A_337, %lt3A_338 : i32
      %convert_element_type3A_340 = arith.extui %lt3A_339 : i1 to i32
      %cond3A_341 = arith.constant 0 : i32
      %cond3A_342 = arith.cmpi ne, %convert_element_type3A_340, %cond3A_341 : i32
      scf.if %cond3A_342 {
        %add3A_425 = arith.constant 4 : i32
        %add3A_426 = arith.addi %add3A_332, %add3A_425 : i32
        %jit3A_427 = arith.constant 8 : i32
        %div3A_428 = arith.divsi %add3A_426, %jit3A_427 : i32
        %sign3A_429 = arith.constant 0 : i32
        %sign3A_430 = arith.cmpi sgt, %add3A_426, %sign3A_429 : i32
        %sign3A_431 = arith.extui %sign3A_430 : i1 to i32
        %sign3A_432 = arith.constant 0 : i32
        %sign3A_433 = arith.cmpi slt, %add3A_426, %sign3A_432 : i32
        %sign3A_434 = arith.extui %sign3A_433 : i1 to i32
        %sign3A_435 = arith.subi %sign3A_431, %sign3A_434 : i32
        %sign3A_436 = arith.constant 0 : i32
        %sign3A_437 = arith.cmpi sgt, %jit3A_427, %sign3A_436 : i32
        %sign3A_438 = arith.extui %sign3A_437 : i1 to i32
        %sign3A_439 = arith.constant 0 : i32
        %sign3A_440 = arith.cmpi slt, %jit3A_427, %sign3A_439 : i32
        %sign3A_441 = arith.extui %sign3A_440 : i1 to i32
        %sign3A_442 = arith.subi %sign3A_438, %sign3A_441 : i32
        %ne3A_443 = arith.cmpi ne, %sign3A_435, %sign3A_442 : i32
        %rem3A_444 = arith.remsi %add3A_426, %jit3A_427 : i32
        %ne3A_445 = arith.constant 0 : i32
        %ne3A_446 = arith.cmpi ne, %rem3A_444, %ne3A_445 : i32
        %and3A_447 = arith.andi %ne3A_443, %ne3A_446 : i1
        %sub3A_448 = arith.constant 1 : i32
        %sub3A_449 = arith.subi %div3A_428, %sub3A_448 : i32
        %select_n3A_450 = arith.select %and3A_447, %sub3A_449, %div3A_428 : i32
        %jit3A_451 = arith.constant 8 : i32
        %eq3A_452 = arith.constant 0 : i32
        %eq3A_453 = arith.cmpi eq, %jit3A_451, %eq3A_452 : i32
        %jit3A_454 = arith.constant 1 : i32
        %select_n3A_455 = arith.select %eq3A_453, %jit3A_454, %jit3A_451 : i32
        %rem3A_456 = arith.remsi %add3A_426, %select_n3A_455 : i32
        %ne3A_457 = arith.constant 0 : i32
        %ne3A_458 = arith.cmpi ne, %rem3A_456, %ne3A_457 : i32
        %lt3A_459 = arith.constant 0 : i32
        %lt3A_460 = arith.cmpi slt, %rem3A_456, %lt3A_459 : i32
        %lt3A_461 = arith.constant 0 : i32
        %lt3A_462 = arith.cmpi slt, %select_n3A_455, %lt3A_461 : i32
        %ne3A_463 = arith.xori %lt3A_460, %lt3A_462 : i1
        %and3A_464 = arith.andi %ne3A_463, %ne3A_458 : i1
        %add3A_465 = arith.addi %rem3A_456, %select_n3A_455 : i32
        %select_n3A_466 = arith.select %and3A_464, %add3A_465, %rem3A_456 : i32
        %dma_start3A_467 = arith.constant 0 : i32
        %dma_start3A_468 = tpu.memref_slice %arg2[%select_n3A_450, %add3A, %select_n3A_466, %dma_start3A_467] : memref<25x32x8x128xi32, #tpu.memory_space<hbm>> -> memref<1x1x1x128xi32, #tpu.memory_space<hbm>>
        %dma_start3A_469 = tpu.memref_squeeze %dma_start3A_468 : memref<1x1x1x128xi32, #tpu.memory_space<hbm>> -> memref<128xi32, #tpu.memory_space<hbm>>
        %dma_start3A_470 = arith.constant 0 : i32
        %dma_start3A_471 = tpu.memref_slice %arg2[%select_n3A_450, %add3A, %select_n3A_466, %dma_start3A_470] : memref<25x32x8x128xi32, #tpu.memory_space<hbm>> -> memref<1x1x1x128xi32, #tpu.memory_space<hbm>>
        %dma_start3A_472 = tpu.memref_squeeze %dma_start3A_471 : memref<1x1x1x128xi32, #tpu.memory_space<hbm>> -> memref<128xi32, #tpu.memory_space<hbm>>
        tpu.enqueue_dma source(%dma_start3A_472 : memref<128xi32, #tpu.memory_space<hbm>>) target(%arg7 : memref<128xi32, #tpu.memory_space<vmem>>) target_semaphore(%arg19 : memref<!tpu.dma_semaphore, #tpu.memory_space<semaphore_mem>>)
      } else {
      }
      %add3A_343 = arith.constant 2 : i32
      %add3A_344 = arith.addi %add3A_332, %add3A_343 : i32
      %lt3A_345 = arith.constant 200 : i32
      %lt3A_346 = arith.cmpi slt, %add3A_344, %lt3A_345 : i32
      %convert_element_type3A_347 = arith.extui %lt3A_346 : i1 to i32
      %cond3A_348 = arith.constant 0 : i32
      %cond3A_349 = arith.cmpi ne, %convert_element_type3A_347, %cond3A_348 : i32
      scf.if %cond3A_349 {
        %add3A_425 = arith.constant 2 : i32
        %add3A_426 = arith.addi %add3A_332, %add3A_425 : i32
        %jit3A_427 = arith.constant 8 : i32
        %div3A_428 = arith.divsi %add3A_426, %jit3A_427 : i32
        %sign3A_429 = arith.constant 0 : i32
        %sign3A_430 = arith.cmpi sgt, %add3A_426, %sign3A_429 : i32
        %sign3A_431 = arith.extui %sign3A_430 : i1 to i32
        %sign3A_432 = arith.constant 0 : i32
        %sign3A_433 = arith.cmpi slt, %add3A_426, %sign3A_432 : i32
        %sign3A_434 = arith.extui %sign3A_433 : i1 to i32
        %sign3A_435 = arith.subi %sign3A_431, %sign3A_434 : i32
        %sign3A_436 = arith.constant 0 : i32
        %sign3A_437 = arith.cmpi sgt, %jit3A_427, %sign3A_436 : i32
        %sign3A_438 = arith.extui %sign3A_437 : i1 to i32
        %sign3A_439 = arith.constant 0 : i32
        %sign3A_440 = arith.cmpi slt, %jit3A_427, %sign3A_439 : i32
        %sign3A_441 = arith.extui %sign3A_440 : i1 to i32
        %sign3A_442 = arith.subi %sign3A_438, %sign3A_441 : i32
        %ne3A_443 = arith.cmpi ne, %sign3A_435, %sign3A_442 : i32
        %rem3A_444 = arith.remsi %add3A_426, %jit3A_427 : i32
        %ne3A_445 = arith.constant 0 : i32
        %ne3A_446 = arith.cmpi ne, %rem3A_444, %ne3A_445 : i32
        %and3A_447 = arith.andi %ne3A_443, %ne3A_446 : i1
        %sub3A_448 = arith.constant 1 : i32
        %sub3A_449 = arith.subi %div3A_428, %sub3A_448 : i32
        %select_n3A_450 = arith.select %and3A_447, %sub3A_449, %div3A_428 : i32
        %jit3A_451 = arith.constant 8 : i32
        %eq3A_452 = arith.constant 0 : i32
        %eq3A_453 = arith.cmpi eq, %jit3A_451, %eq3A_452 : i32
        %jit3A_454 = arith.constant 1 : i32
        %select_n3A_455 = arith.select %eq3A_453, %jit3A_454, %jit3A_451 : i32
        %rem3A_456 = arith.remsi %add3A_426, %select_n3A_455 : i32
        %ne3A_457 = arith.constant 0 : i32
        %ne3A_458 = arith.cmpi ne, %rem3A_456, %ne3A_457 : i32
        %lt3A_459 = arith.constant 0 : i32
        %lt3A_460 = arith.cmpi slt, %rem3A_456, %lt3A_459 : i32
        %lt3A_461 = arith.constant 0 : i32
        %lt3A_462 = arith.cmpi slt, %select_n3A_455, %lt3A_461 : i32
        %ne3A_463 = arith.xori %lt3A_460, %lt3A_462 : i1
        %and3A_464 = arith.andi %ne3A_463, %ne3A_458 : i1
        %add3A_465 = arith.addi %rem3A_456, %select_n3A_455 : i32
        %select_n3A_466 = arith.select %and3A_464, %add3A_465, %rem3A_456 : i32
        %dma_wait3A_467 = arith.constant 0 : i32
        %dma_wait3A_468 = tpu.memref_slice %arg2[%select_n3A_450, %add3A, %select_n3A_466, %dma_wait3A_467] : memref<25x32x8x128xi32, #tpu.memory_space<hbm>> -> memref<1x1x1x128xi32, #tpu.memory_space<hbm>>
        %dma_wait3A_469 = tpu.memref_squeeze %dma_wait3A_468 : memref<1x1x1x128xi32, #tpu.memory_space<hbm>> -> memref<128xi32, #tpu.memory_space<hbm>>
        %dma_wait3A_470 = arith.constant 0 : i32
        %dma_wait3A_471 = tpu.memref_slice %arg2[%select_n3A_450, %add3A, %select_n3A_466, %dma_wait3A_470] : memref<25x32x8x128xi32, #tpu.memory_space<hbm>> -> memref<1x1x1x128xi32, #tpu.memory_space<hbm>>
        %dma_wait3A_472 = tpu.memref_squeeze %dma_wait3A_471 : memref<1x1x1x128xi32, #tpu.memory_space<hbm>> -> memref<128xi32, #tpu.memory_space<hbm>>
        tpu.wait_dma2 semaphore(%arg17 : memref<!tpu.dma_semaphore, #tpu.memory_space<semaphore_mem>>) src(%dma_wait3A_472 : memref<128xi32, #tpu.memory_space<hbm>>) dst(%arg5 : memref<128xi32, #tpu.memory_space<vmem>>)
        %dma_start3A_473 = arith.constant 0 : i32
        %dma_start3A_474 = arith.constant 0 : i32
        %dma_start3A_475 = tpu.memref_slice %arg3[%dma_start3A_473, %dma_start3A_474] : memref<1000000x32xf32, #tpu.memory_space<hbm>> -> memref<1000000x32xf32, #tpu.memory_space<hbm>>
        tpu.enqueue_indirect_dma source(%dma_start3A_475 : memref<1000000x32xf32, #tpu.memory_space<hbm>>) target(%arg9 : memref<128x32xf32, #tpu.memory_space<vmem>>) offsets(%arg5 : memref<128xi32, #tpu.memory_space<vmem>>) semaphore(%arg21 : memref<!tpu.dma_semaphore, #tpu.memory_space<semaphore_mem>>)
      } else {
      }
      %ge3A_350 = arith.constant 4 : i32
      %ge3A_351 = arith.cmpi sge, %add3A_332, %ge3A_350 : i32
      %convert_element_type3A_352 = arith.extui %ge3A_351 : i1 to i32
      %cond3A_353 = arith.constant 0 : i32
      %cond3A_354 = arith.cmpi ne, %convert_element_type3A_352, %cond3A_353 : i32
      scf.if %cond3A_354 {
        %dma_wait3A_425 = arith.constant 0 : i32
        %dma_wait3A_426 = arith.constant 0 : i32
        %dma_wait3A_427 = arith.constant 0 : i32
        %dma_wait3A_428 = tpu.memref_slice %arg15[%dma_wait3A_425, %dma_wait3A_426, %dma_wait3A_427] : memref<4x8x129xf32, #tpu.memory_space<vmem>> -> memref<4x8x128xf32, #tpu.memory_space<vmem>>
        %dma_wait3A_429 = arith.constant 0 : i32
        %dma_wait3A_430 = arith.constant 0 : i32
        %dma_wait3A_431 = arith.constant 0 : i32
        %dma_wait3A_432 = tpu.memref_slice %arg4[%add3A_332, %dma_wait3A_429, %add3A, %dma_wait3A_430, %dma_wait3A_431] : memref<200x4x32x8x128xf32, #tpu.memory_space<hbm>> -> memref<1x4x1x8x128xf32, #tpu.memory_space<hbm>>
        %dma_wait3A_433 = tpu.memref_squeeze %dma_wait3A_432 : memref<1x4x1x8x128xf32, #tpu.memory_space<hbm>> -> memref<4x8x128xf32, #tpu.memory_space<hbm>>
        %dma_wait3A_434 = arith.constant 0 : i32
        %dma_wait3A_435 = arith.constant 0 : i32
        %dma_wait3A_436 = arith.constant 0 : i32
        %dma_wait3A_437 = tpu.memref_slice %arg4[%add3A_332, %dma_wait3A_434, %add3A, %dma_wait3A_435, %dma_wait3A_436] : memref<200x4x32x8x128xf32, #tpu.memory_space<hbm>> -> memref<1x4x1x8x128xf32, #tpu.memory_space<hbm>>
        %dma_wait3A_438 = tpu.memref_squeeze %dma_wait3A_437 : memref<1x4x1x8x128xf32, #tpu.memory_space<hbm>> -> memref<4x8x128xf32, #tpu.memory_space<hbm>>
        %dma_wait3A_439 = arith.constant 0 : i32
        %dma_wait3A_440 = arith.constant 0 : i32
        %dma_wait3A_441 = arith.constant 0 : i32
        %dma_wait3A_442 = tpu.memref_slice %arg15[%dma_wait3A_439, %dma_wait3A_440, %dma_wait3A_441] : memref<4x8x129xf32, #tpu.memory_space<vmem>> -> memref<4x8x128xf32, #tpu.memory_space<vmem>>
        tpu.wait_dma2 semaphore(%arg27 : memref<!tpu.dma_semaphore, #tpu.memory_space<semaphore_mem>>) src(%dma_wait3A_442 : memref<4x8x128xf32, #tpu.memory_space<vmem>>) dst(%dma_wait3A_438 : memref<4x8x128xf32, #tpu.memory_space<hbm>>)
      } else {
      }
      %scan3A_355 = arith.constant 0 : i32
      %scan3A_356 = arith.constant 128 : i32
      %scan3A_357 = arith.addi %scan3A_355, %scan3A_356 : i32
      %scan3A_358 = arith.constant 8 : i32
      scf.for %scan3A_425 = %scan3A_355 to %scan3A_357 step %scan3A_358  : i32 {
        %mul3A_426 = arith.constant 1 : i32
        %mul3A_427 = arith.muli %scan3A_425, %mul3A_426 : i32
        %add3A_428 = arith.constant 0 : i32
        %add3A_429 = arith.addi %add3A_428, %mul3A_427 : i32
        %broadcast_in_dim3A = vector.broadcast %add3A_429 : i32 to vector<16xi32>
        %get3A = arith.index_cast %add3A_429 : i32 to index
        %get3A_430 = arith.constant 0 : index
        %get3A_431 = tpu.vector_load %arg11[%get3A, %get3A_430] {strides = array<i32>} : memref<128x32xf32, #tpu.memory_space<vmem>>, vector<16xf32>,
        %get3A_432 = arith.index_cast %add3A_429 : i32 to index
        %get3A_433 = arith.constant 16 : index
        %get3A_434 = tpu.vector_load %arg11[%get3A_432, %get3A_433] {strides = array<i32>} : memref<128x32xf32, #tpu.memory_space<vmem>>, vector<16xf32>,
        tpu.vector_store_idx %arg15[%select_n3A, %select_n3A_43, %broadcast_in_dim3A], %get3A_431 : memref<4x8x129xf32, #tpu.memory_space<vmem>>[vector<16xi32>, vector<16xi32>, vector<16xi32>], vector<16xf32>,
        tpu.vector_store_idx %arg15[%select_n3A_77, %select_n3A_102, %broadcast_in_dim3A], %get3A_434 : memref<4x8x129xf32, #tpu.memory_space<vmem>>[vector<16xi32>, vector<16xi32>, vector<16xi32>], vector<16xf32>,
        %scan3A_435 = arith.constant 1 : i32
        %scan3A_436 = arith.addi %scan3A_425, %scan3A_435 : i32
        %mul3A_437 = arith.constant 1 : i32
        %mul3A_438 = arith.muli %scan3A_436, %mul3A_437 : i32
        %add3A_439 = arith.constant 0 : i32
        %add3A_440 = arith.addi %add3A_439, %mul3A_438 : i32
        %broadcast_in_dim3A_441 = vector.broadcast %add3A_440 : i32 to vector<16xi32>
        %get3A_442 = arith.index_cast %add3A_440 : i32 to index
        %get3A_443 = arith.constant 0 : index
        %get3A_444 = tpu.vector_load %arg11[%get3A_442, %get3A_443] {strides = array<i32>} : memref<128x32xf32, #tpu.memory_space<vmem>>, vector<16xf32>,
        %get3A_445 = arith.index_cast %add3A_440 : i32 to index
        %get3A_446 = arith.constant 16 : index
        %get3A_447 = tpu.vector_load %arg11[%get3A_445, %get3A_446] {strides = array<i32>} : memref<128x32xf32, #tpu.memory_space<vmem>>, vector<16xf32>,
        tpu.vector_store_idx %arg15[%select_n3A, %select_n3A_43, %broadcast_in_dim3A_441], %get3A_444 : memref<4x8x129xf32, #tpu.memory_space<vmem>>[vector<16xi32>, vector<16xi32>, vector<16xi32>], vector<16xf32>,
        tpu.vector_store_idx %arg15[%select_n3A_77, %select_n3A_102, %broadcast_in_dim3A_441], %get3A_447 : memref<4x8x129xf32, #tpu.memory_space<vmem>>[vector<16xi32>, vector<16xi32>, vector<16xi32>], vector<16xf32>,
        %scan3A_448 = arith.constant 2 : i32
        %scan3A_449 = arith.addi %scan3A_425, %scan3A_448 : i32
        %mul3A_450 = arith.constant 1 : i32
        %mul3A_451 = arith.muli %scan3A_449, %mul3A_450 : i32
        %add3A_452 = arith.constant 0 : i32
        %add3A_453 = arith.addi %add3A_452, %mul3A_451 : i32
        %broadcast_in_dim3A_454 = vector.broadcast %add3A_453 : i32 to vector<16xi32>
        %get3A_455 = arith.index_cast %add3A_453 : i32 to index
        %get3A_456 = arith.constant 0 : index
        %get3A_457 = tpu.vector_load %arg11[%get3A_455, %get3A_456] {strides = array<i32>} : memref<128x32xf32, #tpu.memory_space<vmem>>, vector<16xf32>,
        %get3A_458 = arith.index_cast %add3A_453 : i32 to index
        %get3A_459 = arith.constant 16 : index
        %get3A_460 = tpu.vector_load %arg11[%get3A_458, %get3A_459] {strides = array<i32>} : memref<128x32xf32, #tpu.memory_space<vmem>>, vector<16xf32>,
        tpu.vector_store_idx %arg15[%select_n3A, %select_n3A_43, %broadcast_in_dim3A_454], %get3A_457 : memref<4x8x129xf32, #tpu.memory_space<vmem>>[vector<16xi32>, vector<16xi32>, vector<16xi32>], vector<16xf32>,
        tpu.vector_store_idx %arg15[%select_n3A_77, %select_n3A_102, %broadcast_in_dim3A_454], %get3A_460 : memref<4x8x129xf32, #tpu.memory_space<vmem>>[vector<16xi32>, vector<16xi32>, vector<16xi32>], vector<16xf32>,
        %scan3A_461 = arith.constant 3 : i32
        %scan3A_462 = arith.addi %scan3A_425, %scan3A_461 : i32
        %mul3A_463 = arith.constant 1 : i32
        %mul3A_464 = arith.muli %scan3A_462, %mul3A_463 : i32
        %add3A_465 = arith.constant 0 : i32
        %add3A_466 = arith.addi %add3A_465, %mul3A_464 : i32
        %broadcast_in_dim3A_467 = vector.broadcast %add3A_466 : i32 to vector<16xi32>
        %get3A_468 = arith.index_cast %add3A_466 : i32 to index
        %get3A_469 = arith.constant 0 : index
        %get3A_470 = tpu.vector_load %arg11[%get3A_468, %get3A_469] {strides = array<i32>} : memref<128x32xf32, #tpu.memory_space<vmem>>, vector<16xf32>,
        %get3A_471 = arith.index_cast %add3A_466 : i32 to index
        %get3A_472 = arith.constant 16 : index
        %get3A_473 = tpu.vector_load %arg11[%get3A_471, %get3A_472] {strides = array<i32>} : memref<128x32xf32, #tpu.memory_space<vmem>>, vector<16xf32>,
        tpu.vector_store_idx %arg15[%select_n3A, %select_n3A_43, %broadcast_in_dim3A_467], %get3A_470 : memref<4x8x129xf32, #tpu.memory_space<vmem>>[vector<16xi32>, vector<16xi32>, vector<16xi32>], vector<16xf32>,
        tpu.vector_store_idx %arg15[%select_n3A_77, %select_n3A_102, %broadcast_in_dim3A_467], %get3A_473 : memref<4x8x129xf32, #tpu.memory_space<vmem>>[vector<16xi32>, vector<16xi32>, vector<16xi32>], vector<16xf32>,
        %scan3A_474 = arith.constant 4 : i32
        %scan3A_475 = arith.addi %scan3A_425, %scan3A_474 : i32
        %mul3A_476 = arith.constant 1 : i32
        %mul3A_477 = arith.muli %scan3A_475, %mul3A_476 : i32
        %add3A_478 = arith.constant 0 : i32
        %add3A_479 = arith.addi %add3A_478, %mul3A_477 : i32
        %broadcast_in_dim3A_480 = vector.broadcast %add3A_479 : i32 to vector<16xi32>
        %get3A_481 = arith.index_cast %add3A_479 : i32 to index
        %get3A_482 = arith.constant 0 : index
        %get3A_483 = tpu.vector_load %arg11[%get3A_481, %get3A_482] {strides = array<i32>} : memref<128x32xf32, #tpu.memory_space<vmem>>, vector<16xf32>,
        %get3A_484 = arith.index_cast %add3A_479 : i32 to index
        %get3A_485 = arith.constant 16 : index
        %get3A_486 = tpu.vector_load %arg11[%get3A_484, %get3A_485] {strides = array<i32>} : memref<128x32xf32, #tpu.memory_space<vmem>>, vector<16xf32>,
        tpu.vector_store_idx %arg15[%select_n3A, %select_n3A_43, %broadcast_in_dim3A_480], %get3A_483 : memref<4x8x129xf32, #tpu.memory_space<vmem>>[vector<16xi32>, vector<16xi32>, vector<16xi32>], vector<16xf32>,
        tpu.vector_store_idx %arg15[%select_n3A_77, %select_n3A_102, %broadcast_in_dim3A_480], %get3A_486 : memref<4x8x129xf32, #tpu.memory_space<vmem>>[vector<16xi32>, vector<16xi32>, vector<16xi32>], vector<16xf32>,
        %scan3A_487 = arith.constant 5 : i32
        %scan3A_488 = arith.addi %scan3A_425, %scan3A_487 : i32
        %mul3A_489 = arith.constant 1 : i32
        %mul3A_490 = arith.muli %scan3A_488, %mul3A_489 : i32
        %add3A_491 = arith.constant 0 : i32
        %add3A_492 = arith.addi %add3A_491, %mul3A_490 : i32
        %broadcast_in_dim3A_493 = vector.broadcast %add3A_492 : i32 to vector<16xi32>
        %get3A_494 = arith.index_cast %add3A_492 : i32 to index
        %get3A_495 = arith.constant 0 : index
        %get3A_496 = tpu.vector_load %arg11[%get3A_494, %get3A_495] {strides = array<i32>} : memref<128x32xf32, #tpu.memory_space<vmem>>, vector<16xf32>,
        %get3A_497 = arith.index_cast %add3A_492 : i32 to index
        %get3A_498 = arith.constant 16 : index
        %get3A_499 = tpu.vector_load %arg11[%get3A_497, %get3A_498] {strides = array<i32>} : memref<128x32xf32, #tpu.memory_space<vmem>>, vector<16xf32>,
        tpu.vector_store_idx %arg15[%select_n3A, %select_n3A_43, %broadcast_in_dim3A_493], %get3A_496 : memref<4x8x129xf32, #tpu.memory_space<vmem>>[vector<16xi32>, vector<16xi32>, vector<16xi32>], vector<16xf32>,
        tpu.vector_store_idx %arg15[%select_n3A_77, %select_n3A_102, %broadcast_in_dim3A_493], %get3A_499 : memref<4x8x129xf32, #tpu.memory_space<vmem>>[vector<16xi32>, vector<16xi32>, vector<16xi32>], vector<16xf32>,
        %scan3A_500 = arith.constant 6 : i32
        %scan3A_501 = arith.addi %scan3A_425, %scan3A_500 : i32
        %mul3A_502 = arith.constant 1 : i32
        %mul3A_503 = arith.muli %scan3A_501, %mul3A_502 : i32
        %add3A_504 = arith.constant 0 : i32
        %add3A_505 = arith.addi %add3A_504, %mul3A_503 : i32
        %broadcast_in_dim3A_506 = vector.broadcast %add3A_505 : i32 to vector<16xi32>
        %get3A_507 = arith.index_cast %add3A_505 : i32 to index
        %get3A_508 = arith.constant 0 : index
        %get3A_509 = tpu.vector_load %arg11[%get3A_507, %get3A_508] {strides = array<i32>} : memref<128x32xf32, #tpu.memory_space<vmem>>, vector<16xf32>,
        %get3A_510 = arith.index_cast %add3A_505 : i32 to index
        %get3A_511 = arith.constant 16 : index
        %get3A_512 = tpu.vector_load %arg11[%get3A_510, %get3A_511] {strides = array<i32>} : memref<128x32xf32, #tpu.memory_space<vmem>>, vector<16xf32>,
        tpu.vector_store_idx %arg15[%select_n3A, %select_n3A_43, %broadcast_in_dim3A_506], %get3A_509 : memref<4x8x129xf32, #tpu.memory_space<vmem>>[vector<16xi32>, vector<16xi32>, vector<16xi32>], vector<16xf32>,
        tpu.vector_store_idx %arg15[%select_n3A_77, %select_n3A_102, %broadcast_in_dim3A_506], %get3A_512 : memref<4x8x129xf32, #tpu.memory_space<vmem>>[vector<16xi32>, vector<16xi32>, vector<16xi32>], vector<16xf32>,
        %scan3A_513 = arith.constant 7 : i32
        %scan3A_514 = arith.addi %scan3A_425, %scan3A_513 : i32
        %mul3A_515 = arith.constant 1 : i32
        %mul3A_516 = arith.muli %scan3A_514, %mul3A_515 : i32
        %add3A_517 = arith.constant 0 : i32
        %add3A_518 = arith.addi %add3A_517, %mul3A_516 : i32
        %broadcast_in_dim3A_519 = vector.broadcast %add3A_518 : i32 to vector<16xi32>
        %get3A_520 = arith.index_cast %add3A_518 : i32 to index
        %get3A_521 = arith.constant 0 : index
        %get3A_522 = tpu.vector_load %arg11[%get3A_520, %get3A_521] {strides = array<i32>} : memref<128x32xf32, #tpu.memory_space<vmem>>, vector<16xf32>,
        %get3A_523 = arith.index_cast %add3A_518 : i32 to index
        %get3A_524 = arith.constant 16 : index
        %get3A_525 = tpu.vector_load %arg11[%get3A_523, %get3A_524] {strides = array<i32>} : memref<128x32xf32, #tpu.memory_space<vmem>>, vector<16xf32>,
        tpu.vector_store_idx %arg15[%select_n3A, %select_n3A_43, %broadcast_in_dim3A_519], %get3A_522 : memref<4x8x129xf32, #tpu.memory_space<vmem>>[vector<16xi32>, vector<16xi32>, vector<16xi32>], vector<16xf32>,
        tpu.vector_store_idx %arg15[%select_n3A_77, %select_n3A_102, %broadcast_in_dim3A_519], %get3A_525 : memref<4x8x129xf32, #tpu.memory_space<vmem>>[vector<16xi32>, vector<16xi32>, vector<16xi32>], vector<16xf32>,
      }
      %scan3A_359 = arith.constant 128 : i32
      %dma_start3A_360 = arith.constant 0 : i32
      %dma_start3A_361 = arith.constant 0 : i32
      %dma_start3A_362 = arith.constant 0 : i32
      %dma_start3A_363 = tpu.memref_slice %arg15[%dma_start3A_360, %dma_start3A_361, %dma_start3A_362] : memref<4x8x129xf32, #tpu.memory_space<vmem>> -> memref<4x8x128xf32, #tpu.memory_space<vmem>>
      %dma_start3A_364 = arith.constant 0 : i32
      %dma_start3A_365 = arith.constant 0 : i32
      %dma_start3A_366 = arith.constant 0 : i32
      %dma_start3A_367 = tpu.memref_slice %arg4[%add3A_332, %dma_start3A_364, %add3A, %dma_start3A_365, %dma_start3A_366] : memref<200x4x32x8x128xf32, #tpu.memory_space<hbm>> -> memref<1x4x1x8x128xf32, #tpu.memory_space<hbm>>
      %dma_start3A_368 = tpu.memref_squeeze %dma_start3A_367 : memref<1x4x1x8x128xf32, #tpu.memory_space<hbm>> -> memref<4x8x128xf32, #tpu.memory_space<hbm>>
      %dma_start3A_369 = arith.constant 0 : i32
      %dma_start3A_370 = arith.constant 0 : i32
      %dma_start3A_371 = arith.constant 0 : i32
      %dma_start3A_372 = tpu.memref_slice %arg4[%add3A_332, %dma_start3A_369, %add3A, %dma_start3A_370, %dma_start3A_371] : memref<200x4x32x8x128xf32, #tpu.memory_space<hbm>> -> memref<1x4x1x8x128xf32, #tpu.memory_space<hbm>>
      %dma_start3A_373 = tpu.memref_squeeze %dma_start3A_372 : memref<1x4x1x8x128xf32, #tpu.memory_space<hbm>> -> memref<4x8x128xf32, #tpu.memory_space<hbm>>
      %dma_start3A_374 = arith.constant 0 : i32
      %dma_start3A_375 = arith.constant 0 : i32
      %dma_start3A_376 = arith.constant 0 : i32
      %dma_start3A_377 = tpu.memref_slice %arg15[%dma_start3A_374, %dma_start3A_375, %dma_start3A_376] : memref<4x8x129xf32, #tpu.memory_space<vmem>> -> memref<4x8x128xf32, #tpu.memory_space<vmem>>
      tpu.enqueue_dma source(%dma_start3A_377 : memref<4x8x128xf32, #tpu.memory_space<vmem>>) target(%dma_start3A_373 : memref<4x8x128xf32, #tpu.memory_space<hbm>>) target_semaphore(%arg27 : memref<!tpu.dma_semaphore, #tpu.memory_space<semaphore_mem>>)
      %add3A_378 = arith.constant 3 : i32
      %add3A_379 = arith.addi %add3A_239, %add3A_378 : i32
      %dma_wait3A_380 = arith.constant 0 : i32
      %dma_wait3A_381 = arith.constant 0 : i32
      %dma_wait3A_382 = tpu.memref_slice %arg3[%dma_wait3A_380, %dma_wait3A_381] : memref<1000000x32xf32, #tpu.memory_space<hbm>> -> memref<1000000x32xf32, #tpu.memory_space<hbm>>
      tpu.wait_indirect_dma semaphore(%arg24 : memref<!tpu.dma_semaphore, #tpu.memory_space<semaphore_mem>>) src(%dma_wait3A_382 : memref<1000000x32xf32, #tpu.memory_space<hbm>>) dst(%arg12 : memref<128x32xf32, #tpu.memory_space<vmem>>)
      %add3A_383 = arith.constant 4 : i32
      %add3A_384 = arith.addi %add3A_379, %add3A_383 : i32
      %lt3A_385 = arith.constant 200 : i32
      %lt3A_386 = arith.cmpi slt, %add3A_384, %lt3A_385 : i32
      %convert_element_type3A_387 = arith.extui %lt3A_386 : i1 to i32
      %cond3A_388 = arith.constant 0 : i32
      %cond3A_389 = arith.cmpi ne, %convert_element_type3A_387, %cond3A_388 : i32
      scf.if %cond3A_389 {
        %add3A_425 = arith.constant 4 : i32
        %add3A_426 = arith.addi %add3A_379, %add3A_425 : i32
        %jit3A_427 = arith.constant 8 : i32
        %div3A_428 = arith.divsi %add3A_426, %jit3A_427 : i32
        %sign3A_429 = arith.constant 0 : i32
        %sign3A_430 = arith.cmpi sgt, %add3A_426, %sign3A_429 : i32
        %sign3A_431 = arith.extui %sign3A_430 : i1 to i32
        %sign3A_432 = arith.constant 0 : i32
        %sign3A_433 = arith.cmpi slt, %add3A_426, %sign3A_432 : i32
        %sign3A_434 = arith.extui %sign3A_433 : i1 to i32
        %sign3A_435 = arith.subi %sign3A_431, %sign3A_434 : i32
        %sign3A_436 = arith.constant 0 : i32
        %sign3A_437 = arith.cmpi sgt, %jit3A_427, %sign3A_436 : i32
        %sign3A_438 = arith.extui %sign3A_437 : i1 to i32
        %sign3A_439 = arith.constant 0 : i32
        %sign3A_440 = arith.cmpi slt, %jit3A_427, %sign3A_439 : i32
        %sign3A_441 = arith.extui %sign3A_440 : i1 to i32
        %sign3A_442 = arith.subi %sign3A_438, %sign3A_441 : i32
        %ne3A_443 = arith.cmpi ne, %sign3A_435, %sign3A_442 : i32
        %rem3A_444 = arith.remsi %add3A_426, %jit3A_427 : i32
        %ne3A_445 = arith.constant 0 : i32
        %ne3A_446 = arith.cmpi ne, %rem3A_444, %ne3A_445 : i32
        %and3A_447 = arith.andi %ne3A_443, %ne3A_446 : i1
        %sub3A_448 = arith.constant 1 : i32
        %sub3A_449 = arith.subi %div3A_428, %sub3A_448 : i32
        %select_n3A_450 = arith.select %and3A_447, %sub3A_449, %div3A_428 : i32
        %jit3A_451 = arith.constant 8 : i32
        %eq3A_452 = arith.constant 0 : i32
        %eq3A_453 = arith.cmpi eq, %jit3A_451, %eq3A_452 : i32
        %jit3A_454 = arith.constant 1 : i32
        %select_n3A_455 = arith.select %eq3A_453, %jit3A_454, %jit3A_451 : i32
        %rem3A_456 = arith.remsi %add3A_426, %select_n3A_455 : i32
        %ne3A_457 = arith.constant 0 : i32
        %ne3A_458 = arith.cmpi ne, %rem3A_456, %ne3A_457 : i32
        %lt3A_459 = arith.constant 0 : i32
        %lt3A_460 = arith.cmpi slt, %rem3A_456, %lt3A_459 : i32
        %lt3A_461 = arith.constant 0 : i32
        %lt3A_462 = arith.cmpi slt, %select_n3A_455, %lt3A_461 : i32
        %ne3A_463 = arith.xori %lt3A_460, %lt3A_462 : i1
        %and3A_464 = arith.andi %ne3A_463, %ne3A_458 : i1
        %add3A_465 = arith.addi %rem3A_456, %select_n3A_455 : i32
        %select_n3A_466 = arith.select %and3A_464, %add3A_465, %rem3A_456 : i32
        %dma_start3A_467 = arith.constant 0 : i32
        %dma_start3A_468 = tpu.memref_slice %arg2[%select_n3A_450, %add3A, %select_n3A_466, %dma_start3A_467] : memref<25x32x8x128xi32, #tpu.memory_space<hbm>> -> memref<1x1x1x128xi32, #tpu.memory_space<hbm>>
        %dma_start3A_469 = tpu.memref_squeeze %dma_start3A_468 : memref<1x1x1x128xi32, #tpu.memory_space<hbm>> -> memref<128xi32, #tpu.memory_space<hbm>>
        %dma_start3A_470 = arith.constant 0 : i32
        %dma_start3A_471 = tpu.memref_slice %arg2[%select_n3A_450, %add3A, %select_n3A_466, %dma_start3A_470] : memref<25x32x8x128xi32, #tpu.memory_space<hbm>> -> memref<1x1x1x128xi32, #tpu.memory_space<hbm>>
        %dma_start3A_472 = tpu.memref_squeeze %dma_start3A_471 : memref<1x1x1x128xi32, #tpu.memory_space<hbm>> -> memref<128xi32, #tpu.memory_space<hbm>>
        tpu.enqueue_dma source(%dma_start3A_472 : memref<128xi32, #tpu.memory_space<hbm>>) target(%arg8 : memref<128xi32, #tpu.memory_space<vmem>>) target_semaphore(%arg20 : memref<!tpu.dma_semaphore, #tpu.memory_space<semaphore_mem>>)
      } else {
      }
      %add3A_390 = arith.constant 2 : i32
      %add3A_391 = arith.addi %add3A_379, %add3A_390 : i32
      %lt3A_392 = arith.constant 200 : i32
      %lt3A_393 = arith.cmpi slt, %add3A_391, %lt3A_392 : i32
      %convert_element_type3A_394 = arith.extui %lt3A_393 : i1 to i32
      %cond3A_395 = arith.constant 0 : i32
      %cond3A_396 = arith.cmpi ne, %convert_element_type3A_394, %cond3A_395 : i32
      scf.if %cond3A_396 {
        %add3A_425 = arith.constant 2 : i32
        %add3A_426 = arith.addi %add3A_379, %add3A_425 : i32
        %jit3A_427 = arith.constant 8 : i32
        %div3A_428 = arith.divsi %add3A_426, %jit3A_427 : i32
        %sign3A_429 = arith.constant 0 : i32
        %sign3A_430 = arith.cmpi sgt, %add3A_426, %sign3A_429 : i32
        %sign3A_431 = arith.extui %sign3A_430 : i1 to i32
        %sign3A_432 = arith.constant 0 : i32
        %sign3A_433 = arith.cmpi slt, %add3A_426, %sign3A_432 : i32
        %sign3A_434 = arith.extui %sign3A_433 : i1 to i32
        %sign3A_435 = arith.subi %sign3A_431, %sign3A_434 : i32
        %sign3A_436 = arith.constant 0 : i32
        %sign3A_437 = arith.cmpi sgt, %jit3A_427, %sign3A_436 : i32
        %sign3A_438 = arith.extui %sign3A_437 : i1 to i32
        %sign3A_439 = arith.constant 0 : i32
        %sign3A_440 = arith.cmpi slt, %jit3A_427, %sign3A_439 : i32
        %sign3A_441 = arith.extui %sign3A_440 : i1 to i32
        %sign3A_442 = arith.subi %sign3A_438, %sign3A_441 : i32
        %ne3A_443 = arith.cmpi ne, %sign3A_435, %sign3A_442 : i32
        %rem3A_444 = arith.remsi %add3A_426, %jit3A_427 : i32
        %ne3A_445 = arith.constant 0 : i32
        %ne3A_446 = arith.cmpi ne, %rem3A_444, %ne3A_445 : i32
        %and3A_447 = arith.andi %ne3A_443, %ne3A_446 : i1
        %sub3A_448 = arith.constant 1 : i32
        %sub3A_449 = arith.subi %div3A_428, %sub3A_448 : i32
        %select_n3A_450 = arith.select %and3A_447, %sub3A_449, %div3A_428 : i32
        %jit3A_451 = arith.constant 8 : i32
        %eq3A_452 = arith.constant 0 : i32
        %eq3A_453 = arith.cmpi eq, %jit3A_451, %eq3A_452 : i32
        %jit3A_454 = arith.constant 1 : i32
        %select_n3A_455 = arith.select %eq3A_453, %jit3A_454, %jit3A_451 : i32
        %rem3A_456 = arith.remsi %add3A_426, %select_n3A_455 : i32
        %ne3A_457 = arith.constant 0 : i32
        %ne3A_458 = arith.cmpi ne, %rem3A_456, %ne3A_457 : i32
        %lt3A_459 = arith.constant 0 : i32
        %lt3A_460 = arith.cmpi slt, %rem3A_456, %lt3A_459 : i32
        %lt3A_461 = arith.constant 0 : i32
        %lt3A_462 = arith.cmpi slt, %select_n3A_455, %lt3A_461 : i32
        %ne3A_463 = arith.xori %lt3A_460, %lt3A_462 : i1
        %and3A_464 = arith.andi %ne3A_463, %ne3A_458 : i1
        %add3A_465 = arith.addi %rem3A_456, %select_n3A_455 : i32
        %select_n3A_466 = arith.select %and3A_464, %add3A_465, %rem3A_456 : i32
        %dma_wait3A_467 = arith.constant 0 : i32
        %dma_wait3A_468 = tpu.memref_slice %arg2[%select_n3A_450, %add3A, %select_n3A_466, %dma_wait3A_467] : memref<25x32x8x128xi32, #tpu.memory_space<hbm>> -> memref<1x1x1x128xi32, #tpu.memory_space<hbm>>
        %dma_wait3A_469 = tpu.memref_squeeze %dma_wait3A_468 : memref<1x1x1x128xi32, #tpu.memory_space<hbm>> -> memref<128xi32, #tpu.memory_space<hbm>>
        %dma_wait3A_470 = arith.constant 0 : i32
        %dma_wait3A_471 = tpu.memref_slice %arg2[%select_n3A_450, %add3A, %select_n3A_466, %dma_wait3A_470] : memref<25x32x8x128xi32, #tpu.memory_space<hbm>> -> memref<1x1x1x128xi32, #tpu.memory_space<hbm>>
        %dma_wait3A_472 = tpu.memref_squeeze %dma_wait3A_471 : memref<1x1x1x128xi32, #tpu.memory_space<hbm>> -> memref<128xi32, #tpu.memory_space<hbm>>
        tpu.wait_dma2 semaphore(%arg18 : memref<!tpu.dma_semaphore, #tpu.memory_space<semaphore_mem>>) src(%dma_wait3A_472 : memref<128xi32, #tpu.memory_space<hbm>>) dst(%arg6 : memref<128xi32, #tpu.memory_space<vmem>>)
        %dma_start3A_473 = arith.constant 0 : i32
        %dma_start3A_474 = arith.constant 0 : i32
        %dma_start3A_475 = tpu.memref_slice %arg3[%dma_start3A_473, %dma_start3A_474] : memref<1000000x32xf32, #tpu.memory_space<hbm>> -> memref<1000000x32xf32, #tpu.memory_space<hbm>>
        tpu.enqueue_indirect_dma source(%dma_start3A_475 : memref<1000000x32xf32, #tpu.memory_space<hbm>>) target(%arg10 : memref<128x32xf32, #tpu.memory_space<vmem>>) offsets(%arg6 : memref<128xi32, #tpu.memory_space<vmem>>) semaphore(%arg22 : memref<!tpu.dma_semaphore, #tpu.memory_space<semaphore_mem>>)
      } else {
      }
      %ge3A_397 = arith.constant 4 : i32
      %ge3A_398 = arith.cmpi sge, %add3A_379, %ge3A_397 : i32
      %convert_element_type3A_399 = arith.extui %ge3A_398 : i1 to i32
      %cond3A_400 = arith.constant 0 : i32
      %cond3A_401 = arith.cmpi ne, %convert_element_type3A_399, %cond3A_400 : i32
      scf.if %cond3A_401 {
        %dma_wait3A_425 = arith.constant 0 : i32
        %dma_wait3A_426 = arith.constant 0 : i32
        %dma_wait3A_427 = arith.constant 0 : i32
        %dma_wait3A_428 = tpu.memref_slice %arg16[%dma_wait3A_425, %dma_wait3A_426, %dma_wait3A_427] : memref<4x8x129xf32, #tpu.memory_space<vmem>> -> memref<4x8x128xf32, #tpu.memory_space<vmem>>
        %dma_wait3A_429 = arith.constant 0 : i32
        %dma_wait3A_430 = arith.constant 0 : i32
        %dma_wait3A_431 = arith.constant 0 : i32
        %dma_wait3A_432 = tpu.memref_slice %arg4[%add3A_379, %dma_wait3A_429, %add3A, %dma_wait3A_430, %dma_wait3A_431] : memref<200x4x32x8x128xf32, #tpu.memory_space<hbm>> -> memref<1x4x1x8x128xf32, #tpu.memory_space<hbm>>
        %dma_wait3A_433 = tpu.memref_squeeze %dma_wait3A_432 : memref<1x4x1x8x128xf32, #tpu.memory_space<hbm>> -> memref<4x8x128xf32, #tpu.memory_space<hbm>>
        %dma_wait3A_434 = arith.constant 0 : i32
        %dma_wait3A_435 = arith.constant 0 : i32
        %dma_wait3A_436 = arith.constant 0 : i32
        %dma_wait3A_437 = tpu.memref_slice %arg4[%add3A_379, %dma_wait3A_434, %add3A, %dma_wait3A_435, %dma_wait3A_436] : memref<200x4x32x8x128xf32, #tpu.memory_space<hbm>> -> memref<1x4x1x8x128xf32, #tpu.memory_space<hbm>>
        %dma_wait3A_438 = tpu.memref_squeeze %dma_wait3A_437 : memref<1x4x1x8x128xf32, #tpu.memory_space<hbm>> -> memref<4x8x128xf32, #tpu.memory_space<hbm>>
        %dma_wait3A_439 = arith.constant 0 : i32
        %dma_wait3A_440 = arith.constant 0 : i32
        %dma_wait3A_441 = arith.constant 0 : i32
        %dma_wait3A_442 = tpu.memref_slice %arg16[%dma_wait3A_439, %dma_wait3A_440, %dma_wait3A_441] : memref<4x8x129xf32, #tpu.memory_space<vmem>> -> memref<4x8x128xf32, #tpu.memory_space<vmem>>
        tpu.wait_dma2 semaphore(%arg28 : memref<!tpu.dma_semaphore, #tpu.memory_space<semaphore_mem>>) src(%dma_wait3A_442 : memref<4x8x128xf32, #tpu.memory_space<vmem>>) dst(%dma_wait3A_438 : memref<4x8x128xf32, #tpu.memory_space<hbm>>)
      } else {
      }
      %scan3A_402 = arith.constant 0 : i32
      %scan3A_403 = arith.constant 128 : i32
      %scan3A_404 = arith.addi %scan3A_402, %scan3A_403 : i32
      %scan3A_405 = arith.constant 8 : i32
      scf.for %scan3A_425 = %scan3A_402 to %scan3A_404 step %scan3A_405  : i32 {
        %mul3A_426 = arith.constant 1 : i32
        %mul3A_427 = arith.muli %scan3A_425, %mul3A_426 : i32
        %add3A_428 = arith.constant 0 : i32
        %add3A_429 = arith.addi %add3A_428, %mul3A_427 : i32
        %broadcast_in_dim3A = vector.broadcast %add3A_429 : i32 to vector<16xi32>
        %get3A = arith.index_cast %add3A_429 : i32 to index
        %get3A_430 = arith.constant 0 : index
        %get3A_431 = tpu.vector_load %arg12[%get3A, %get3A_430] {strides = array<i32>} : memref<128x32xf32, #tpu.memory_space<vmem>>, vector<16xf32>,
        %get3A_432 = arith.index_cast %add3A_429 : i32 to index
        %get3A_433 = arith.constant 16 : index
        %get3A_434 = tpu.vector_load %arg12[%get3A_432, %get3A_433] {strides = array<i32>} : memref<128x32xf32, #tpu.memory_space<vmem>>, vector<16xf32>,
        tpu.vector_store_idx %arg16[%select_n3A, %select_n3A_43, %broadcast_in_dim3A], %get3A_431 : memref<4x8x129xf32, #tpu.memory_space<vmem>>[vector<16xi32>, vector<16xi32>, vector<16xi32>], vector<16xf32>,
        tpu.vector_store_idx %arg16[%select_n3A_77, %select_n3A_102, %broadcast_in_dim3A], %get3A_434 : memref<4x8x129xf32, #tpu.memory_space<vmem>>[vector<16xi32>, vector<16xi32>, vector<16xi32>], vector<16xf32>,
        %scan3A_435 = arith.constant 1 : i32
        %scan3A_436 = arith.addi %scan3A_425, %scan3A_435 : i32
        %mul3A_437 = arith.constant 1 : i32
        %mul3A_438 = arith.muli %scan3A_436, %mul3A_437 : i32
        %add3A_439 = arith.constant 0 : i32
        %add3A_440 = arith.addi %add3A_439, %mul3A_438 : i32
        %broadcast_in_dim3A_441 = vector.broadcast %add3A_440 : i32 to vector<16xi32>
        %get3A_442 = arith.index_cast %add3A_440 : i32 to index
        %get3A_443 = arith.constant 0 : index
        %get3A_444 = tpu.vector_load %arg12[%get3A_442, %get3A_443] {strides = array<i32>} : memref<128x32xf32, #tpu.memory_space<vmem>>, vector<16xf32>,
        %get3A_445 = arith.index_cast %add3A_440 : i32 to index
        %get3A_446 = arith.constant 16 : index
        %get3A_447 = tpu.vector_load %arg12[%get3A_445, %get3A_446] {strides = array<i32>} : memref<128x32xf32, #tpu.memory_space<vmem>>, vector<16xf32>,
        tpu.vector_store_idx %arg16[%select_n3A, %select_n3A_43, %broadcast_in_dim3A_441], %get3A_444 : memref<4x8x129xf32, #tpu.memory_space<vmem>>[vector<16xi32>, vector<16xi32>, vector<16xi32>], vector<16xf32>,
        tpu.vector_store_idx %arg16[%select_n3A_77, %select_n3A_102, %broadcast_in_dim3A_441], %get3A_447 : memref<4x8x129xf32, #tpu.memory_space<vmem>>[vector<16xi32>, vector<16xi32>, vector<16xi32>], vector<16xf32>,
        %scan3A_448 = arith.constant 2 : i32
        %scan3A_449 = arith.addi %scan3A_425, %scan3A_448 : i32
        %mul3A_450 = arith.constant 1 : i32
        %mul3A_451 = arith.muli %scan3A_449, %mul3A_450 : i32
        %add3A_452 = arith.constant 0 : i32
        %add3A_453 = arith.addi %add3A_452, %mul3A_451 : i32
        %broadcast_in_dim3A_454 = vector.broadcast %add3A_453 : i32 to vector<16xi32>
        %get3A_455 = arith.index_cast %add3A_453 : i32 to index
        %get3A_456 = arith.constant 0 : index
        %get3A_457 = tpu.vector_load %arg12[%get3A_455, %get3A_456] {strides = array<i32>} : memref<128x32xf32, #tpu.memory_space<vmem>>, vector<16xf32>,
        %get3A_458 = arith.index_cast %add3A_453 : i32 to index
        %get3A_459 = arith.constant 16 : index
        %get3A_460 = tpu.vector_load %arg12[%get3A_458, %get3A_459] {strides = array<i32>} : memref<128x32xf32, #tpu.memory_space<vmem>>, vector<16xf32>,
        tpu.vector_store_idx %arg16[%select_n3A, %select_n3A_43, %broadcast_in_dim3A_454], %get3A_457 : memref<4x8x129xf32, #tpu.memory_space<vmem>>[vector<16xi32>, vector<16xi32>, vector<16xi32>], vector<16xf32>,
        tpu.vector_store_idx %arg16[%select_n3A_77, %select_n3A_102, %broadcast_in_dim3A_454], %get3A_460 : memref<4x8x129xf32, #tpu.memory_space<vmem>>[vector<16xi32>, vector<16xi32>, vector<16xi32>], vector<16xf32>,
        %scan3A_461 = arith.constant 3 : i32
        %scan3A_462 = arith.addi %scan3A_425, %scan3A_461 : i32
        %mul3A_463 = arith.constant 1 : i32
        %mul3A_464 = arith.muli %scan3A_462, %mul3A_463 : i32
        %add3A_465 = arith.constant 0 : i32
        %add3A_466 = arith.addi %add3A_465, %mul3A_464 : i32
        %broadcast_in_dim3A_467 = vector.broadcast %add3A_466 : i32 to vector<16xi32>
        %get3A_468 = arith.index_cast %add3A_466 : i32 to index
        %get3A_469 = arith.constant 0 : index
        %get3A_470 = tpu.vector_load %arg12[%get3A_468, %get3A_469] {strides = array<i32>} : memref<128x32xf32, #tpu.memory_space<vmem>>, vector<16xf32>,
        %get3A_471 = arith.index_cast %add3A_466 : i32 to index
        %get3A_472 = arith.constant 16 : index
        %get3A_473 = tpu.vector_load %arg12[%get3A_471, %get3A_472] {strides = array<i32>} : memref<128x32xf32, #tpu.memory_space<vmem>>, vector<16xf32>,
        tpu.vector_store_idx %arg16[%select_n3A, %select_n3A_43, %broadcast_in_dim3A_467], %get3A_470 : memref<4x8x129xf32, #tpu.memory_space<vmem>>[vector<16xi32>, vector<16xi32>, vector<16xi32>], vector<16xf32>,
        tpu.vector_store_idx %arg16[%select_n3A_77, %select_n3A_102, %broadcast_in_dim3A_467], %get3A_473 : memref<4x8x129xf32, #tpu.memory_space<vmem>>[vector<16xi32>, vector<16xi32>, vector<16xi32>], vector<16xf32>,
        %scan3A_474 = arith.constant 4 : i32
        %scan3A_475 = arith.addi %scan3A_425, %scan3A_474 : i32
        %mul3A_476 = arith.constant 1 : i32
        %mul3A_477 = arith.muli %scan3A_475, %mul3A_476 : i32
        %add3A_478 = arith.constant 0 : i32
        %add3A_479 = arith.addi %add3A_478, %mul3A_477 : i32
        %broadcast_in_dim3A_480 = vector.broadcast %add3A_479 : i32 to vector<16xi32>
        %get3A_481 = arith.index_cast %add3A_479 : i32 to index
        %get3A_482 = arith.constant 0 : index
        %get3A_483 = tpu.vector_load %arg12[%get3A_481, %get3A_482] {strides = array<i32>} : memref<128x32xf32, #tpu.memory_space<vmem>>, vector<16xf32>,
        %get3A_484 = arith.index_cast %add3A_479 : i32 to index
        %get3A_485 = arith.constant 16 : index
        %get3A_486 = tpu.vector_load %arg12[%get3A_484, %get3A_485] {strides = array<i32>} : memref<128x32xf32, #tpu.memory_space<vmem>>, vector<16xf32>,
        tpu.vector_store_idx %arg16[%select_n3A, %select_n3A_43, %broadcast_in_dim3A_480], %get3A_483 : memref<4x8x129xf32, #tpu.memory_space<vmem>>[vector<16xi32>, vector<16xi32>, vector<16xi32>], vector<16xf32>,
        tpu.vector_store_idx %arg16[%select_n3A_77, %select_n3A_102, %broadcast_in_dim3A_480], %get3A_486 : memref<4x8x129xf32, #tpu.memory_space<vmem>>[vector<16xi32>, vector<16xi32>, vector<16xi32>], vector<16xf32>,
        %scan3A_487 = arith.constant 5 : i32
        %scan3A_488 = arith.addi %scan3A_425, %scan3A_487 : i32
        %mul3A_489 = arith.constant 1 : i32
        %mul3A_490 = arith.muli %scan3A_488, %mul3A_489 : i32
        %add3A_491 = arith.constant 0 : i32
        %add3A_492 = arith.addi %add3A_491, %mul3A_490 : i32
        %broadcast_in_dim3A_493 = vector.broadcast %add3A_492 : i32 to vector<16xi32>
        %get3A_494 = arith.index_cast %add3A_492 : i32 to index
        %get3A_495 = arith.constant 0 : index
        %get3A_496 = tpu.vector_load %arg12[%get3A_494, %get3A_495] {strides = array<i32>} : memref<128x32xf32, #tpu.memory_space<vmem>>, vector<16xf32>,
        %get3A_497 = arith.index_cast %add3A_492 : i32 to index
        %get3A_498 = arith.constant 16 : index
        %get3A_499 = tpu.vector_load %arg12[%get3A_497, %get3A_498] {strides = array<i32>} : memref<128x32xf32, #tpu.memory_space<vmem>>, vector<16xf32>,
        tpu.vector_store_idx %arg16[%select_n3A, %select_n3A_43, %broadcast_in_dim3A_493], %get3A_496 : memref<4x8x129xf32, #tpu.memory_space<vmem>>[vector<16xi32>, vector<16xi32>, vector<16xi32>], vector<16xf32>,
        tpu.vector_store_idx %arg16[%select_n3A_77, %select_n3A_102, %broadcast_in_dim3A_493], %get3A_499 : memref<4x8x129xf32, #tpu.memory_space<vmem>>[vector<16xi32>, vector<16xi32>, vector<16xi32>], vector<16xf32>,
        %scan3A_500 = arith.constant 6 : i32
        %scan3A_501 = arith.addi %scan3A_425, %scan3A_500 : i32
        %mul3A_502 = arith.constant 1 : i32
        %mul3A_503 = arith.muli %scan3A_501, %mul3A_502 : i32
        %add3A_504 = arith.constant 0 : i32
        %add3A_505 = arith.addi %add3A_504, %mul3A_503 : i32
        %broadcast_in_dim3A_506 = vector.broadcast %add3A_505 : i32 to vector<16xi32>
        %get3A_507 = arith.index_cast %add3A_505 : i32 to index
        %get3A_508 = arith.constant 0 : index
        %get3A_509 = tpu.vector_load %arg12[%get3A_507, %get3A_508] {strides = array<i32>} : memref<128x32xf32, #tpu.memory_space<vmem>>, vector<16xf32>,
        %get3A_510 = arith.index_cast %add3A_505 : i32 to index
        %get3A_511 = arith.constant 16 : index
        %get3A_512 = tpu.vector_load %arg12[%get3A_510, %get3A_511] {strides = array<i32>} : memref<128x32xf32, #tpu.memory_space<vmem>>, vector<16xf32>,
        tpu.vector_store_idx %arg16[%select_n3A, %select_n3A_43, %broadcast_in_dim3A_506], %get3A_509 : memref<4x8x129xf32, #tpu.memory_space<vmem>>[vector<16xi32>, vector<16xi32>, vector<16xi32>], vector<16xf32>,
        tpu.vector_store_idx %arg16[%select_n3A_77, %select_n3A_102, %broadcast_in_dim3A_506], %get3A_512 : memref<4x8x129xf32, #tpu.memory_space<vmem>>[vector<16xi32>, vector<16xi32>, vector<16xi32>], vector<16xf32>,
        %scan3A_513 = arith.constant 7 : i32
        %scan3A_514 = arith.addi %scan3A_425, %scan3A_513 : i32
        %mul3A_515 = arith.constant 1 : i32
        %mul3A_516 = arith.muli %scan3A_514, %mul3A_515 : i32
        %add3A_517 = arith.constant 0 : i32
        %add3A_518 = arith.addi %add3A_517, %mul3A_516 : i32
        %broadcast_in_dim3A_519 = vector.broadcast %add3A_518 : i32 to vector<16xi32>
        %get3A_520 = arith.index_cast %add3A_518 : i32 to index
        %get3A_521 = arith.constant 0 : index
        %get3A_522 = tpu.vector_load %arg12[%get3A_520, %get3A_521] {strides = array<i32>} : memref<128x32xf32, #tpu.memory_space<vmem>>, vector<16xf32>,
        %get3A_523 = arith.index_cast %add3A_518 : i32 to index
        %get3A_524 = arith.constant 16 : index
        %get3A_525 = tpu.vector_load %arg12[%get3A_523, %get3A_524] {strides = array<i32>} : memref<128x32xf32, #tpu.memory_space<vmem>>, vector<16xf32>,
        tpu.vector_store_idx %arg16[%select_n3A, %select_n3A_43, %broadcast_in_dim3A_519], %get3A_522 : memref<4x8x129xf32, #tpu.memory_space<vmem>>[vector<16xi32>, vector<16xi32>, vector<16xi32>], vector<16xf32>,
        tpu.vector_store_idx %arg16[%select_n3A_77, %select_n3A_102, %broadcast_in_dim3A_519], %get3A_525 : memref<4x8x129xf32, #tpu.memory_space<vmem>>[vector<16xi32>, vector<16xi32>, vector<16xi32>], vector<16xf32>,
      }
      %scan3A_406 = arith.constant 128 : i32
      %dma_start3A_407 = arith.constant 0 : i32
      %dma_start3A_408 = arith.constant 0 : i32
      %dma_start3A_409 = arith.constant 0 : i32
      %dma_start3A_410 = tpu.memref_slice %arg16[%dma_start3A_407, %dma_start3A_408, %dma_start3A_409] : memref<4x8x129xf32, #tpu.memory_space<vmem>> -> memref<4x8x128xf32, #tpu.memory_space<vmem>>
      %dma_start3A_411 = arith.constant 0 : i32
      %dma_start3A_412 = arith.constant 0 : i32
      %dma_start3A_413 = arith.constant 0 : i32
      %dma_start3A_414 = tpu.memref_slice %arg4[%add3A_379, %dma_start3A_411, %add3A, %dma_start3A_412, %dma_start3A_413] : memref<200x4x32x8x128xf32, #tpu.memory_space<hbm>> -> memref<1x4x1x8x128xf32, #tpu.memory_space<hbm>>
      %dma_start3A_415 = tpu.memref_squeeze %dma_start3A_414 : memref<1x4x1x8x128xf32, #tpu.memory_space<hbm>> -> memref<4x8x128xf32, #tpu.memory_space<hbm>>
      %dma_start3A_416 = arith.constant 0 : i32
      %dma_start3A_417 = arith.constant 0 : i32
      %dma_start3A_418 = arith.constant 0 : i32
      %dma_start3A_419 = tpu.memref_slice %arg4[%add3A_379, %dma_start3A_416, %add3A, %dma_start3A_417, %dma_start3A_418] : memref<200x4x32x8x128xf32, #tpu.memory_space<hbm>> -> memref<1x4x1x8x128xf32, #tpu.memory_space<hbm>>
      %dma_start3A_420 = tpu.memref_squeeze %dma_start3A_419 : memref<1x4x1x8x128xf32, #tpu.memory_space<hbm>> -> memref<4x8x128xf32, #tpu.memory_space<hbm>>
      %dma_start3A_421 = arith.constant 0 : i32
      %dma_start3A_422 = arith.constant 0 : i32
      %dma_start3A_423 = arith.constant 0 : i32
      %dma_start3A_424 = tpu.memref_slice %arg16[%dma_start3A_421, %dma_start3A_422, %dma_start3A_423] : memref<4x8x129xf32, #tpu.memory_space<vmem>> -> memref<4x8x128xf32, #tpu.memory_space<vmem>>
      tpu.enqueue_dma source(%dma_start3A_424 : memref<4x8x128xf32, #tpu.memory_space<vmem>>) target(%dma_start3A_420 : memref<4x8x128xf32, #tpu.memory_space<hbm>>) target_semaphore(%arg28 : memref<!tpu.dma_semaphore, #tpu.memory_space<semaphore_mem>>)
    }
    %scan3A_158 = arith.constant 50 : i32
    %dma_wait3A_159 = arith.constant 196 : i32
    %dma_wait3A_160 = arith.constant 0 : i32
    %dma_wait3A_161 = arith.constant 0 : i32
    %dma_wait3A_162 = arith.constant 0 : i32
    %dma_wait3A_163 = tpu.memref_slice %arg13[%dma_wait3A_160, %dma_wait3A_161, %dma_wait3A_162] : memref<4x8x129xf32, #tpu.memory_space<vmem>> -> memref<4x8x128xf32, #tpu.memory_space<vmem>>
    %dma_wait3A_164 = arith.constant 0 : i32
    %dma_wait3A_165 = arith.constant 0 : i32
    %dma_wait3A_166 = arith.constant 0 : i32
    %dma_wait3A_167 = tpu.memref_slice %arg4[%dma_wait3A_159, %dma_wait3A_164, %add3A, %dma_wait3A_165, %dma_wait3A_166] : memref<200x4x32x8x128xf32, #tpu.memory_space<hbm>> -> memref<1x4x1x8x128xf32, #tpu.memory_space<hbm>>
    %dma_wait3A_168 = tpu.memref_squeeze %dma_wait3A_167 : memref<1x4x1x8x128xf32, #tpu.memory_space<hbm>> -> memref<4x8x128xf32, #tpu.memory_space<hbm>>
    %dma_wait3A_169 = arith.constant 0 : i32
    %dma_wait3A_170 = arith.constant 0 : i32
    %dma_wait3A_171 = arith.constant 0 : i32
    %dma_wait3A_172 = tpu.memref_slice %arg4[%dma_wait3A_159, %dma_wait3A_169, %add3A, %dma_wait3A_170, %dma_wait3A_171] : memref<200x4x32x8x128xf32, #tpu.memory_space<hbm>> -> memref<1x4x1x8x128xf32, #tpu.memory_space<hbm>>
    %dma_wait3A_173 = tpu.memref_squeeze %dma_wait3A_172 : memref<1x4x1x8x128xf32, #tpu.memory_space<hbm>> -> memref<4x8x128xf32, #tpu.memory_space<hbm>>
    %dma_wait3A_174 = arith.constant 0 : i32
    %dma_wait3A_175 = arith.constant 0 : i32
    %dma_wait3A_176 = arith.constant 0 : i32
    %dma_wait3A_177 = tpu.memref_slice %arg13[%dma_wait3A_174, %dma_wait3A_175, %dma_wait3A_176] : memref<4x8x129xf32, #tpu.memory_space<vmem>> -> memref<4x8x128xf32, #tpu.memory_space<vmem>>
    tpu.wait_dma2 semaphore(%arg25 : memref<!tpu.dma_semaphore, #tpu.memory_space<semaphore_mem>>) src(%dma_wait3A_177 : memref<4x8x128xf32, #tpu.memory_space<vmem>>) dst(%dma_wait3A_173 : memref<4x8x128xf32, #tpu.memory_space<hbm>>)
    %dma_wait3A_178 = arith.constant 197 : i32
    %dma_wait3A_179 = arith.constant 0 : i32
    %dma_wait3A_180 = arith.constant 0 : i32
    %dma_wait3A_181 = arith.constant 0 : i32
    %dma_wait3A_182 = tpu.memref_slice %arg14[%dma_wait3A_179, %dma_wait3A_180, %dma_wait3A_181] : memref<4x8x129xf32, #tpu.memory_space<vmem>> -> memref<4x8x128xf32, #tpu.memory_space<vmem>>
    %dma_wait3A_183 = arith.constant 0 : i32
    %dma_wait3A_184 = arith.constant 0 : i32
    %dma_wait3A_185 = arith.constant 0 : i32
    %dma_wait3A_186 = tpu.memref_slice %arg4[%dma_wait3A_178, %dma_wait3A_183, %add3A, %dma_wait3A_184, %dma_wait3A_185] : memref<200x4x32x8x128xf32, #tpu.memory_space<hbm>> -> memref<1x4x1x8x128xf32, #tpu.memory_space<hbm>>
    %dma_wait3A_187 = tpu.memref_squeeze %dma_wait3A_186 : memref<1x4x1x8x128xf32, #tpu.memory_space<hbm>> -> memref<4x8x128xf32, #tpu.memory_space<hbm>>
    %dma_wait3A_188 = arith.constant 0 : i32
    %dma_wait3A_189 = arith.constant 0 : i32
    %dma_wait3A_190 = arith.constant 0 : i32
    %dma_wait3A_191 = tpu.memref_slice %arg4[%dma_wait3A_178, %dma_wait3A_188, %add3A, %dma_wait3A_189, %dma_wait3A_190] : memref<200x4x32x8x128xf32, #tpu.memory_space<hbm>> -> memref<1x4x1x8x128xf32, #tpu.memory_space<hbm>>
    %dma_wait3A_192 = tpu.memref_squeeze %dma_wait3A_191 : memref<1x4x1x8x128xf32, #tpu.memory_space<hbm>> -> memref<4x8x128xf32, #tpu.memory_space<hbm>>
    %dma_wait3A_193 = arith.constant 0 : i32
    %dma_wait3A_194 = arith.constant 0 : i32
    %dma_wait3A_195 = arith.constant 0 : i32
    %dma_wait3A_196 = tpu.memref_slice %arg14[%dma_wait3A_193, %dma_wait3A_194, %dma_wait3A_195] : memref<4x8x129xf32, #tpu.memory_space<vmem>> -> memref<4x8x128xf32, #tpu.memory_space<vmem>>
    tpu.wait_dma2 semaphore(%arg26 : memref<!tpu.dma_semaphore, #tpu.memory_space<semaphore_mem>>) src(%dma_wait3A_196 : memref<4x8x128xf32, #tpu.memory_space<vmem>>) dst(%dma_wait3A_192 : memref<4x8x128xf32, #tpu.memory_space<hbm>>)
    %dma_wait3A_197 = arith.constant 198 : i32
    %dma_wait3A_198 = arith.constant 0 : i32
    %dma_wait3A_199 = arith.constant 0 : i32
    %dma_wait3A_200 = arith.constant 0 : i32
    %dma_wait3A_201 = tpu.memref_slice %arg15[%dma_wait3A_198, %dma_wait3A_199, %dma_wait3A_200] : memref<4x8x129xf32, #tpu.memory_space<vmem>> -> memref<4x8x128xf32, #tpu.memory_space<vmem>>
    %dma_wait3A_202 = arith.constant 0 : i32
    %dma_wait3A_203 = arith.constant 0 : i32
    %dma_wait3A_204 = arith.constant 0 : i32
    %dma_wait3A_205 = tpu.memref_slice %arg4[%dma_wait3A_197, %dma_wait3A_202, %add3A, %dma_wait3A_203, %dma_wait3A_204] : memref<200x4x32x8x128xf32, #tpu.memory_space<hbm>> -> memref<1x4x1x8x128xf32, #tpu.memory_space<hbm>>
    %dma_wait3A_206 = tpu.memref_squeeze %dma_wait3A_205 : memref<1x4x1x8x128xf32, #tpu.memory_space<hbm>> -> memref<4x8x128xf32, #tpu.memory_space<hbm>>
    %dma_wait3A_207 = arith.constant 0 : i32
    %dma_wait3A_208 = arith.constant 0 : i32
    %dma_wait3A_209 = arith.constant 0 : i32
    %dma_wait3A_210 = tpu.memref_slice %arg4[%dma_wait3A_197, %dma_wait3A_207, %add3A, %dma_wait3A_208, %dma_wait3A_209] : memref<200x4x32x8x128xf32, #tpu.memory_space<hbm>> -> memref<1x4x1x8x128xf32, #tpu.memory_space<hbm>>
    %dma_wait3A_211 = tpu.memref_squeeze %dma_wait3A_210 : memref<1x4x1x8x128xf32, #tpu.memory_space<hbm>> -> memref<4x8x128xf32, #tpu.memory_space<hbm>>
    %dma_wait3A_212 = arith.constant 0 : i32
    %dma_wait3A_213 = arith.constant 0 : i32
    %dma_wait3A_214 = arith.constant 0 : i32
    %dma_wait3A_215 = tpu.memref_slice %arg15[%dma_wait3A_212, %dma_wait3A_213, %dma_wait3A_214] : memref<4x8x129xf32, #tpu.memory_space<vmem>> -> memref<4x8x128xf32, #tpu.memory_space<vmem>>
    tpu.wait_dma2 semaphore(%arg27 : memref<!tpu.dma_semaphore, #tpu.memory_space<semaphore_mem>>) src(%dma_wait3A_215 : memref<4x8x128xf32, #tpu.memory_space<vmem>>) dst(%dma_wait3A_211 : memref<4x8x128xf32, #tpu.memory_space<hbm>>)
    %dma_wait3A_216 = arith.constant 199 : i32
    %dma_wait3A_217 = arith.constant 0 : i32
    %dma_wait3A_218 = arith.constant 0 : i32
    %dma_wait3A_219 = arith.constant 0 : i32
    %dma_wait3A_220 = tpu.memref_slice %arg16[%dma_wait3A_217, %dma_wait3A_218, %dma_wait3A_219] : memref<4x8x129xf32, #tpu.memory_space<vmem>> -> memref<4x8x128xf32, #tpu.memory_space<vmem>>
    %dma_wait3A_221 = arith.constant 0 : i32
    %dma_wait3A_222 = arith.constant 0 : i32
    %dma_wait3A_223 = arith.constant 0 : i32
    %dma_wait3A_224 = tpu.memref_slice %arg4[%dma_wait3A_216, %dma_wait3A_221, %add3A, %dma_wait3A_222, %dma_wait3A_223] : memref<200x4x32x8x128xf32, #tpu.memory_space<hbm>> -> memref<1x4x1x8x128xf32, #tpu.memory_space<hbm>>
    %dma_wait3A_225 = tpu.memref_squeeze %dma_wait3A_224 : memref<1x4x1x8x128xf32, #tpu.memory_space<hbm>> -> memref<4x8x128xf32, #tpu.memory_space<hbm>>
    %dma_wait3A_226 = arith.constant 0 : i32
    %dma_wait3A_227 = arith.constant 0 : i32
    %dma_wait3A_228 = arith.constant 0 : i32
    %dma_wait3A_229 = tpu.memref_slice %arg4[%dma_wait3A_216, %dma_wait3A_226, %add3A, %dma_wait3A_227, %dma_wait3A_228] : memref<200x4x32x8x128xf32, #tpu.memory_space<hbm>> -> memref<1x4x1x8x128xf32, #tpu.memory_space<hbm>>
    %dma_wait3A_230 = tpu.memref_squeeze %dma_wait3A_229 : memref<1x4x1x8x128xf32, #tpu.memory_space<hbm>> -> memref<4x8x128xf32, #tpu.memory_space<hbm>>
    %dma_wait3A_231 = arith.constant 0 : i32
    %dma_wait3A_232 = arith.constant 0 : i32
    %dma_wait3A_233 = arith.constant 0 : i32
    %dma_wait3A_234 = tpu.memref_slice %arg16[%dma_wait3A_231, %dma_wait3A_232, %dma_wait3A_233] : memref<4x8x129xf32, #tpu.memory_space<vmem>> -> memref<4x8x128xf32, #tpu.memory_space<vmem>>
    tpu.wait_dma2 semaphore(%arg28 : memref<!tpu.dma_semaphore, #tpu.memory_space<semaphore_mem>>) src(%dma_wait3A_234 : memref<4x8x128xf32, #tpu.memory_space<vmem>>) dst(%dma_wait3A_230 : memref<4x8x128xf32, #tpu.memory_space<hbm>>)
    return
  }
}

</mosaic_0001>

<sc_bundles>
// kernel: kernel.3.cloned.1.call-start
scs
__scs_entry_jumppad:
0x0: {  	(pc) =	sbr.rel $0x88, $3  }
0x1: {  	(tag) =	ssettag $0x0;
	lr =	simm.s32 $0x1  }
0x2: {  	[smem:$0x3F9F] =	sst lr;
	_ =	strace $0xD0000000  }
0x3: {  	_ = 	snop  }
0x4: {  	_ = 	snop  }
0x5: {  	_ = 	snop  }
0x6: {  	_ = 	snop  }
0x7: {  	_ = 	snop  }
__scs_overlays_trampoline_lowered:
0x8: {  	[smem:$0x3FAE] =	sst s0  }
0x9: {  	[smem:$0x3FAF] =	sst s1  }
0xa: {  	[smem:$0x3FB0] =	sst s2  }
0xb: {  	[smem:$0x3FB1] =	sst s3  }
0xc: {  	[smem:$0x3FB2] =	sst s4  }
0xd: {  	[smem:$0x3FB3] =	sst s5  }
0xe: {  	[smem:$0x3FB4] =	sst s6  }
0xf: {  	[smem:$0x3FB5] =	sst s7  }
0x10: {  	[smem:$0x3FB6] =	sst s8  }
0x11: {  	[smem:$0x3FB7] =	sst s9;
	s0 =	simm.s32 @!p0 $0x0  }
0x12: {  	s1 =	sld [smem:$0x3F9D];
	s0 =	simm.s32 @p0 $0x1  }
0x13: {  	[smem:$0x3FB8] =	sst s0;
	s0 =	simm.s32 @!p1 $0x0  }
0x14: {  	s2 =	sld [smem:$0x3F9C];
	s0 =	simm.s32 @p1 $0x1  }
0x15: {  	[smem:$0x3FB9] =	sst s0;
	s0 =	simm.s32 @!p2 $0x0  }
0x16: {  	s3 =	sld [smem:$0x3FDB];
	s0 =	simm.s32 @p2 $0x1  }
0x17: {  	s4 =	simm.s32 $0x1BF5;
	[smem:$0x3FBB] =	sst s0  }
0x18: {  	s0 =	sld [smem:$0x3F9E];
	_ =	swait.ge [sflag:s4], $0x0  }
0x19: {  	s7 =	sld [smem:$0x3F9F]  }
0x1a: {  	s8 =	sadd.s32 $0xFFFFE003, lr  }
0x1b: {  	s9 =	sadd.s32 $0xFFFFFEF7, lr;
	s5 =	simm.s32 $0xFFFFFFFF;
	p2 =	slt.u32 s8, $0xFFFFF086  }
0x1c: {  	p1 =	slt.u32 s9, $0xF7A;
	s5 =	simm.s32 @!p2 $0x0  }
0x1d: {  	s5 =	simm.s32 @p1 $0x1;
	p0 =	seq.s32 s7, s2  }
0x1e: {  	s7 =	smul.u32 @!p0 $0xF7A, s2;
	p2 =	seq.s32 @!p0 s5, $0x0  }
0x1f: {  	s9 =	smul.u32 $0xF7A, s1;
	s8 =	simm.s32 @!p0 $0x1BF5;
	p2 =	por !p2, p0  }
0x20: {  	[sflag:s8] =	ssyncset.s32 @!p0 $0xFFFFF086;
	s6 =	sadd.s32 @!p0 s3, s7;
	s7 =	simm.s32 @!p0 $0x108  }
0x21: {  	s3 =	sadd.s32 s3, s9;
	s6 =	sadd.s32 @!p0 $0x88, s6;
	s7 =	simm.s32 @p2 $0x1082  }
0x22: {  	[simem:s7], [sflag:s8] =	dma.local @!p0 [hbm:s6], $0xF7A  }
0x23: {  	s9 =	sor.u32 $0xD0000000, s2;
	s6 =	simm.s32 $0x108;
	_ =	swait.ge @!p0 [sflag:s8], $0x0  }
0x24: {  	s3 =	sadd.s32 $0x88, s3;
	s6 =	simm.s32 @!p1 $0x1082;
	[sflag:s4] =	ssyncset.s32 $0xFFFFF086  }
0x25: {  	[simem:s6], [sflag:s4] =	dma.local [hbm:s3], $0xF7A  }
0x26: {  	[smem:$0x3F9F] =	sst s1;
	(tag) =	ssettag s2;
	_ =	strace s9  }
0x27: {  	s1 =	sld [smem:$0x3FAF]  }
0x28: {  	s2 =	sld [smem:$0x3FB0]  }
0x29: {  	s4 =	sld [smem:$0x3FB2]  }
0x2a: {  	p0 =	seq.s32 s5, $0x0;
	s5 =	sld [smem:$0x3FB3]  }
0x2b: {  	s6 =	sld [smem:$0x3FB4]  }
0x2c: {  	s7 =	sld [smem:$0x3FB5]  }
0x2d: {  	s3 =	simm.s32 $0x108;
	s8 =	sld [smem:$0x3FB6]  }
0x2e: {  	s3 =	simm.s32 @!p0 $0x1082;
	s9 =	sld [smem:$0x3FB7]  }
0x2f: {  	lr =	sadd.s32 s0, s3;
	s0 =	sld [smem:$0x3FAE]  }
0x30: {  	s3 =	sld [smem:$0x3FB1]  }
0x31: {  	[smem:$0x3FBA] =	sst s10  }
0x32: {  	s10 =	sld [smem:$0x3FB8];
	_ =	sdelay $0x3  }
0x33: {  	p0 =	seq.s32 s10, $0x1;
	s10 =	sld [smem:$0x3FBA];
	_ =	sdelay $0x3  }
0x34: {  	[smem:$0x3FBA] =	sst s10  }
0x35: {  	s10 =	sld [smem:$0x3FB9];
	_ =	sdelay $0x3  }
0x36: {  	p1 =	seq.s32 s10, $0x1;
	s10 =	sld [smem:$0x3FBA];
	_ =	sdelay $0x3  }
0x37: {  	[smem:$0x3FBA] =	sst s10  }
0x38: {  	s10 =	sld [smem:$0x3FBB]  }
0x39: {  	_ = 	snop;
	(pc) =	sbr.ind lr, $3  }
0x3a: {  	_ = 	snop  }
0x3b: {  	_ = 	snop  }
0x3c: {  	p2 =	seq.s32 s10, $0x1;
	s10 =	sld [smem:$0x3FBA]  }
0x3d: {  	_ =	shalt  }
0x3e: {  	_ =	shalt  }
0x3f: {  	_ =	shalt  }
0x40: {  	_ =	shalt  }
0x41: {  	_ =	shalt  }
0x42: {  	_ =	shalt  }
0x43: {  	_ =	shalt  }
0x44: {  	_ =	shalt  }
0x45: {  	_ =	shalt  }
0x46: {  	_ =	shalt  }
0x47: {  	_ =	shalt  }
0x48: {  	_ =	shalt  }
0x49: {  	_ =	shalt  }
0x4a: {  	_ =	shalt  }
0x4b: {  	_ =	shalt  }
0x4c: {  	_ =	shalt  }
0x4d: {  	_ =	shalt  }
0x4e: {  	_ =	shalt  }
0x4f: {  	_ =	shalt  }
0x50: {  	_ =	shalt  }
0x51: {  	_ =	shalt  }
0x52: {  	_ =	shalt  }
0x53: {  	_ =	shalt  }
0x54: {  	_ =	shalt  }
0x55: {  	_ =	shalt  }
0x56: {  	_ =	shalt  }
0x57: {  	_ =	shalt  }
0x58: {  	_ =	shalt  }
0x59: {  	_ =	shalt  }
0x5a: {  	_ =	shalt  }
0x5b: {  	_ =	shalt  }
0x5c: {  	_ =	shalt  }
0x5d: {  	_ =	shalt  }
0x5e: {  	_ =	shalt  }
0x5f: {  	_ =	shalt  }
0x60: {  	_ =	shalt  }
0x61: {  	_ =	shalt  }
0x62: {  	_ =	shalt  }
0x63: {  	_ =	shalt  }
0x64: {  	_ =	shalt  }
0x65: {  	_ =	shalt  }
0x66: {  	_ =	shalt  }
0x67: {  	_ =	shalt  }
0x68: {  	_ =	shalt  }
0x69: {  	_ =	shalt  }
0x6a: {  	_ =	shalt  }
0x6b: {  	_ =	shalt  }
0x6c: {  	_ =	shalt  }
0x6d: {  	_ =	shalt  }
0x6e: {  	_ =	shalt  }
0x6f: {  	_ =	shalt  }
0x70: {  	_ =	shalt  }
0x71: {  	_ =	shalt  }
0x72: {  	_ =	shalt  }
0x73: {  	_ =	shalt  }
0x74: {  	_ =	shalt  }
0x75: {  	_ =	shalt  }
0x76: {  	_ =	shalt  }
0x77: {  	_ =	shalt  }
0x78: {  	_ =	shalt  }
0x79: {  	_ =	shalt  }
0x7a: {  	_ =	shalt  }
0x7b: {  	_ =	shalt  }
0x7c: {  	_ =	shalt  }
0x7d: {  	_ =	shalt  }
0x7e: {  	_ =	shalt  }
0x7f: {  	_ =	shalt  }
0x80: {  	_ =	shalt  }
0x81: {  	_ =	shalt  }
0x82: {  	_ =	shalt  }
0x83: {  	_ =	shalt  }
0x84: {  	_ =	shalt  }
0x85: {  	_ =	shalt  }
0x86: {  	_ =	shalt  }
0x87: {  	_ =	shalt  }
.Lfunc_end0:
.L_simem_size_0:
called_computation_lowered:
.L_overlay_start_0:
0x88: {  	s2 =	sld [smem:$0x3FD9]  }
0x89: {  	s3 =	sld [smem:$0x3FFE];
	_ =	sdelay $0x1  }
0x8a: {  	s1 =	srdreg.scid  }
0x8b: {  	s0 =	sand.u32 $0x1, s1  }
0x8c: {  	s17 =	sshll.u32 s0, $0xA;
	s2 =	sadd.s32 s3, s2  }
0x8d: {  	s2 =	sadd.s32 s2, s17  }
0x8e: {  	[smem:$0x3FC6] =	sst s2  }
0x8f: {  	_ = 	snop  }
0x90: {  	s2 =	sld [smem:$0x3FC9]  }
0x91: {  	s18 =	sld [smem:$0x3FD0];
	(tm) =	ssettm $0x1  }
0x92: {  	s4 =	sld [smem:$0x3FFB];
	_ =	sdelay $0x3  }
0x93: {  	_ =	strace s4  }
0x94: {  	s4 =	sld [smem:$0x3FFC];
	_ =	sdelay $0x3  }
0x95: {  	_ =	strace s4  }
0x96: {  	s4 =	sld [smem:$0x3FFD];
	_ =	sdelay $0x3  }
0x97: {  	_ =	strace s4  }
0x98: {  	_ =	strace $0x8FFFFFFF  }
0x99: {  	s19 =	sld [smem:$0x3FDB];
	_ =	sdelay $0x1  }
0x9a: {  	s5 =	simm.s32 $_scs_section_size  }
0x9b: {  	s6 =	simm.s32 $_size__tile_overlayer_lowered;
	s7 =	simm.s32 $_tile_overlayer_lowered  }
0x9c: {  	s22 =	simm.s32 $0x1BFF;
	s21 =	sshll.u32 s7, $0x1;
	s4 =	sadd.s32 s5, s19  }
0x9d: {  	s8 =	simm.s32 $0x0;
	s20 =	sshll.u32 s6, $0x1;
	s6 =	sadd.s32 s21, s4  }
0x9e: {  	[timem:s8], [sflag:s22] =	dma.local [hbm:s6], s20  }
0x9f: {  	_ =	swait.ge [sflag:s22], s20  }
0xa0: {  	s5 =	ssub.s32 $0x0, s20;
	[sflag:s22] =	ssyncset.done $0x0  }
0xa1: {  	[sflag:s22] =	ssyncadd.s32 s5;
	_ =	sdelay $0x1  }
0xa2: {  	s23 =	simm.s32 $0x1B8B  }
0xa3: {  	_ =	swait.ge [sflag:s23], $0x1  }
0xa4: {  	[sflag:s23] =	ssyncset.done $0x0  }
0xa5: {  	s25 =	simm.s32 $0x1B8E;
	s24 =	sld [smem:$0x3FFE];
	[sflag:s23] =	ssyncadd.s32 $0xFFFFFFFF  }
0xa6: {  	s26 =	simm.s32 $execute0_lowered;
	[smem:$0x3FD2] =	sst s25  }
0xa7: {  	s6 =	sshll.u32 s26, $0x1;
	_ =	strace $0x80000046;
	[dreg:$0x1] =	wrdreg $0xFFFFFFFF  }
0xa8: {  	s28 =	simm.s32 $_size_execute0_lowered;
	s4 =	sadd.s32 s4, s6;
	[dreg:$0x0] =	wrdreg $0x0  }
0xa9: {  	s6 =	sshll.u32 s28, $0x1;
	[dreg:$0x2] =	wrdreg s4  }
0xaa: {  	[dreg:$0x3] =	wrdreg s6  }
0xab: {  	[dreg:$0x4] =	wrdreg $0xC0  }
0xac: {  	_ =	task [dreg:s8], $0x5FFFF  }
0xad: {  	[dreg:$0x1] =	wrdreg $0xFFFFFFFF  }
0xae: {  	[dreg:$0x0] =	wrdreg $0x60  }
0xaf: {  	[dreg:$0x2] =	wrdreg s2  }
0xb0: {  	[dreg:$0x3] =	wrdreg s24  }
0xb1: {  	[dreg:$0x4] =	wrdreg s18  }
0xb2: {  	[dreg:$0x5] =	wrdreg $0x9  }
0xb3: {  	_ =	task.clear_ibuf [dreg:s8], $0x6FFFF;
	_ =	strace $0x90000046  }
0xb4: {  	s29 =	simm.s32 $0x9;
	_ =	strace $0x80000048  }
0xb5: {  	_ =	swait.ge [sflag:s29], $0x1  }
0xb6: {  	[sflag:s29] =	ssyncadd.s32 $0xFFFFFFFF  }
0xb7: {  	_ =	strace $0x90000048  }
0xb8: {  	_ =	sfence  }
0xb9: {  	s30 =	sld [smem:$0x0];
	_ =	sdelay $0x2  }
0xba: {  	s31 =	sshll.u32 s1, $0xD;
	s1 =	sshrl.u32 s1, $0x2  }
0xbb: {  	s3 =	sand.u32 $0x4000, s31;
	s1 =	sadd.s32 s1, s30  }
0xbc: {  	s0 =	sor.u32 s3, s0;
	s1 =	sshll.u32 s1, $0x11  }
0xbd: {  	s0 =	sor.u32 s1, s0  }
0xbe: {  	s0 =	sadd.s32 $0x8F2B, s0  }
0xbf: {  	[sflag:s0] =	ssyncadd.remote.s32 $0x1  }
0xc0: {  	_ =	sfence.sel $0xFFFF  }
0xc1: {  	[dreg:$0x0] =	wrdreg $0xFFFFFFFF;
	(pc) =	sbr.abs _section_cstart, $3  }
0xc2: {  	[dreg:$0x1] =	wrdreg $0xFFFFFFFF  }
0xc3: {  	_ =	task.clear_ibuf [dreg:s8], $0x2FFFF;
	_ =	strace $0x9FFFFFFF  }
0xc4: {  	(tm) =	ssettm $0x7FFFFFFF  }
0xc5: {  	_ =	shalt  }
tec
execute0_lowered:
.L_overlay_start_1:
0x0: {  	(tag) =	ssettag $0x1  }
0x1: {  	s1 =	rddreg [dreg:$0x0]  }
0x2: {  	s0 =	rddreg [dreg:$0x1]  }
0x3: {  	s7 =	rddreg [dreg:$0x2]  }
0x4: {  	s2 =	srdreg.scid;
	s3 =	stileid.u32  }
0x5: {  	s4 =	simm.s32 $0x0;
	s15 =	simm.s32 $0x80;
	s22 =	simm.s32 $0x5  }
0x6: {  	s23 =	simm.s32 $0x3;
	s18 =	simm.s32 $0x4;
	s17 =	simm.s32 $0x7  }
0x7: {  	s24 =	simm.s32 $0x6400;
	s28 =	simm.s32 $0x8;
	s29 =	simm.s32 $0x7500  }
0x8: {  	s19 =	simm.s32 $0x8578;
	s21 =	simm.s32 $0xB;
	s8 =	simm.s32 $0xC  }
0x9: {  	s10 =	simm.s32 $0x0;
	s2 =	sand.u32 $0x1, s2;
	s3 =	sshll.u32 s3, $0xB  }
0xa: {  	[smem:$0x7FF] =	sst s4;
	s6 =	sadd.s32 $0xF42800, s0;
	s5 =	sshll.u32 s2, $0xA  }
0xb: {  	v0 =	vlaneseq.u32;
	s11 =	sadd.s32 $0x4000, s7;
	s2 =	ssub.s32 $0x2, s2;
	s5 =	sor.u32 s5, s3  }
0xc: {  	v1 =	vimm.s32 $0x0;
	vm0 =	vcmask $0x300;
	s12 =	sadd.s32 $0x8000, s7;
	v0 =	vmul.u32 $0x88, v0;
	s25 =	sshrl.u32 s2, $0x1;
	s3 =	sshrl.u32 s5, $0x3  }
0xd: {  	s13 =	sadd.s32 $0xC000, s7;
	v1 =	vsel vm0, $0x3, v1;
	s0 =	ssub.s32 s2, s25;
	s3 =	sadd.s32 s1, s3  }
0xe: {  	_ =	strace $0x80000047;
	v2 =	vadd.s32 $0x880, v0;
	v3 =	vor.u32 $0x1, v0;
	v4 =	vadd.s32 $0x881, v0;
	s0 =	smax.u32 s0, $0x1;
	[dreg:$0x4] =	wrdreg s3  }
0xf: {  	s7 =	simm.s32 $0x6;
	v5 =	vor.u32 $0x2, v0;
	v6 =	vadd.s32 $0x882, v0;
	v7 =	vor.u32 $0x3, v0;
	s26 =	sadd.s32 $0x10, s3;
	[dreg:$0x8] =	wrdreg s0  }
0x10: {  	v8 =	vadd.s32 $0x883, v0;
	v9 =	vor.u32 $0x4, v0;
	v10 =	vadd.s32 $0x884, v0;
	s25 =	simm.s32 $0x4200;
	s30 =	sadd.s32 $0x20, s3;
	[dreg:$0x5] =	wrdreg s26  }
0x11: {  	v11 =	vor.u32 $0x5, v0;
	v12 =	vadd.s32 $0x885, v0;
	v13 =	vor.u32 $0x6, v0;
	s2 =	simm.s32 $0x84F0;
	s31 =	sadd.s32 $0x30, s3;
	[dreg:$0x6] =	wrdreg s30  }
0x12: {  	v14 =	vadd.s32 $0x886, v0;
	v15 =	vor.u32 $0x7, v0;
	v16 =	vadd.s32 $0x887, v0;
	s3 =	simm.s32 $0x5300;
	s0 =	simm.s32 $0x8468;
	[dreg:$0x7] =	wrdreg s31  }
.LBB2_1:
0x13: {  	[dreg:$0x9] =	wrdreg s10  }
0x14: {  	s9 =	rddreg [dreg:$0x4]  }
0x15: {  	[tilespmem:s4], [sflag:$0x1] =	stream.linear.gather [hbm4b:s9+s4], $0x80, $0x38;
	[tilespmem:$0x8600] =	vst v63  }
0x16: {  	s26 =	rddreg [dreg:$0x5]  }
0x17: {  	[tilespmem:s15], [sflag:$0x2] =	stream.linear.gather [hbm4b:s26+s4], $0x80, $0x38;
	[tilespmem:$0x8600] =	vst v63  }
0x18: {  	s30 =	rddreg [dreg:$0x6];
	s31 =	simm.s32 $0x100  }
0x19: {  	[tilespmem:s31], [sflag:$0x3] =	stream.linear.gather [hbm4b:s30+s4], $0x80, $0x38;
	[tilespmem:$0x8600] =	vst v63  }
0x1a: {  	s14 =	rddreg [dreg:$0x7];
	s16 =	simm.s32 $0x180;
	s20 =	simm.s32 $0x1  }
0x1b: {  	[tilespmem:s16], [sflag:$0x4] =	stream.linear.gather [hbm4b:s14+s4], $0x80, $0x38;
	[tilespmem:$0x8600] =	vst v63  }
0x1c: {  	_ =	swait.ge [sflag:s20], $0x80  }
0x1d: {  	[sflag:s20] =	ssyncset.done $0x0  }
0x1e: {  	s26 =	simm.s32 $0x200;
	s30 =	simm.s32 $0x2;
	[sflag:s20] =	ssyncadd.s32 $0xFFFFFF80  }
0x1f: {  	[tilespmem:s26], [sflag:$0x5] =	stream.indirect.gather [hbm4b:s6+s15], $0x20, s4, s15, $0xb8;
	[tilespmem:$0x8600] =	vst v63  }
0x20: {  	_ =	swait.ge [sflag:s30], $0x80  }
0x21: {  	[sflag:s30] =	ssyncset.done $0x0  }
0x22: {  	s9 =	simm.s32 $0x0;
	s31 =	simm.s32 $0x1200;
	[sflag:s30] =	ssyncadd.s32 $0xFFFFFF80  }
0x23: {  	[tilespmem:s31], [sflag:$0x6] =	stream.indirect.gather [hbm4b:s6+s15], $0x20, s15, s15, $0xb8;
	[tilespmem:$0x8600] =	vst v63  }
.LBB2_2:
0x24: {  	s14 =	sshll.u32 s9, $0x2;
	p0 =	seq.s32 s9, $0x31  }
0x25: {  	s10 =	sadd.s32 @!p0 $0x4, s14  }
0x26: {  	s16 =	sshll.u32 @!p0 s10, $0x7;
	s10 =	sshll.u32 @!p0 s10, $0xC  }
0x27: {  	s16 =	sand.u32 @!p0 $0x200, s16;
	s10 =	sand.u32 @!p0 $0x1F8000, s10  }
0x28: {  	s10 =	sor.u32 @!p0 s10, s16  }
0x29: {  	_ =	swait.ge [sflag:s22], $0x1000;
	s10 =	sor.u32 @!p0 s5, s10  }
0x2a: {  	[sflag:s22] =	ssyncset.done $0x0;
	s10 =	sshrl.u32 @!p0 s10, $0x3  }
0x2b: {  	[sflag:s22] =	ssyncadd.s32 $0xFFFFF000;
	s16 =	simm.s32 @!p0 $0x0;
	s10 =	sadd.s32 @!p0 s1, s10  }
0x2c: {  	[tilespmem:s16], [sflag:$0x1] =	stream.linear.gather @!p0 [hbm4b:s10+s16], $0x80, $0x38;
	[tilespmem:$0x8600] =	vst v63  }
0x2d: {  	s30 =	simm.s32 $0x100;
	_ =	swait.ge [sflag:s23], $0x80  }
0x2e: {  	s20 =	simm.s32 $0x0;
	p1 =	seq.s32 s9, $0x0;
	[sflag:s23] =	ssyncset.done $0x0  }
0x2f: {  	s31 =	simm.s32 $0x2200;
	v17 =	vmov s20;
	s10 =	simm.s32 @!p1 $0x9;
	[sflag:s23] =	ssyncadd.s32 $0xFFFFFF80  }
0x30: {  	v17 =	vshrl.u32 v17, $0x3;
	[tilespmem:s31], [sflag:$0x7] =	stream.indirect.gather [hbm4b:s6+s15], $0x20, s30, s15, $0xb8;
	[tilespmem:$0x8600] =	vst v63  }
0x31: {  	v17 =	vshll.u32 v17, v1;
	_ =	swait.ge @!p1 [sflag:s10], $0x1000  }
0x32: {  	v17 =	vbroadcast v17, $0x0;
	[sflag:s10] =	ssyncset.done @!p1 $0x0  }
0x33: {  	[sflag:s10] =	ssyncadd.s32 @!p1 $0xFFFFF000;
	s10 =	simm.s32 $0x280  }
0x34: {  	v19 =	vadd.s32 v0, v17;
	v18 =	vld [tilespmem:s10+$0xFFFFFF80]  }
0x35: {  	s26 =	simm.s32 $0x1;
	v17 =	vadd.s32 v2, v17;
	v20 =	vld [tilespmem:s10+$0xFFFFFF90]  }
0x36: {  	v21 =	vmov s26  }
0x37: {  	v21 =	vshrl.u32 v21, $0x3  }
0x38: {  	v21 =	vshll.u32 v21, v1  }
0x39: {  	[tilespmem:v19+s25+$0x0] =	vst.idx.msk $0xffff, v18;
	v18 =	vbroadcast v21, $0x0  }
0x3a: {  	[tilespmem:v17+s25+$0x0] =	vst.idx.msk $0xffff, v20  }
0x3b: {  	v17 =	vld [tilespmem:s10+$0xFFFFFFA0];
	v19 =	vadd.s32 v3, v18  }
0x3c: {  	s30 =	simm.s32 $0x2;
	v20 =	vld [tilespmem:s10+$0xFFFFFFB0];
	v18 =	vadd.s32 v4, v18  }
0x3d: {  	v58 =	vmov s30  }
0x3e: {  	v21 =	vshrl.u32 v58, $0x3  }
0x3f: {  	v21 =	vshll.u32 v21, v1  }
0x40: {  	[tilespmem:v19+s25+$0x0] =	vst.idx.msk $0xffff, v17;
	v17 =	vbroadcast v21, $0x0  }
0x41: {  	[tilespmem:v18+s25+$0x0] =	vst.idx.msk $0xffff, v20  }
0x42: {  	v18 =	vld [tilespmem:s10+$0xFFFFFFC0];
	v19 =	vadd.s32 v5, v17  }
0x43: {  	s31 =	simm.s32 $0x3;
	v20 =	vld [tilespmem:s10+$0xFFFFFFD0];
	v17 =	vadd.s32 v6, v17  }
0x44: {  	v59 =	vmov s31  }
0x45: {  	v21 =	vshrl.u32 v59, $0x3  }
0x46: {  	v21 =	vshll.u32 v21, v1  }
0x47: {  	[tilespmem:v19+s25+$0x0] =	vst.idx.msk $0xffff, v18;
	v18 =	vbroadcast v21, $0x0  }
0x48: {  	[tilespmem:v17+s25+$0x0] =	vst.idx.msk $0xffff, v20  }
0x49: {  	v17 =	vld [tilespmem:s10+$0xFFFFFFE0];
	v19 =	vadd.s32 v7, v18  }
0x4a: {  	s20 =	simm.s32 $0x4;
	v20 =	vld [tilespmem:s10+$0xFFFFFFF0];
	v18 =	vadd.s32 v8, v18  }
0x4b: {  	v60 =	vmov s20  }
0x4c: {  	v21 =	vshrl.u32 v60, $0x3  }
0x4d: {  	v21 =	vshll.u32 v21, v1  }
0x4e: {  	[tilespmem:v19+s25+$0x0] =	vst.idx.msk $0xffff, v17;
	v17 =	vbroadcast v21, $0x0  }
0x4f: {  	[tilespmem:v18+s25+$0x0] =	vst.idx.msk $0xffff, v20  }
0x50: {  	v18 =	vld [tilespmem:s10+$0x0];
	v19 =	vadd.s32 v9, v17  }
0x51: {  	s26 =	simm.s32 $0x5;
	v20 =	vld [tilespmem:s10+$0x10];
	v17 =	vadd.s32 v10, v17  }
0x52: {  	v61 =	vmov s26  }
0x53: {  	v21 =	vshrl.u32 v61, $0x3  }
0x54: {  	v21 =	vshll.u32 v21, v1  }
0x55: {  	[tilespmem:v19+s25+$0x0] =	vst.idx.msk $0xffff, v18;
	v18 =	vbroadcast v21, $0x0  }
0x56: {  	[tilespmem:v17+s25+$0x0] =	vst.idx.msk $0xffff, v20  }
0x57: {  	v17 =	vld [tilespmem:s10+$0x20];
	v19 =	vadd.s32 v11, v18  }
0x58: {  	s30 =	simm.s32 $0x6;
	v20 =	vld [tilespmem:s10+$0x30];
	v18 =	vadd.s32 v12, v18  }
0x59: {  	v62 =	vmov s30  }
0x5a: {  	v21 =	vshrl.u32 v62, $0x3  }
0x5b: {  	v21 =	vshll.u32 v21, v1  }
0x5c: {  	[tilespmem:v19+s25+$0x0] =	vst.idx.msk $0xffff, v17;
	v17 =	vbroadcast v21, $0x0  }
0x5d: {  	[tilespmem:v18+s25+$0x0] =	vst.idx.msk $0xffff, v20  }
0x5e: {  	v18 =	vld [tilespmem:s10+$0x40];
	v19 =	vadd.s32 v13, v17  }
0x5f: {  	s31 =	simm.s32 $0x7;
	v20 =	vld [tilespmem:s10+$0x50];
	v17 =	vadd.s32 v14, v17  }
0x60: {  	v63 =	vmov s31  }
0x61: {  	v21 =	vshrl.u32 v63, $0x3  }
0x62: {  	v21 =	vshll.u32 v21, v1  }
0x63: {  	[tilespmem:v19+s25+$0x0] =	vst.idx.msk $0xffff, v18;
	v19 =	vbroadcast v21, $0x0  }
0x64: {  	[tilespmem:v17+s25+$0x0] =	vst.idx.msk $0xffff, v20  }
0x65: {  	v20 =	vld [tilespmem:s10+$0x60];
	v21 =	vadd.s32 v15, v19  }
0x66: {  	s16 =	simm.s32 $0x8  }
0x67: {  	v17 =	vmov s16;
	v18 =	vld [tilespmem:s10+$0x70];
	v19 =	vadd.s32 v16, v19  }
0x68: {  	v17 =	vshrl.u32 v17, $0x3  }
0x69: {  	v17 =	vshll.u32 v17, v1  }
0x6a: {  	s20 =	simm.s32 $0x10;
	v17 =	vbroadcast v17, $0x0;
	[tilespmem:v21+s25+$0x0] =	vst.idx.msk $0xffff, v20  }
.LBB2_3:
0x6b: {  	p2 =	slt.u32 s20, $0x78  }
0x6c: {  	[tilespmem:v19+s25+$0x0] =	vst.idx.msk $0xffff, v18;
	s10 =	sadd.s32 $0x100, s10;
	s26 =	smov.u32 s20;
	s20 =	sadd.s32 $0x8, s20  }
0x6d: {  	v18 =	vld [tilespmem:s10+$0xFFFFFF80];
	v19 =	vadd.s32 v0, v17  }
0x6e: {  	s30 =	sadd.s32 $0x1, s16;
	v17 =	vadd.s32 v2, v17;
	v20 =	vld [tilespmem:s10+$0xFFFFFF90]  }
0x6f: {  	v21 =	vmov s30  }
0x70: {  	v21 =	vshrl.u32 v21, $0x3  }
0x71: {  	v21 =	vshll.u32 v21, v1  }
0x72: {  	[tilespmem:v19+s25+$0x0] =	vst.idx.msk $0xffff, v18;
	v18 =	vbroadcast v21, $0x0  }
0x73: {  	[tilespmem:v17+s25+$0x0] =	vst.idx.msk $0xffff, v20  }
0x74: {  	v17 =	vld [tilespmem:s10+$0xFFFFFFA0];
	v19 =	vadd.s32 v3, v18  }
0x75: {  	s30 =	sadd.s32 $0x2, s16;
	v18 =	vadd.s32 v4, v18;
	v20 =	vld [tilespmem:s10+$0xFFFFFFB0]  }
0x76: {  	v21 =	vmov s30  }
0x77: {  	v21 =	vshrl.u32 v21, $0x3  }
0x78: {  	v21 =	vshll.u32 v21, v1  }
0x79: {  	[tilespmem:v19+s25+$0x0] =	vst.idx.msk $0xffff, v17;
	v17 =	vbroadcast v21, $0x0  }
0x7a: {  	[tilespmem:v18+s25+$0x0] =	vst.idx.msk $0xffff, v20  }
0x7b: {  	v18 =	vld [tilespmem:s10+$0xFFFFFFC0];
	v19 =	vadd.s32 v5, v17  }
0x7c: {  	s30 =	sadd.s32 $0x3, s16;
	v17 =	vadd.s32 v6, v17;
	v20 =	vld [tilespmem:s10+$0xFFFFFFD0]  }
0x7d: {  	v21 =	vmov s30  }
0x7e: {  	v21 =	vshrl.u32 v21, $0x3  }
0x7f: {  	v21 =	vshll.u32 v21, v1  }
0x80: {  	[tilespmem:v19+s25+$0x0] =	vst.idx.msk $0xffff, v18;
	v18 =	vbroadcast v21, $0x0  }
0x81: {  	[tilespmem:v17+s25+$0x0] =	vst.idx.msk $0xffff, v20  }
0x82: {  	v17 =	vld [tilespmem:s10+$0xFFFFFFE0];
	v19 =	vadd.s32 v7, v18  }
0x83: {  	s30 =	sadd.s32 $0x4, s16;
	v18 =	vadd.s32 v8, v18;
	v20 =	vld [tilespmem:s10+$0xFFFFFFF0]  }
0x84: {  	v21 =	vmov s30  }
0x85: {  	v21 =	vshrl.u32 v21, $0x3  }
0x86: {  	v21 =	vshll.u32 v21, v1  }
0x87: {  	[tilespmem:v19+s25+$0x0] =	vst.idx.msk $0xffff, v17;
	v17 =	vbroadcast v21, $0x0  }
0x88: {  	[tilespmem:v18+s25+$0x0] =	vst.idx.msk $0xffff, v20  }
0x89: {  	v18 =	vld [tilespmem:s10+$0x0];
	v19 =	vadd.s32 v9, v17  }
0x8a: {  	s30 =	sadd.s32 $0x5, s16;
	v17 =	vadd.s32 v10, v17;
	v20 =	vld [tilespmem:s10+$0x10]  }
0x8b: {  	v21 =	vmov s30  }
0x8c: {  	v21 =	vshrl.u32 v21, $0x3  }
0x8d: {  	v21 =	vshll.u32 v21, v1  }
0x8e: {  	[tilespmem:v19+s25+$0x0] =	vst.idx.msk $0xffff, v18;
	v18 =	vbroadcast v21, $0x0  }
0x8f: {  	[tilespmem:v17+s25+$0x0] =	vst.idx.msk $0xffff, v20  }
0x90: {  	v17 =	vld [tilespmem:s10+$0x20];
	v19 =	vadd.s32 v11, v18  }
0x91: {  	s30 =	sadd.s32 $0x6, s16;
	v18 =	vadd.s32 v12, v18;
	v20 =	vld [tilespmem:s10+$0x30]  }
0x92: {  	v21 =	vmov s30  }
0x93: {  	v21 =	vshrl.u32 v21, $0x3  }
0x94: {  	v21 =	vshll.u32 v21, v1  }
0x95: {  	[tilespmem:v19+s25+$0x0] =	vst.idx.msk $0xffff, v17;
	v17 =	vbroadcast v21, $0x0  }
0x96: {  	[tilespmem:v18+s25+$0x0] =	vst.idx.msk $0xffff, v20  }
0x97: {  	v18 =	vld [tilespmem:s10+$0x40];
	v19 =	vadd.s32 v13, v17  }
0x98: {  	s30 =	sadd.s32 $0x7, s16;
	s16 =	smov.u32 s26;
	v17 =	vadd.s32 v14, v17;
	v20 =	vld [tilespmem:s10+$0x50]  }
0x99: {  	v21 =	vmov s30  }
0x9a: {  	v21 =	vshrl.u32 v21, $0x3  }
0x9b: {  	v21 =	vshll.u32 v21, v1  }
0x9c: {  	[tilespmem:v19+s25+$0x0] =	vst.idx.msk $0xffff, v18;
	v19 =	vbroadcast v21, $0x0  }
0x9d: {  	[tilespmem:v17+s25+$0x0] =	vst.idx.msk $0xffff, v20  }
0x9e: {  	v20 =	vld [tilespmem:s10+$0x60];
	v21 =	vadd.s32 v15, v19  }
.Ltmp0:
0x9f: {  	v19 =	vadd.s32 v16, v19;
	v18 =	vld [tilespmem:s10+$0x70];
	(pc) =	sbr.rel @p2 .LBB2_3-.Ltmp0, $4  }
0xa0: {  	v17 =	vmov s16  }
0xa1: {  	v17 =	vshrl.u32 v17, $0x3  }
0xa2: {  	v17 =	vshll.u32 v17, v1  }
0xa3: {  	v17 =	vbroadcast v17, $0x0;
	[tilespmem:v21+s25+$0x0] =	vst.idx.msk $0xffff, v20  }
0xa4: {  	_ =	sdelay $0x3  }
0xa5: {  	[tilespmem:v19+s25+$0x0] =	vst.idx.msk $0xffff, v18;
	s10 =	sadd.s32 $0x100, s10  }
0xa6: {  	v18 =	vld [tilespmem:s10+$0xFFFFFF80];
	v19 =	vadd.s32 v0, v17  }
0xa7: {  	s20 =	sadd.s32 $0x1, s16;
	v20 =	vld [tilespmem:s10+$0xFFFFFF90];
	v17 =	vadd.s32 v2, v17  }
0xa8: {  	v21 =	vmov s20  }
0xa9: {  	v21 =	vshrl.u32 v21, $0x3  }
0xaa: {  	v21 =	vshll.u32 v21, v1  }
0xab: {  	[tilespmem:v19+s25+$0x0] =	vst.idx.msk $0xffff, v18;
	v18 =	vbroadcast v21, $0x0  }
0xac: {  	[tilespmem:v17+s25+$0x0] =	vst.idx.msk $0xffff, v20  }
0xad: {  	v17 =	vld [tilespmem:s10+$0xFFFFFFA0];
	v19 =	vadd.s32 v3, v18  }
0xae: {  	s30 =	sadd.s32 $0x2, s16;
	v20 =	vld [tilespmem:s10+$0xFFFFFFB0];
	v18 =	vadd.s32 v4, v18  }
0xaf: {  	v51 =	vmov s30  }
0xb0: {  	v21 =	vshrl.u32 v51, $0x3  }
0xb1: {  	v21 =	vshll.u32 v21, v1  }
0xb2: {  	[tilespmem:v19+s25+$0x0] =	vst.idx.msk $0xffff, v17;
	v17 =	vbroadcast v21, $0x0  }
0xb3: {  	[tilespmem:v18+s25+$0x0] =	vst.idx.msk $0xffff, v20  }
0xb4: {  	v18 =	vld [tilespmem:s10+$0xFFFFFFC0];
	v19 =	vadd.s32 v5, v17  }
0xb5: {  	s31 =	sadd.s32 $0x3, s16;
	v20 =	vld [tilespmem:s10+$0xFFFFFFD0];
	v17 =	vadd.s32 v6, v17  }
0xb6: {  	v52 =	vmov s31  }
0xb7: {  	v21 =	vshrl.u32 v52, $0x3  }
0xb8: {  	v21 =	vshll.u32 v21, v1  }
0xb9: {  	[tilespmem:v19+s25+$0x0] =	vst.idx.msk $0xffff, v18;
	v18 =	vbroadcast v21, $0x0  }
0xba: {  	[tilespmem:v17+s25+$0x0] =	vst.idx.msk $0xffff, v20  }
0xbb: {  	v17 =	vld [tilespmem:s10+$0xFFFFFFE0];
	v19 =	vadd.s32 v7, v18  }
0xbc: {  	s26 =	sadd.s32 $0x4, s16;
	v20 =	vld [tilespmem:s10+$0xFFFFFFF0];
	v18 =	vadd.s32 v8, v18  }
0xbd: {  	v53 =	vmov s26  }
0xbe: {  	v21 =	vshrl.u32 v53, $0x3  }
0xbf: {  	v21 =	vshll.u32 v21, v1  }
0xc0: {  	[tilespmem:v19+s25+$0x0] =	vst.idx.msk $0xffff, v17;
	v17 =	vbroadcast v21, $0x0  }
0xc1: {  	[tilespmem:v18+s25+$0x0] =	vst.idx.msk $0xffff, v20  }
0xc2: {  	v18 =	vld [tilespmem:s10+$0x0];
	v19 =	vadd.s32 v9, v17  }
0xc3: {  	s30 =	sadd.s32 $0x5, s16;
	v20 =	vld [tilespmem:s10+$0x10];
	v17 =	vadd.s32 v10, v17  }
0xc4: {  	v54 =	vmov s30  }
0xc5: {  	v21 =	vshrl.u32 v54, $0x3  }
0xc6: {  	v21 =	vshll.u32 v21, v1  }
0xc7: {  	[tilespmem:v19+s25+$0x0] =	vst.idx.msk $0xffff, v18;
	v18 =	vbroadcast v21, $0x0  }
0xc8: {  	[tilespmem:v17+s25+$0x0] =	vst.idx.msk $0xffff, v20  }
0xc9: {  	v17 =	vld [tilespmem:s10+$0x20];
	v19 =	vadd.s32 v11, v18  }
0xca: {  	s31 =	sadd.s32 $0x6, s16;
	v20 =	vld [tilespmem:s10+$0x30];
	v18 =	vadd.s32 v12, v18  }
0xcb: {  	v55 =	vmov s31  }
0xcc: {  	v21 =	vshrl.u32 v55, $0x3  }
0xcd: {  	v21 =	vshll.u32 v21, v1  }
0xce: {  	[tilespmem:v19+s25+$0x0] =	vst.idx.msk $0xffff, v17;
	v17 =	vbroadcast v21, $0x0  }
0xcf: {  	[tilespmem:v18+s25+$0x0] =	vst.idx.msk $0xffff, v20  }
0xd0: {  	v18 =	vld [tilespmem:s10+$0x40];
	v19 =	vadd.s32 v13, v17  }
0xd1: {  	s20 =	sadd.s32 $0x7, s16;
	v20 =	vld [tilespmem:s10+$0x50];
	v17 =	vadd.s32 v14, v17  }
0xd2: {  	v56 =	vmov s20  }
0xd3: {  	v21 =	vshrl.u32 v56, $0x3  }
0xd4: {  	v21 =	vshll.u32 v21, v1  }
0xd5: {  	[tilespmem:v19+s25+$0x0] =	vst.idx.msk $0xffff, v18;
	v18 =	vbroadcast v21, $0x0  }
0xd6: {  	[tilespmem:v17+s25+$0x0] =	vst.idx.msk $0xffff, v20  }
0xd7: {  	v17 =	vld [tilespmem:s10+$0x60];
	v19 =	vadd.s32 v15, v18  }
0xd8: {  	v20 =	vld [tilespmem:s10+$0x70];
	v18 =	vadd.s32 v16, v18;
	_ =	sdelay $0x1  }
0xd9: {  	s26 =	sshll.u32 s9, $0x13  }
0xda: {  	s10 =	sor.u32 s5, s26  }
0xdb: {  	s30 =	rddreg [dreg:$0x2];
	s10 =	sshrl.u32 s10, $0x3;
	[tilespmem:v19+s25+$0x0] =	vst.idx.msk $0xffff, v17  }
0xdc: {  	s16 =	sadd.s32 s30, s10;
	[tilespmem:v18+s25+$0x0] =	vst.idx.msk $0xffff, v20  }
0xdd: {  	[hbm4b:s16+s4] =	stream.linear.scatter [tilespmem:s25], [sflag:$0x9], $0x80, $0x38;
	[tilespmem:$0x8600] =	vst v63  }
0xde: {  	s26 =	simm.s32 $0x4288;
	s31 =	sadd.s32 $0x10, s16  }
0xdf: {  	[hbm4b:s31+s4] =	stream.linear.scatter [tilespmem:s26], [sflag:$0x9], $0x80, $0x38;
	[tilespmem:$0x8600] =	vst v63  }
0xe0: {  	s30 =	sadd.s32 $0x20, s16;
	s31 =	simm.s32 $0x4310  }
0xe1: {  	[hbm4b:s30+s4] =	stream.linear.scatter [tilespmem:s31], [sflag:$0x9], $0x80, $0x38;
	[tilespmem:$0x8600] =	vst v63  }
0xe2: {  	s30 =	sadd.s32 $0x30, s16;
	s31 =	simm.s32 $0x4398  }
0xe3: {  	[hbm4b:s30+s4] =	stream.linear.scatter [tilespmem:s31], [sflag:$0x9], $0x80, $0x38;
	[tilespmem:$0x8600] =	vst v63  }
0xe4: {  	s30 =	sadd.s32 $0x40, s16;
	s31 =	simm.s32 $0x4420  }
0xe5: {  	[hbm4b:s30+s4] =	stream.linear.scatter [tilespmem:s31], [sflag:$0x9], $0x80, $0x38;
	[tilespmem:$0x8600] =	vst v63  }
0xe6: {  	s30 =	sadd.s32 $0x50, s16;
	s31 =	simm.s32 $0x44A8  }
0xe7: {  	[hbm4b:s30+s4] =	stream.linear.scatter [tilespmem:s31], [sflag:$0x9], $0x80, $0x38;
	[tilespmem:$0x8600] =	vst v63  }
0xe8: {  	s30 =	sadd.s32 $0x60, s16;
	s31 =	simm.s32 $0x4530  }
0xe9: {  	[hbm4b:s30+s4] =	stream.linear.scatter [tilespmem:s31], [sflag:$0x9], $0x80, $0x38;
	[tilespmem:$0x8600] =	vst v63  }
0xea: {  	s30 =	sadd.s32 $0x70, s16;
	s31 =	simm.s32 $0x45B8  }
0xeb: {  	[hbm4b:s30+s4] =	stream.linear.scatter [tilespmem:s31], [sflag:$0x9], $0x80, $0x38;
	[tilespmem:$0x8600] =	vst v63  }
0xec: {  	s30 =	sadd.s32 $0x1000, s16;
	s31 =	simm.s32 $0x4640  }
0xed: {  	[hbm4b:s30+s4] =	stream.linear.scatter [tilespmem:s31], [sflag:$0x9], $0x80, $0x38;
	[tilespmem:$0x8600] =	vst v63  }
0xee: {  	s30 =	sadd.s32 $0x1010, s16;
	s31 =	simm.s32 $0x46C8  }
0xef: {  	[hbm4b:s30+s4] =	stream.linear.scatter [tilespmem:s31], [sflag:$0x9], $0x80, $0x38;
	[tilespmem:$0x8600] =	vst v63  }
0xf0: {  	s30 =	sadd.s32 $0x1020, s16;
	s31 =	simm.s32 $0x4750  }
0xf1: {  	[hbm4b:s30+s4] =	stream.linear.scatter [tilespmem:s31], [sflag:$0x9], $0x80, $0x38;
	[tilespmem:$0x8600] =	vst v63  }
0xf2: {  	s30 =	sadd.s32 $0x1030, s16;
	s31 =	simm.s32 $0x47D8  }
0xf3: {  	[hbm4b:s30+s4] =	stream.linear.scatter [tilespmem:s31], [sflag:$0x9], $0x80, $0x38;
	[tilespmem:$0x8600] =	vst v63  }
0xf4: {  	s30 =	sadd.s32 $0x1040, s16;
	s31 =	simm.s32 $0x4860  }
0xf5: {  	[hbm4b:s30+s4] =	stream.linear.scatter [tilespmem:s31], [sflag:$0x9], $0x80, $0x38;
	[tilespmem:$0x8600] =	vst v63  }
0xf6: {  	s30 =	sadd.s32 $0x1050, s16;
	s31 =	simm.s32 $0x48E8  }
0xf7: {  	[hbm4b:s30+s4] =	stream.linear.scatter [tilespmem:s31], [sflag:$0x9], $0x80, $0x38;
	[tilespmem:$0x8600] =	vst v63  }
0xf8: {  	s30 =	sadd.s32 $0x1060, s16;
	s31 =	simm.s32 $0x4970  }
0xf9: {  	[hbm4b:s30+s4] =	stream.linear.scatter [tilespmem:s31], [sflag:$0x9], $0x80, $0x38;
	[tilespmem:$0x8600] =	vst v63  }
0xfa: {  	s30 =	sadd.s32 $0x1070, s16;
	s31 =	simm.s32 $0x49F8  }
0xfb: {  	[hbm4b:s30+s4] =	stream.linear.scatter [tilespmem:s31], [sflag:$0x9], $0x80, $0x38;
	[tilespmem:$0x8600] =	vst v63  }
0xfc: {  	s30 =	sadd.s32 $0x2000, s16;
	s31 =	simm.s32 $0x4A80  }
0xfd: {  	[hbm4b:s30+s4] =	stream.linear.scatter [tilespmem:s31], [sflag:$0x9], $0x80, $0x38;
	[tilespmem:$0x8600] =	vst v63  }
0xfe: {  	s30 =	sadd.s32 $0x2010, s16;
	s31 =	simm.s32 $0x4B08  }
0xff: {  	[hbm4b:s30+s4] =	stream.linear.scatter [tilespmem:s31], [sflag:$0x9], $0x80, $0x38;
	[tilespmem:$0x8600] =	vst v63  }
0x100: {  	s30 =	sadd.s32 $0x2020, s16;
	s31 =	simm.s32 $0x4B90  }
0x101: {  	[hbm4b:s30+s4] =	stream.linear.scatter [tilespmem:s31], [sflag:$0x9], $0x80, $0x38;
	[tilespmem:$0x8600] =	vst v63  }
0x102: {  	s30 =	sadd.s32 $0x2030, s16;
	s31 =	simm.s32 $0x4C18  }
0x103: {  	[hbm4b:s30+s4] =	stream.linear.scatter [tilespmem:s31], [sflag:$0x9], $0x80, $0x38;
	[tilespmem:$0x8600] =	vst v63  }
0x104: {  	s30 =	sadd.s32 $0x2040, s16;
	s31 =	simm.s32 $0x4CA0  }
0x105: {  	[hbm4b:s30+s4] =	stream.linear.scatter [tilespmem:s31], [sflag:$0x9], $0x80, $0x38;
	[tilespmem:$0x8600] =	vst v63  }
0x106: {  	s30 =	sadd.s32 $0x2050, s16;
	s31 =	simm.s32 $0x4D28  }
0x107: {  	[hbm4b:s30+s4] =	stream.linear.scatter [tilespmem:s31], [sflag:$0x9], $0x80, $0x38;
	[tilespmem:$0x8600] =	vst v63  }
0x108: {  	s30 =	sadd.s32 $0x2060, s16;
	s31 =	simm.s32 $0x4DB0  }
0x109: {  	[hbm4b:s30+s4] =	stream.linear.scatter [tilespmem:s31], [sflag:$0x9], $0x80, $0x38;
	[tilespmem:$0x8600] =	vst v63  }
0x10a: {  	s30 =	sadd.s32 $0x2070, s16;
	s31 =	simm.s32 $0x4E38  }
0x10b: {  	[hbm4b:s30+s4] =	stream.linear.scatter [tilespmem:s31], [sflag:$0x9], $0x80, $0x38;
	[tilespmem:$0x8600] =	vst v63  }
0x10c: {  	s30 =	sadd.s32 $0x3000, s16;
	s31 =	simm.s32 $0x4EC0  }
0x10d: {  	[hbm4b:s30+s4] =	stream.linear.scatter [tilespmem:s31], [sflag:$0x9], $0x80, $0x38;
	[tilespmem:$0x8600] =	vst v63  }
0x10e: {  	s30 =	sadd.s32 $0x3010, s16;
	s31 =	simm.s32 $0x4F48  }
0x10f: {  	[hbm4b:s30+s4] =	stream.linear.scatter [tilespmem:s31], [sflag:$0x9], $0x80, $0x38;
	[tilespmem:$0x8600] =	vst v63  }
0x110: {  	s30 =	sadd.s32 $0x3020, s16;
	s31 =	simm.s32 $0x4FD0  }
0x111: {  	[hbm4b:s30+s4] =	stream.linear.scatter [tilespmem:s31], [sflag:$0x9], $0x80, $0x38;
	[tilespmem:$0x8600] =	vst v63  }
0x112: {  	s30 =	sadd.s32 $0x3030, s16;
	s31 =	simm.s32 $0x5058  }
0x113: {  	[hbm4b:s30+s4] =	stream.linear.scatter [tilespmem:s31], [sflag:$0x9], $0x80, $0x38;
	[tilespmem:$0x8600] =	vst v63  }
0x114: {  	s30 =	sadd.s32 $0x3040, s16;
	s31 =	simm.s32 $0x50E0  }
0x115: {  	[hbm4b:s30+s4] =	stream.linear.scatter [tilespmem:s31], [sflag:$0x9], $0x80, $0x38;
	[tilespmem:$0x8600] =	vst v63  }
0x116: {  	s30 =	sadd.s32 $0x3050, s16;
	s31 =	simm.s32 $0x5168  }
0x117: {  	[hbm4b:s30+s4] =	stream.linear.scatter [tilespmem:s31], [sflag:$0x9], $0x80, $0x38;
	[tilespmem:$0x8600] =	vst v63  }
0x118: {  	s30 =	sadd.s32 $0x3060, s16;
	s31 =	simm.s32 $0x51F0  }
0x119: {  	[hbm4b:s30+s4] =	stream.linear.scatter [tilespmem:s31], [sflag:$0x9], $0x80, $0x38;
	[tilespmem:$0x8600] =	vst v63  }
0x11a: {  	s16 =	sadd.s32 $0x3070, s16;
	s30 =	simm.s32 $0x5278  }
0x11b: {  	[hbm4b:s16+s4] =	stream.linear.scatter [tilespmem:s30], [sflag:$0x9], $0x80, $0x38;
	[tilespmem:$0x8600] =	vst v63  }
0x11c: {  	s16 =	sadd.s32 @!p0 $0x5, s14  }
0x11d: {  	s20 =	sshll.u32 @!p0 s16, $0x7;
	s16 =	sshll.u32 @!p0 s16, $0xC  }
0x11e: {  	s20 =	sand.u32 @!p0 $0x280, s20;
	s16 =	sand.u32 @!p0 $0x1F8000, s16  }
0x11f: {  	s16 =	sor.u32 @!p0 s16, s20  }
0x120: {  	_ =	swait.ge [sflag:s7], $0x1000;
	s16 =	sor.u32 @!p0 s5, s16  }
0x121: {  	s26 =	simm.s32 @!p0 $0x80;
	[sflag:s7] =	ssyncset.done $0x0;
	s16 =	sshrl.u32 @!p0 s16, $0x3  }
0x122: {  	[sflag:s7] =	ssyncadd.s32 $0xFFFFF000;
	s20 =	simm.s32 @!p0 $0x0;
	s16 =	sadd.s32 @!p0 s1, s16  }
0x123: {  	[tilespmem:s26], [sflag:$0x2] =	stream.linear.gather @!p0 [hbm4b:s16+s20], $0x80, $0x38;
	[tilespmem:$0x8600] =	vst v63  }
0x124: {  	_ =	swait.ge [sflag:s18], $0x80  }
0x125: {  	s31 =	simm.s32 $0x0;
	s30 =	simm.s32 $0x3200;
	[sflag:s18] =	ssyncset.done $0x0  }
0x126: {  	v17 =	vmov s31;
	s26 =	simm.s32 $0x180;
	s16 =	simm.s32 @!p1 $0xA;
	[sflag:s18] =	ssyncadd.s32 $0xFFFFFF80  }
0x127: {  	v17 =	vshrl.u32 v17, $0x3;
	[tilespmem:s30], [sflag:$0x8] =	stream.indirect.gather [hbm4b:s6+s15], $0x20, s26, s15, $0xb8;
	[tilespmem:$0x8600] =	vst v63  }
0x128: {  	v17 =	vshll.u32 v17, v1;
	_ =	swait.ge @!p1 [sflag:s16], $0x1000  }
0x129: {  	v17 =	vbroadcast v17, $0x0;
	[sflag:s16] =	ssyncset.done @!p1 $0x0  }
0x12a: {  	[sflag:s16] =	ssyncadd.s32 @!p1 $0xFFFFF000;
	s16 =	simm.s32 $0x1280  }
0x12b: {  	v19 =	vadd.s32 v0, v17;
	v18 =	vld [tilespmem:s16+$0xFFFFFF80]  }
0x12c: {  	s31 =	simm.s32 $0x1;
	v17 =	vadd.s32 v2, v17;
	v20 =	vld [tilespmem:s16+$0xFFFFFF90]  }
0x12d: {  	v57 =	vmov s31  }
0x12e: {  	v21 =	vshrl.u32 v57, $0x3  }
0x12f: {  	v21 =	vshll.u32 v21, v1  }
0x130: {  	[tilespmem:v19+s3+$0x0] =	vst.idx.msk $0xffff, v18;
	v18 =	vbroadcast v21, $0x0  }
0x131: {  	[tilespmem:v17+s3+$0x0] =	vst.idx.msk $0xffff, v20  }
0x132: {  	v17 =	vld [tilespmem:s16+$0xFFFFFFA0];
	v19 =	vadd.s32 v3, v18  }
0x133: {  	s26 =	simm.s32 $0x2;
	v20 =	vld [tilespmem:s16+$0xFFFFFFB0];
	v18 =	vadd.s32 v4, v18  }
0x134: {  	v58 =	vmov s26  }
0x135: {  	v21 =	vshrl.u32 v58, $0x3  }
0x136: {  	v21 =	vshll.u32 v21, v1  }
0x137: {  	[tilespmem:v19+s3+$0x0] =	vst.idx.msk $0xffff, v17;
	v17 =	vbroadcast v21, $0x0  }
0x138: {  	[tilespmem:v18+s3+$0x0] =	vst.idx.msk $0xffff, v20  }
0x139: {  	v18 =	vld [tilespmem:s16+$0xFFFFFFC0];
	v19 =	vadd.s32 v5, v17  }
0x13a: {  	s30 =	simm.s32 $0x3;
	v20 =	vld [tilespmem:s16+$0xFFFFFFD0];
	v17 =	vadd.s32 v6, v17  }
0x13b: {  	v59 =	vmov s30  }
0x13c: {  	v21 =	vshrl.u32 v59, $0x3  }
0x13d: {  	v21 =	vshll.u32 v21, v1  }
0x13e: {  	[tilespmem:v19+s3+$0x0] =	vst.idx.msk $0xffff, v18;
	v18 =	vbroadcast v21, $0x0  }
0x13f: {  	[tilespmem:v17+s3+$0x0] =	vst.idx.msk $0xffff, v20  }
0x140: {  	v17 =	vld [tilespmem:s16+$0xFFFFFFE0];
	v19 =	vadd.s32 v7, v18  }
0x141: {  	s31 =	simm.s32 $0x4;
	v20 =	vld [tilespmem:s16+$0xFFFFFFF0];
	v18 =	vadd.s32 v8, v18  }
0x142: {  	v60 =	vmov s31  }
0x143: {  	v21 =	vshrl.u32 v60, $0x3  }
0x144: {  	v21 =	vshll.u32 v21, v1  }
0x145: {  	[tilespmem:v19+s3+$0x0] =	vst.idx.msk $0xffff, v17;
	v17 =	vbroadcast v21, $0x0  }
0x146: {  	[tilespmem:v18+s3+$0x0] =	vst.idx.msk $0xffff, v20  }
0x147: {  	v18 =	vld [tilespmem:s16+$0x0];
	v19 =	vadd.s32 v9, v17  }
0x148: {  	s26 =	simm.s32 $0x5;
	v20 =	vld [tilespmem:s16+$0x10];
	v17 =	vadd.s32 v10, v17  }
0x149: {  	v61 =	vmov s26  }
0x14a: {  	v21 =	vshrl.u32 v61, $0x3  }
0x14b: {  	v21 =	vshll.u32 v21, v1  }
0x14c: {  	[tilespmem:v19+s3+$0x0] =	vst.idx.msk $0xffff, v18;
	v18 =	vbroadcast v21, $0x0  }
0x14d: {  	[tilespmem:v17+s3+$0x0] =	vst.idx.msk $0xffff, v20  }
0x14e: {  	v17 =	vld [tilespmem:s16+$0x20];
	v19 =	vadd.s32 v11, v18  }
0x14f: {  	s30 =	simm.s32 $0x6;
	v20 =	vld [tilespmem:s16+$0x30];
	v18 =	vadd.s32 v12, v18  }
0x150: {  	v62 =	vmov s30  }
0x151: {  	v21 =	vshrl.u32 v62, $0x3  }
0x152: {  	v21 =	vshll.u32 v21, v1  }
0x153: {  	[tilespmem:v19+s3+$0x0] =	vst.idx.msk $0xffff, v17;
	v17 =	vbroadcast v21, $0x0  }
0x154: {  	[tilespmem:v18+s3+$0x0] =	vst.idx.msk $0xffff, v20  }
0x155: {  	v18 =	vld [tilespmem:s16+$0x40];
	v19 =	vadd.s32 v13, v17  }
0x156: {  	s31 =	simm.s32 $0x7;
	v20 =	vld [tilespmem:s16+$0x50];
	v17 =	vadd.s32 v14, v17  }
0x157: {  	v63 =	vmov s31  }
0x158: {  	v21 =	vshrl.u32 v63, $0x3  }
0x159: {  	v21 =	vshll.u32 v21, v1  }
0x15a: {  	[tilespmem:v19+s3+$0x0] =	vst.idx.msk $0xffff, v18;
	v19 =	vbroadcast v21, $0x0  }
0x15b: {  	[tilespmem:v17+s3+$0x0] =	vst.idx.msk $0xffff, v20  }
0x15c: {  	v20 =	vld [tilespmem:s16+$0x60];
	v21 =	vadd.s32 v15, v19  }
0x15d: {  	s20 =	simm.s32 $0x8  }
0x15e: {  	v17 =	vmov s20;
	v18 =	vld [tilespmem:s16+$0x70];
	v19 =	vadd.s32 v16, v19  }
0x15f: {  	v17 =	vshrl.u32 v17, $0x3  }
0x160: {  	v17 =	vshll.u32 v17, v1  }
0x161: {  	s26 =	simm.s32 $0x10;
	v17 =	vbroadcast v17, $0x0;
	[tilespmem:v21+s3+$0x0] =	vst.idx.msk $0xffff, v20  }
.LBB2_5:
0x162: {  	p1 =	slt.u32 s26, $0x78  }
0x163: {  	[tilespmem:v19+s3+$0x0] =	vst.idx.msk $0xffff, v18;
	s16 =	sadd.s32 $0x100, s16;
	s30 =	smov.u32 s26;
	s26 =	sadd.s32 $0x8, s26  }
0x164: {  	v18 =	vld [tilespmem:s16+$0xFFFFFF80];
	v19 =	vadd.s32 v0, v17  }
0x165: {  	s31 =	sadd.s32 $0x1, s20;
	v17 =	vadd.s32 v2, v17;
	v20 =	vld [tilespmem:s16+$0xFFFFFF90]  }
0x166: {  	v21 =	vmov s31  }
0x167: {  	v21 =	vshrl.u32 v21, $0x3  }
0x168: {  	v21 =	vshll.u32 v21, v1  }
0x169: {  	[tilespmem:v19+s3+$0x0] =	vst.idx.msk $0xffff, v18;
	v18 =	vbroadcast v21, $0x0  }
0x16a: {  	[tilespmem:v17+s3+$0x0] =	vst.idx.msk $0xffff, v20  }
0x16b: {  	v17 =	vld [tilespmem:s16+$0xFFFFFFA0];
	v19 =	vadd.s32 v3, v18  }
0x16c: {  	s31 =	sadd.s32 $0x2, s20;
	v18 =	vadd.s32 v4, v18;
	v20 =	vld [tilespmem:s16+$0xFFFFFFB0]  }
0x16d: {  	v21 =	vmov s31  }
0x16e: {  	v21 =	vshrl.u32 v21, $0x3  }
0x16f: {  	v21 =	vshll.u32 v21, v1  }
0x170: {  	[tilespmem:v19+s3+$0x0] =	vst.idx.msk $0xffff, v17;
	v17 =	vbroadcast v21, $0x0  }
0x171: {  	[tilespmem:v18+s3+$0x0] =	vst.idx.msk $0xffff, v20  }
0x172: {  	v18 =	vld [tilespmem:s16+$0xFFFFFFC0];
	v19 =	vadd.s32 v5, v17  }
0x173: {  	s31 =	sadd.s32 $0x3, s20;
	v17 =	vadd.s32 v6, v17;
	v20 =	vld [tilespmem:s16+$0xFFFFFFD0]  }
0x174: {  	v21 =	vmov s31  }
0x175: {  	v21 =	vshrl.u32 v21, $0x3  }
0x176: {  	v21 =	vshll.u32 v21, v1  }
0x177: {  	[tilespmem:v19+s3+$0x0] =	vst.idx.msk $0xffff, v18;
	v18 =	vbroadcast v21, $0x0  }
0x178: {  	[tilespmem:v17+s3+$0x0] =	vst.idx.msk $0xffff, v20  }
0x179: {  	v17 =	vld [tilespmem:s16+$0xFFFFFFE0];
	v19 =	vadd.s32 v7, v18  }
0x17a: {  	s31 =	sadd.s32 $0x4, s20;
	v18 =	vadd.s32 v8, v18;
	v20 =	vld [tilespmem:s16+$0xFFFFFFF0]  }
0x17b: {  	v21 =	vmov s31  }
0x17c: {  	v21 =	vshrl.u32 v21, $0x3  }
0x17d: {  	v21 =	vshll.u32 v21, v1  }
0x17e: {  	[tilespmem:v19+s3+$0x0] =	vst.idx.msk $0xffff, v17;
	v17 =	vbroadcast v21, $0x0  }
0x17f: {  	[tilespmem:v18+s3+$0x0] =	vst.idx.msk $0xffff, v20  }
0x180: {  	v18 =	vld [tilespmem:s16+$0x0];
	v19 =	vadd.s32 v9, v17  }
0x181: {  	s31 =	sadd.s32 $0x5, s20;
	v17 =	vadd.s32 v10, v17;
	v20 =	vld [tilespmem:s16+$0x10]  }
0x182: {  	v21 =	vmov s31  }
0x183: {  	v21 =	vshrl.u32 v21, $0x3  }
0x184: {  	v21 =	vshll.u32 v21, v1  }
0x185: {  	[tilespmem:v19+s3+$0x0] =	vst.idx.msk $0xffff, v18;
	v18 =	vbroadcast v21, $0x0  }
0x186: {  	[tilespmem:v17+s3+$0x0] =	vst.idx.msk $0xffff, v20  }
0x187: {  	v17 =	vld [tilespmem:s16+$0x20];
	v19 =	vadd.s32 v11, v18  }
0x188: {  	s31 =	sadd.s32 $0x6, s20;
	v18 =	vadd.s32 v12, v18;
	v20 =	vld [tilespmem:s16+$0x30]  }
0x189: {  	v21 =	vmov s31  }
0x18a: {  	v21 =	vshrl.u32 v21, $0x3  }
0x18b: {  	v21 =	vshll.u32 v21, v1  }
0x18c: {  	[tilespmem:v19+s3+$0x0] =	vst.idx.msk $0xffff, v17;
	v17 =	vbroadcast v21, $0x0  }
0x18d: {  	[tilespmem:v18+s3+$0x0] =	vst.idx.msk $0xffff, v20  }
0x18e: {  	v18 =	vld [tilespmem:s16+$0x40];
	v19 =	vadd.s32 v13, v17  }
0x18f: {  	s31 =	sadd.s32 $0x7, s20;
	s20 =	smov.u32 s30;
	v17 =	vadd.s32 v14, v17;
	v20 =	vld [tilespmem:s16+$0x50]  }
0x190: {  	v21 =	vmov s31  }
0x191: {  	v21 =	vshrl.u32 v21, $0x3  }
0x192: {  	v21 =	vshll.u32 v21, v1  }
0x193: {  	[tilespmem:v19+s3+$0x0] =	vst.idx.msk $0xffff, v18;
	v19 =	vbroadcast v21, $0x0  }
0x194: {  	[tilespmem:v17+s3+$0x0] =	vst.idx.msk $0xffff, v20  }
0x195: {  	v20 =	vld [tilespmem:s16+$0x60];
	v21 =	vadd.s32 v15, v19  }
.Ltmp1:
0x196: {  	v19 =	vadd.s32 v16, v19;
	v18 =	vld [tilespmem:s16+$0x70];
	(pc) =	sbr.rel @p1 .LBB2_5-.Ltmp1, $4  }
0x197: {  	v17 =	vmov s20  }
0x198: {  	v17 =	vshrl.u32 v17, $0x3  }
0x199: {  	v17 =	vshll.u32 v17, v1  }
0x19a: {  	v17 =	vbroadcast v17, $0x0;
	[tilespmem:v21+s3+$0x0] =	vst.idx.msk $0xffff, v20  }
0x19b: {  	_ =	sdelay $0x3  }
0x19c: {  	[tilespmem:v19+s3+$0x0] =	vst.idx.msk $0xffff, v18;
	s16 =	sadd.s32 $0x100, s16  }
0x19d: {  	v18 =	vld [tilespmem:s16+$0xFFFFFF80];
	v19 =	vadd.s32 v0, v17  }
0x19e: {  	s26 =	sadd.s32 $0x1, s20;
	v20 =	vld [tilespmem:s16+$0xFFFFFF90];
	v17 =	vadd.s32 v2, v17  }
0x19f: {  	v21 =	vmov s26  }
0x1a0: {  	v21 =	vshrl.u32 v21, $0x3  }
0x1a1: {  	v21 =	vshll.u32 v21, v1  }
0x1a2: {  	[tilespmem:v19+s3+$0x0] =	vst.idx.msk $0xffff, v18;
	v18 =	vbroadcast v21, $0x0  }
0x1a3: {  	[tilespmem:v17+s3+$0x0] =	vst.idx.msk $0xffff, v20  }
0x1a4: {  	v17 =	vld [tilespmem:s16+$0xFFFFFFA0];
	v19 =	vadd.s32 v3, v18  }
0x1a5: {  	s31 =	sadd.s32 $0x2, s20;
	v20 =	vld [tilespmem:s16+$0xFFFFFFB0];
	v18 =	vadd.s32 v4, v18  }
0x1a6: {  	v51 =	vmov s31  }
0x1a7: {  	v21 =	vshrl.u32 v51, $0x3  }
0x1a8: {  	v21 =	vshll.u32 v21, v1  }
0x1a9: {  	[tilespmem:v19+s3+$0x0] =	vst.idx.msk $0xffff, v17;
	v17 =	vbroadcast v21, $0x0  }
0x1aa: {  	[tilespmem:v18+s3+$0x0] =	vst.idx.msk $0xffff, v20  }
0x1ab: {  	v18 =	vld [tilespmem:s16+$0xFFFFFFC0];
	v19 =	vadd.s32 v5, v17  }
0x1ac: {  	s30 =	sadd.s32 $0x3, s20;
	v20 =	vld [tilespmem:s16+$0xFFFFFFD0];
	v17 =	vadd.s32 v6, v17  }
0x1ad: {  	v52 =	vmov s30  }
0x1ae: {  	v21 =	vshrl.u32 v52, $0x3  }
0x1af: {  	v21 =	vshll.u32 v21, v1  }
0x1b0: {  	[tilespmem:v19+s3+$0x0] =	vst.idx.msk $0xffff, v18;
	v18 =	vbroadcast v21, $0x0  }
0x1b1: {  	[tilespmem:v17+s3+$0x0] =	vst.idx.msk $0xffff, v20  }
0x1b2: {  	v17 =	vld [tilespmem:s16+$0xFFFFFFE0];
	v19 =	vadd.s32 v7, v18  }
0x1b3: {  	s31 =	sadd.s32 $0x4, s20;
	v20 =	vld [tilespmem:s16+$0xFFFFFFF0];
	v18 =	vadd.s32 v8, v18  }
0x1b4: {  	v53 =	vmov s31  }
0x1b5: {  	v21 =	vshrl.u32 v53, $0x3  }
0x1b6: {  	v21 =	vshll.u32 v21, v1  }
0x1b7: {  	[tilespmem:v19+s3+$0x0] =	vst.idx.msk $0xffff, v17;
	v17 =	vbroadcast v21, $0x0  }
0x1b8: {  	[tilespmem:v18+s3+$0x0] =	vst.idx.msk $0xffff, v20  }
0x1b9: {  	v18 =	vld [tilespmem:s16+$0x0];
	v19 =	vadd.s32 v9, v17  }
0x1ba: {  	s30 =	sadd.s32 $0x5, s20;
	v20 =	vld [tilespmem:s16+$0x10];
	v17 =	vadd.s32 v10, v17  }
0x1bb: {  	v54 =	vmov s30  }
0x1bc: {  	v21 =	vshrl.u32 v54, $0x3  }
0x1bd: {  	v21 =	vshll.u32 v21, v1  }
0x1be: {  	[tilespmem:v19+s3+$0x0] =	vst.idx.msk $0xffff, v18;
	v18 =	vbroadcast v21, $0x0  }
0x1bf: {  	[tilespmem:v17+s3+$0x0] =	vst.idx.msk $0xffff, v20  }
0x1c0: {  	v17 =	vld [tilespmem:s16+$0x20];
	v19 =	vadd.s32 v11, v18  }
0x1c1: {  	s31 =	sadd.s32 $0x6, s20;
	v20 =	vld [tilespmem:s16+$0x30];
	v18 =	vadd.s32 v12, v18  }
0x1c2: {  	v55 =	vmov s31  }
0x1c3: {  	v21 =	vshrl.u32 v55, $0x3  }
0x1c4: {  	v21 =	vshll.u32 v21, v1  }
0x1c5: {  	[tilespmem:v19+s3+$0x0] =	vst.idx.msk $0xffff, v17;
	v17 =	vbroadcast v21, $0x0  }
0x1c6: {  	[tilespmem:v18+s3+$0x0] =	vst.idx.msk $0xffff, v20  }
0x1c7: {  	v18 =	vld [tilespmem:s16+$0x40];
	v19 =	vadd.s32 v13, v17  }
0x1c8: {  	s26 =	sadd.s32 $0x7, s20;
	v20 =	vld [tilespmem:s16+$0x50];
	v17 =	vadd.s32 v14, v17  }
0x1c9: {  	v56 =	vmov s26  }
0x1ca: {  	v21 =	vshrl.u32 v56, $0x3  }
0x1cb: {  	v21 =	vshll.u32 v21, v1  }
0x1cc: {  	[tilespmem:v19+s3+$0x0] =	vst.idx.msk $0xffff, v18;
	v18 =	vbroadcast v21, $0x0  }
0x1cd: {  	[tilespmem:v17+s3+$0x0] =	vst.idx.msk $0xffff, v20  }
0x1ce: {  	v17 =	vld [tilespmem:s16+$0x60];
	v19 =	vadd.s32 v15, v18  }
0x1cf: {  	v20 =	vld [tilespmem:s16+$0x70];
	v18 =	vadd.s32 v16, v18;
	_ =	sdelay $0x3  }
0x1d0: {  	[tilespmem:v19+s3+$0x0] =	vst.idx.msk $0xffff, v17  }
0x1d1: {  	s16 =	sadd.s32 s10, s11;
	[tilespmem:v18+s3+$0x0] =	vst.idx.msk $0xffff, v20  }
0x1d2: {  	[hbm4b:s16+s4] =	stream.linear.scatter [tilespmem:s3], [sflag:$0xA], $0x80, $0x38;
	[tilespmem:$0x8600] =	vst v63  }
0x1d3: {  	s31 =	simm.s32 $0x5388;
	s30 =	sadd.s32 $0x10, s16  }
0x1d4: {  	[hbm4b:s30+s4] =	stream.linear.scatter [tilespmem:s31], [sflag:$0xA], $0x80, $0x38;
	[tilespmem:$0x8600] =	vst v63  }
0x1d5: {  	s30 =	sadd.s32 $0x20, s16;
	s31 =	simm.s32 $0x5410  }
0x1d6: {  	[hbm4b:s30+s4] =	stream.linear.scatter [tilespmem:s31], [sflag:$0xA], $0x80, $0x38;
	[tilespmem:$0x8600] =	vst v63  }
0x1d7: {  	s30 =	sadd.s32 $0x30, s16;
	s31 =	simm.s32 $0x5498  }
0x1d8: {  	[hbm4b:s30+s4] =	stream.linear.scatter [tilespmem:s31], [sflag:$0xA], $0x80, $0x38;
	[tilespmem:$0x8600] =	vst v63  }
0x1d9: {  	s30 =	sadd.s32 $0x40, s16;
	s31 =	simm.s32 $0x5520  }
0x1da: {  	[hbm4b:s30+s4] =	stream.linear.scatter [tilespmem:s31], [sflag:$0xA], $0x80, $0x38;
	[tilespmem:$0x8600] =	vst v63  }
0x1db: {  	s30 =	sadd.s32 $0x50, s16;
	s31 =	simm.s32 $0x55A8  }
0x1dc: {  	[hbm4b:s30+s4] =	stream.linear.scatter [tilespmem:s31], [sflag:$0xA], $0x80, $0x38;
	[tilespmem:$0x8600] =	vst v63  }
0x1dd: {  	s30 =	sadd.s32 $0x60, s16;
	s31 =	simm.s32 $0x5630  }
0x1de: {  	[hbm4b:s30+s4] =	stream.linear.scatter [tilespmem:s31], [sflag:$0xA], $0x80, $0x38;
	[tilespmem:$0x8600] =	vst v63  }
0x1df: {  	s30 =	sadd.s32 $0x70, s16;
	s31 =	simm.s32 $0x56B8  }
0x1e0: {  	[hbm4b:s30+s4] =	stream.linear.scatter [tilespmem:s31], [sflag:$0xA], $0x80, $0x38;
	[tilespmem:$0x8600] =	vst v63  }
0x1e1: {  	s30 =	sadd.s32 $0x1000, s16;
	s31 =	simm.s32 $0x5740  }
0x1e2: {  	[hbm4b:s30+s4] =	stream.linear.scatter [tilespmem:s31], [sflag:$0xA], $0x80, $0x38;
	[tilespmem:$0x8600] =	vst v63  }
0x1e3: {  	s30 =	sadd.s32 $0x1010, s16;
	s31 =	simm.s32 $0x57C8  }
0x1e4: {  	[hbm4b:s30+s4] =	stream.linear.scatter [tilespmem:s31], [sflag:$0xA], $0x80, $0x38;
	[tilespmem:$0x8600] =	vst v63  }
0x1e5: {  	s30 =	sadd.s32 $0x1020, s16;
	s31 =	simm.s32 $0x5850  }
0x1e6: {  	[hbm4b:s30+s4] =	stream.linear.scatter [tilespmem:s31], [sflag:$0xA], $0x80, $0x38;
	[tilespmem:$0x8600] =	vst v63  }
0x1e7: {  	s30 =	sadd.s32 $0x1030, s16;
	s31 =	simm.s32 $0x58D8  }
0x1e8: {  	[hbm4b:s30+s4] =	stream.linear.scatter [tilespmem:s31], [sflag:$0xA], $0x80, $0x38;
	[tilespmem:$0x8600] =	vst v63  }
0x1e9: {  	s30 =	sadd.s32 $0x1040, s16;
	s31 =	simm.s32 $0x5960  }
0x1ea: {  	[hbm4b:s30+s4] =	stream.linear.scatter [tilespmem:s31], [sflag:$0xA], $0x80, $0x38;
	[tilespmem:$0x8600] =	vst v63  }
0x1eb: {  	s30 =	sadd.s32 $0x1050, s16;
	s31 =	simm.s32 $0x59E8  }
0x1ec: {  	[hbm4b:s30+s4] =	stream.linear.scatter [tilespmem:s31], [sflag:$0xA], $0x80, $0x38;
	[tilespmem:$0x8600] =	vst v63  }
0x1ed: {  	s30 =	sadd.s32 $0x1060, s16;
	s31 =	simm.s32 $0x5A70  }
0x1ee: {  	[hbm4b:s30+s4] =	stream.linear.scatter [tilespmem:s31], [sflag:$0xA], $0x80, $0x38;
	[tilespmem:$0x8600] =	vst v63  }
0x1ef: {  	s30 =	sadd.s32 $0x1070, s16;
	s31 =	simm.s32 $0x5AF8  }
0x1f0: {  	[hbm4b:s30+s4] =	stream.linear.scatter [tilespmem:s31], [sflag:$0xA], $0x80, $0x38;
	[tilespmem:$0x8600] =	vst v63  }
0x1f1: {  	s30 =	sadd.s32 $0x2000, s16;
	s31 =	simm.s32 $0x5B80  }
0x1f2: {  	[hbm4b:s30+s4] =	stream.linear.scatter [tilespmem:s31], [sflag:$0xA], $0x80, $0x38;
	[tilespmem:$0x8600] =	vst v63  }
0x1f3: {  	s30 =	sadd.s32 $0x2010, s16;
	s31 =	simm.s32 $0x5C08  }
0x1f4: {  	[hbm4b:s30+s4] =	stream.linear.scatter [tilespmem:s31], [sflag:$0xA], $0x80, $0x38;
	[tilespmem:$0x8600] =	vst v63  }
0x1f5: {  	s30 =	sadd.s32 $0x2020, s16;
	s31 =	simm.s32 $0x5C90  }
0x1f6: {  	[hbm4b:s30+s4] =	stream.linear.scatter [tilespmem:s31], [sflag:$0xA], $0x80, $0x38;
	[tilespmem:$0x8600] =	vst v63  }
0x1f7: {  	s30 =	sadd.s32 $0x2030, s16;
	s31 =	simm.s32 $0x5D18  }
0x1f8: {  	[hbm4b:s30+s4] =	stream.linear.scatter [tilespmem:s31], [sflag:$0xA], $0x80, $0x38;
	[tilespmem:$0x8600] =	vst v63  }
0x1f9: {  	s30 =	sadd.s32 $0x2040, s16;
	s31 =	simm.s32 $0x5DA0  }
0x1fa: {  	[hbm4b:s30+s4] =	stream.linear.scatter [tilespmem:s31], [sflag:$0xA], $0x80, $0x38;
	[tilespmem:$0x8600] =	vst v63  }
0x1fb: {  	s30 =	sadd.s32 $0x2050, s16;
	s31 =	simm.s32 $0x5E28  }
0x1fc: {  	[hbm4b:s30+s4] =	stream.linear.scatter [tilespmem:s31], [sflag:$0xA], $0x80, $0x38;
	[tilespmem:$0x8600] =	vst v63  }
0x1fd: {  	s30 =	sadd.s32 $0x2060, s16;
	s31 =	simm.s32 $0x5EB0  }
0x1fe: {  	[hbm4b:s30+s4] =	stream.linear.scatter [tilespmem:s31], [sflag:$0xA], $0x80, $0x38;
	[tilespmem:$0x8600] =	vst v63  }
0x1ff: {  	s30 =	sadd.s32 $0x2070, s16;
	s31 =	simm.s32 $0x5F38  }
0x200: {  	[hbm4b:s30+s4] =	stream.linear.scatter [tilespmem:s31], [sflag:$0xA], $0x80, $0x38;
	[tilespmem:$0x8600] =	vst v63  }
0x201: {  	s30 =	sadd.s32 $0x3000, s16;
	s31 =	simm.s32 $0x5FC0  }
0x202: {  	[hbm4b:s30+s4] =	stream.linear.scatter [tilespmem:s31], [sflag:$0xA], $0x80, $0x38;
	[tilespmem:$0x8600] =	vst v63  }
0x203: {  	s30 =	sadd.s32 $0x3010, s16;
	s31 =	simm.s32 $0x6048  }
0x204: {  	[hbm4b:s30+s4] =	stream.linear.scatter [tilespmem:s31], [sflag:$0xA], $0x80, $0x38;
	[tilespmem:$0x8600] =	vst v63  }
0x205: {  	s30 =	sadd.s32 $0x3020, s16;
	s31 =	simm.s32 $0x60D0  }
0x206: {  	[hbm4b:s30+s4] =	stream.linear.scatter [tilespmem:s31], [sflag:$0xA], $0x80, $0x38;
	[tilespmem:$0x8600] =	vst v63  }
0x207: {  	s30 =	sadd.s32 $0x3030, s16;
	s31 =	simm.s32 $0x6158  }
0x208: {  	[hbm4b:s30+s4] =	stream.linear.scatter [tilespmem:s31], [sflag:$0xA], $0x80, $0x38;
	[tilespmem:$0x8600] =	vst v63  }
0x209: {  	s30 =	sadd.s32 $0x3040, s16;
	s31 =	simm.s32 $0x61E0  }
0x20a: {  	[hbm4b:s30+s4] =	stream.linear.scatter [tilespmem:s31], [sflag:$0xA], $0x80, $0x38;
	[tilespmem:$0x8600] =	vst v63  }
0x20b: {  	s30 =	sadd.s32 $0x3050, s16;
	s31 =	simm.s32 $0x6268  }
0x20c: {  	[hbm4b:s30+s4] =	stream.linear.scatter [tilespmem:s31], [sflag:$0xA], $0x80, $0x38;
	[tilespmem:$0x8600] =	vst v63  }
0x20d: {  	s30 =	sadd.s32 $0x3060, s16;
	s31 =	simm.s32 $0x62F0  }
0x20e: {  	[hbm4b:s30+s4] =	stream.linear.scatter [tilespmem:s31], [sflag:$0xA], $0x80, $0x38;
	[tilespmem:$0x8600] =	vst v63  }
0x20f: {  	s26 =	simm.s32 $0x6378;
	s16 =	sadd.s32 $0x3070, s16  }
0x210: {  	[hbm4b:s16+s4] =	stream.linear.scatter [tilespmem:s26], [sflag:$0xA], $0x80, $0x38;
	[tilespmem:$0x8600] =	vst v63  }
0x211: {  	s16 =	sadd.s32 @!p0 $0x6, s14  }
0x212: {  	s20 =	sshll.u32 @!p0 s16, $0x7;
	s16 =	sshll.u32 @!p0 s16, $0xC  }
0x213: {  	s20 =	sand.u32 @!p0 $0x300, s20;
	s16 =	sand.u32 @!p0 $0x1F8000, s16  }
0x214: {  	s16 =	sor.u32 @!p0 s16, s20  }
0x215: {  	_ =	swait.ge [sflag:s17], $0x1000;
	s16 =	sor.u32 @!p0 s5, s16  }
0x216: {  	s26 =	simm.s32 @!p0 $0x100;
	[sflag:s17] =	ssyncset.done $0x0;
	s16 =	sshrl.u32 @!p0 s16, $0x3  }
0x217: {  	[sflag:s17] =	ssyncadd.s32 $0xFFFFF000;
	s20 =	simm.s32 @!p0 $0x0;
	s16 =	sadd.s32 @!p0 s1, s16  }
0x218: {  	[tilespmem:s26], [sflag:$0x3] =	stream.linear.gather @!p0 [hbm4b:s16+s20], $0x80, $0x38;
	[tilespmem:$0x8600] =	vst v63  }
0x219: {  	s16 =	simm.s32 @!p0 $0x1  }
0x21a: {  	p1 =	seq.s32 @!p0 s9, $0x0;
	_ =	swait.ge @!p0 [sflag:s16], $0x80  }
0x21b: {  	p1 =	por p0, !p1;
	s30 =	simm.s32 $0x0;
	[sflag:s16] =	ssyncset.done @!p0 $0x0  }
0x21c: {  	v17 =	vmov s30;
	s26 =	simm.s32 @!p0 $0x200;
	[sflag:s16] =	ssyncadd.s32 @!p0 $0xFFFFFF80;
	s16 =	simm.s32 @!p0 $0x80  }
0x21d: {  	v17 =	vshrl.u32 v17, $0x3;
	[tilespmem:s26], [sflag:$0x5] =	stream.indirect.gather @!p0 [hbm4b:s6+s16], $0x20, s20, s16, $0xb8;
	[tilespmem:$0x8600] =	vst v63  }
0x21e: {  	v17 =	vshll.u32 v17, v1;
	_ =	swait.ge @p1 [sflag:s21], $0x1000  }
0x21f: {  	v17 =	vbroadcast v17, $0x0;
	[sflag:s21] =	ssyncset.done @p1 $0x0  }
0x220: {  	s16 =	simm.s32 $0x2280;
	[sflag:s21] =	ssyncadd.s32 @p1 $0xFFFFF000  }
0x221: {  	v19 =	vadd.s32 v0, v17;
	v18 =	vld [tilespmem:s16+$0xFFFFFF80]  }
0x222: {  	s31 =	simm.s32 $0x1;
	v17 =	vadd.s32 v2, v17;
	v20 =	vld [tilespmem:s16+$0xFFFFFF90]  }
0x223: {  	v57 =	vmov s31  }
0x224: {  	v21 =	vshrl.u32 v57, $0x3  }
0x225: {  	v21 =	vshll.u32 v21, v1  }
0x226: {  	[tilespmem:v19+s24+$0x0] =	vst.idx.msk $0xffff, v18;
	v18 =	vbroadcast v21, $0x0  }
0x227: {  	[tilespmem:v17+s24+$0x0] =	vst.idx.msk $0xffff, v20  }
0x228: {  	v17 =	vld [tilespmem:s16+$0xFFFFFFA0];
	v19 =	vadd.s32 v3, v18  }
0x229: {  	s26 =	simm.s32 $0x2;
	v20 =	vld [tilespmem:s16+$0xFFFFFFB0];
	v18 =	vadd.s32 v4, v18  }
0x22a: {  	v58 =	vmov s26  }
0x22b: {  	v21 =	vshrl.u32 v58, $0x3  }
0x22c: {  	v21 =	vshll.u32 v21, v1  }
0x22d: {  	[tilespmem:v19+s24+$0x0] =	vst.idx.msk $0xffff, v17;
	v17 =	vbroadcast v21, $0x0  }
0x22e: {  	[tilespmem:v18+s24+$0x0] =	vst.idx.msk $0xffff, v20  }
0x22f: {  	v18 =	vld [tilespmem:s16+$0xFFFFFFC0];
	v19 =	vadd.s32 v5, v17  }
0x230: {  	s30 =	simm.s32 $0x3;
	v20 =	vld [tilespmem:s16+$0xFFFFFFD0];
	v17 =	vadd.s32 v6, v17  }
0x231: {  	v59 =	vmov s30  }
0x232: {  	v21 =	vshrl.u32 v59, $0x3  }
0x233: {  	v21 =	vshll.u32 v21, v1  }
0x234: {  	[tilespmem:v19+s24+$0x0] =	vst.idx.msk $0xffff, v18;
	v18 =	vbroadcast v21, $0x0  }
0x235: {  	[tilespmem:v17+s24+$0x0] =	vst.idx.msk $0xffff, v20  }
0x236: {  	v17 =	vld [tilespmem:s16+$0xFFFFFFE0];
	v19 =	vadd.s32 v7, v18  }
0x237: {  	s31 =	simm.s32 $0x4;
	v20 =	vld [tilespmem:s16+$0xFFFFFFF0];
	v18 =	vadd.s32 v8, v18  }
0x238: {  	v60 =	vmov s31  }
0x239: {  	v21 =	vshrl.u32 v60, $0x3  }
0x23a: {  	v21 =	vshll.u32 v21, v1  }
0x23b: {  	[tilespmem:v19+s24+$0x0] =	vst.idx.msk $0xffff, v17;
	v17 =	vbroadcast v21, $0x0  }
0x23c: {  	[tilespmem:v18+s24+$0x0] =	vst.idx.msk $0xffff, v20  }
0x23d: {  	v18 =	vld [tilespmem:s16+$0x0];
	v19 =	vadd.s32 v9, v17  }
0x23e: {  	s26 =	simm.s32 $0x5;
	v20 =	vld [tilespmem:s16+$0x10];
	v17 =	vadd.s32 v10, v17  }
0x23f: {  	v61 =	vmov s26  }
0x240: {  	v21 =	vshrl.u32 v61, $0x3  }
0x241: {  	v21 =	vshll.u32 v21, v1  }
0x242: {  	[tilespmem:v19+s24+$0x0] =	vst.idx.msk $0xffff, v18;
	v18 =	vbroadcast v21, $0x0  }
0x243: {  	[tilespmem:v17+s24+$0x0] =	vst.idx.msk $0xffff, v20  }
0x244: {  	v17 =	vld [tilespmem:s16+$0x20];
	v19 =	vadd.s32 v11, v18  }
0x245: {  	s30 =	simm.s32 $0x6;
	v20 =	vld [tilespmem:s16+$0x30];
	v18 =	vadd.s32 v12, v18  }
0x246: {  	v62 =	vmov s30  }
0x247: {  	v21 =	vshrl.u32 v62, $0x3  }
0x248: {  	v21 =	vshll.u32 v21, v1  }
0x249: {  	[tilespmem:v19+s24+$0x0] =	vst.idx.msk $0xffff, v17;
	v17 =	vbroadcast v21, $0x0  }
0x24a: {  	[tilespmem:v18+s24+$0x0] =	vst.idx.msk $0xffff, v20  }
0x24b: {  	v18 =	vld [tilespmem:s16+$0x40];
	v19 =	vadd.s32 v13, v17  }
0x24c: {  	s31 =	simm.s32 $0x7;
	v20 =	vld [tilespmem:s16+$0x50];
	v17 =	vadd.s32 v14, v17  }
0x24d: {  	v63 =	vmov s31  }
0x24e: {  	v21 =	vshrl.u32 v63, $0x3  }
0x24f: {  	v21 =	vshll.u32 v21, v1  }
0x250: {  	[tilespmem:v19+s24+$0x0] =	vst.idx.msk $0xffff, v18;
	v19 =	vbroadcast v21, $0x0  }
0x251: {  	[tilespmem:v17+s24+$0x0] =	vst.idx.msk $0xffff, v20  }
0x252: {  	v20 =	vld [tilespmem:s16+$0x60];
	v21 =	vadd.s32 v15, v19  }
0x253: {  	s20 =	simm.s32 $0x8  }
0x254: {  	v17 =	vmov s20;
	v18 =	vld [tilespmem:s16+$0x70];
	v19 =	vadd.s32 v16, v19  }
0x255: {  	v17 =	vshrl.u32 v17, $0x3  }
0x256: {  	v17 =	vshll.u32 v17, v1  }
0x257: {  	s26 =	simm.s32 $0x10;
	v17 =	vbroadcast v17, $0x0;
	[tilespmem:v21+s24+$0x0] =	vst.idx.msk $0xffff, v20  }
.LBB2_7:
0x258: {  	p2 =	slt.u32 s26, $0x78  }
0x259: {  	[tilespmem:v19+s24+$0x0] =	vst.idx.msk $0xffff, v18;
	s16 =	sadd.s32 $0x100, s16;
	s30 =	smov.u32 s26;
	s26 =	sadd.s32 $0x8, s26  }
0x25a: {  	v18 =	vld [tilespmem:s16+$0xFFFFFF80];
	v19 =	vadd.s32 v0, v17  }
0x25b: {  	s31 =	sadd.s32 $0x1, s20;
	v17 =	vadd.s32 v2, v17;
	v20 =	vld [tilespmem:s16+$0xFFFFFF90]  }
0x25c: {  	v21 =	vmov s31  }
0x25d: {  	v21 =	vshrl.u32 v21, $0x3  }
0x25e: {  	v21 =	vshll.u32 v21, v1  }
0x25f: {  	[tilespmem:v19+s24+$0x0] =	vst.idx.msk $0xffff, v18;
	v18 =	vbroadcast v21, $0x0  }
0x260: {  	[tilespmem:v17+s24+$0x0] =	vst.idx.msk $0xffff, v20  }
0x261: {  	v17 =	vld [tilespmem:s16+$0xFFFFFFA0];
	v19 =	vadd.s32 v3, v18  }
0x262: {  	s31 =	sadd.s32 $0x2, s20;
	v18 =	vadd.s32 v4, v18;
	v20 =	vld [tilespmem:s16+$0xFFFFFFB0]  }
0x263: {  	v21 =	vmov s31  }
0x264: {  	v21 =	vshrl.u32 v21, $0x3  }
0x265: {  	v21 =	vshll.u32 v21, v1  }
0x266: {  	[tilespmem:v19+s24+$0x0] =	vst.idx.msk $0xffff, v17;
	v17 =	vbroadcast v21, $0x0  }
0x267: {  	[tilespmem:v18+s24+$0x0] =	vst.idx.msk $0xffff, v20  }
0x268: {  	v18 =	vld [tilespmem:s16+$0xFFFFFFC0];
	v19 =	vadd.s32 v5, v17  }
0x269: {  	s31 =	sadd.s32 $0x3, s20;
	v17 =	vadd.s32 v6, v17;
	v20 =	vld [tilespmem:s16+$0xFFFFFFD0]  }
0x26a: {  	v21 =	vmov s31  }
0x26b: {  	v21 =	vshrl.u32 v21, $0x3  }
0x26c: {  	v21 =	vshll.u32 v21, v1  }
0x26d: {  	[tilespmem:v19+s24+$0x0] =	vst.idx.msk $0xffff, v18;
	v18 =	vbroadcast v21, $0x0  }
0x26e: {  	[tilespmem:v17+s24+$0x0] =	vst.idx.msk $0xffff, v20  }
0x26f: {  	v17 =	vld [tilespmem:s16+$0xFFFFFFE0];
	v19 =	vadd.s32 v7, v18  }
0x270: {  	s31 =	sadd.s32 $0x4, s20;
	v18 =	vadd.s32 v8, v18;
	v20 =	vld [tilespmem:s16+$0xFFFFFFF0]  }
0x271: {  	v21 =	vmov s31  }
0x272: {  	v21 =	vshrl.u32 v21, $0x3  }
0x273: {  	v21 =	vshll.u32 v21, v1  }
0x274: {  	[tilespmem:v19+s24+$0x0] =	vst.idx.msk $0xffff, v17;
	v17 =	vbroadcast v21, $0x0  }
0x275: {  	[tilespmem:v18+s24+$0x0] =	vst.idx.msk $0xffff, v20  }
0x276: {  	v18 =	vld [tilespmem:s16+$0x0];
	v19 =	vadd.s32 v9, v17  }
0x277: {  	s31 =	sadd.s32 $0x5, s20;
	v17 =	vadd.s32 v10, v17;
	v20 =	vld [tilespmem:s16+$0x10]  }
0x278: {  	v21 =	vmov s31  }
0x279: {  	v21 =	vshrl.u32 v21, $0x3  }
0x27a: {  	v21 =	vshll.u32 v21, v1  }
0x27b: {  	[tilespmem:v19+s24+$0x0] =	vst.idx.msk $0xffff, v18;
	v18 =	vbroadcast v21, $0x0  }
0x27c: {  	[tilespmem:v17+s24+$0x0] =	vst.idx.msk $0xffff, v20  }
0x27d: {  	v17 =	vld [tilespmem:s16+$0x20];
	v19 =	vadd.s32 v11, v18  }
0x27e: {  	s31 =	sadd.s32 $0x6, s20;
	v18 =	vadd.s32 v12, v18;
	v20 =	vld [tilespmem:s16+$0x30]  }
0x27f: {  	v21 =	vmov s31  }
0x280: {  	v21 =	vshrl.u32 v21, $0x3  }
0x281: {  	v21 =	vshll.u32 v21, v1  }
0x282: {  	[tilespmem:v19+s24+$0x0] =	vst.idx.msk $0xffff, v17;
	v17 =	vbroadcast v21, $0x0  }
0x283: {  	[tilespmem:v18+s24+$0x0] =	vst.idx.msk $0xffff, v20  }
0x284: {  	v18 =	vld [tilespmem:s16+$0x40];
	v19 =	vadd.s32 v13, v17  }
0x285: {  	s31 =	sadd.s32 $0x7, s20;
	s20 =	smov.u32 s30;
	v17 =	vadd.s32 v14, v17;
	v20 =	vld [tilespmem:s16+$0x50]  }
0x286: {  	v21 =	vmov s31  }
0x287: {  	v21 =	vshrl.u32 v21, $0x3  }
0x288: {  	v21 =	vshll.u32 v21, v1  }
0x289: {  	[tilespmem:v19+s24+$0x0] =	vst.idx.msk $0xffff, v18;
	v19 =	vbroadcast v21, $0x0  }
0x28a: {  	[tilespmem:v17+s24+$0x0] =	vst.idx.msk $0xffff, v20  }
0x28b: {  	v20 =	vld [tilespmem:s16+$0x60];
	v21 =	vadd.s32 v15, v19  }
.Ltmp2:
0x28c: {  	v19 =	vadd.s32 v16, v19;
	v18 =	vld [tilespmem:s16+$0x70];
	(pc) =	sbr.rel @p2 .LBB2_7-.Ltmp2, $4  }
0x28d: {  	v17 =	vmov s20  }
0x28e: {  	v17 =	vshrl.u32 v17, $0x3  }
0x28f: {  	v17 =	vshll.u32 v17, v1  }
0x290: {  	v17 =	vbroadcast v17, $0x0;
	[tilespmem:v21+s24+$0x0] =	vst.idx.msk $0xffff, v20  }
0x291: {  	_ =	sdelay $0x3  }
0x292: {  	[tilespmem:v19+s24+$0x0] =	vst.idx.msk $0xffff, v18;
	s16 =	sadd.s32 $0x100, s16  }
0x293: {  	v18 =	vld [tilespmem:s16+$0xFFFFFF80];
	v19 =	vadd.s32 v0, v17  }
0x294: {  	s26 =	sadd.s32 $0x1, s20;
	v20 =	vld [tilespmem:s16+$0xFFFFFF90];
	v17 =	vadd.s32 v2, v17  }
0x295: {  	v21 =	vmov s26  }
0x296: {  	v21 =	vshrl.u32 v21, $0x3  }
0x297: {  	v21 =	vshll.u32 v21, v1  }
0x298: {  	[tilespmem:v19+s24+$0x0] =	vst.idx.msk $0xffff, v18;
	v18 =	vbroadcast v21, $0x0  }
0x299: {  	[tilespmem:v17+s24+$0x0] =	vst.idx.msk $0xffff, v20  }
0x29a: {  	v17 =	vld [tilespmem:s16+$0xFFFFFFA0];
	v19 =	vadd.s32 v3, v18  }
0x29b: {  	s31 =	sadd.s32 $0x2, s20;
	v20 =	vld [tilespmem:s16+$0xFFFFFFB0];
	v18 =	vadd.s32 v4, v18  }
0x29c: {  	v51 =	vmov s31  }
0x29d: {  	v21 =	vshrl.u32 v51, $0x3  }
0x29e: {  	v21 =	vshll.u32 v21, v1  }
0x29f: {  	[tilespmem:v19+s24+$0x0] =	vst.idx.msk $0xffff, v17;
	v17 =	vbroadcast v21, $0x0  }
0x2a0: {  	[tilespmem:v18+s24+$0x0] =	vst.idx.msk $0xffff, v20  }
0x2a1: {  	v18 =	vld [tilespmem:s16+$0xFFFFFFC0];
	v19 =	vadd.s32 v5, v17  }
0x2a2: {  	s30 =	sadd.s32 $0x3, s20;
	v20 =	vld [tilespmem:s16+$0xFFFFFFD0];
	v17 =	vadd.s32 v6, v17  }
0x2a3: {  	v52 =	vmov s30  }
0x2a4: {  	v21 =	vshrl.u32 v52, $0x3  }
0x2a5: {  	v21 =	vshll.u32 v21, v1  }
0x2a6: {  	[tilespmem:v19+s24+$0x0] =	vst.idx.msk $0xffff, v18;
	v18 =	vbroadcast v21, $0x0  }
0x2a7: {  	[tilespmem:v17+s24+$0x0] =	vst.idx.msk $0xffff, v20  }
0x2a8: {  	v17 =	vld [tilespmem:s16+$0xFFFFFFE0];
	v19 =	vadd.s32 v7, v18  }
0x2a9: {  	s31 =	sadd.s32 $0x4, s20;
	v20 =	vld [tilespmem:s16+$0xFFFFFFF0];
	v18 =	vadd.s32 v8, v18  }
0x2aa: {  	v53 =	vmov s31  }
0x2ab: {  	v21 =	vshrl.u32 v53, $0x3  }
0x2ac: {  	v21 =	vshll.u32 v21, v1  }
0x2ad: {  	[tilespmem:v19+s24+$0x0] =	vst.idx.msk $0xffff, v17;
	v17 =	vbroadcast v21, $0x0  }
0x2ae: {  	[tilespmem:v18+s24+$0x0] =	vst.idx.msk $0xffff, v20  }
0x2af: {  	v18 =	vld [tilespmem:s16+$0x0];
	v19 =	vadd.s32 v9, v17  }
0x2b0: {  	s30 =	sadd.s32 $0x5, s20;
	v20 =	vld [tilespmem:s16+$0x10];
	v17 =	vadd.s32 v10, v17  }
0x2b1: {  	v54 =	vmov s30  }
0x2b2: {  	v21 =	vshrl.u32 v54, $0x3  }
0x2b3: {  	v21 =	vshll.u32 v21, v1  }
0x2b4: {  	[tilespmem:v19+s24+$0x0] =	vst.idx.msk $0xffff, v18;
	v18 =	vbroadcast v21, $0x0  }
0x2b5: {  	[tilespmem:v17+s24+$0x0] =	vst.idx.msk $0xffff, v20  }
0x2b6: {  	v17 =	vld [tilespmem:s16+$0x20];
	v19 =	vadd.s32 v11, v18  }
0x2b7: {  	s31 =	sadd.s32 $0x6, s20;
	v20 =	vld [tilespmem:s16+$0x30];
	v18 =	vadd.s32 v12, v18  }
0x2b8: {  	v55 =	vmov s31  }
0x2b9: {  	v21 =	vshrl.u32 v55, $0x3  }
0x2ba: {  	v21 =	vshll.u32 v21, v1  }
0x2bb: {  	[tilespmem:v19+s24+$0x0] =	vst.idx.msk $0xffff, v17;
	v17 =	vbroadcast v21, $0x0  }
0x2bc: {  	[tilespmem:v18+s24+$0x0] =	vst.idx.msk $0xffff, v20  }
0x2bd: {  	v18 =	vld [tilespmem:s16+$0x40];
	v19 =	vadd.s32 v13, v17  }
0x2be: {  	s26 =	sadd.s32 $0x7, s20;
	v20 =	vld [tilespmem:s16+$0x50];
	v17 =	vadd.s32 v14, v17  }
0x2bf: {  	v56 =	vmov s26  }
0x2c0: {  	v21 =	vshrl.u32 v56, $0x3  }
0x2c1: {  	v21 =	vshll.u32 v21, v1  }
0x2c2: {  	[tilespmem:v19+s24+$0x0] =	vst.idx.msk $0xffff, v18;
	v18 =	vbroadcast v21, $0x0  }
0x2c3: {  	[tilespmem:v17+s24+$0x0] =	vst.idx.msk $0xffff, v20  }
0x2c4: {  	v17 =	vld [tilespmem:s16+$0x60];
	v19 =	vadd.s32 v15, v18  }
0x2c5: {  	v20 =	vld [tilespmem:s16+$0x70];
	v18 =	vadd.s32 v16, v18;
	_ =	sdelay $0x3  }
0x2c6: {  	[tilespmem:v19+s24+$0x0] =	vst.idx.msk $0xffff, v17  }
0x2c7: {  	s16 =	sadd.s32 s10, s12;
	[tilespmem:v18+s24+$0x0] =	vst.idx.msk $0xffff, v20  }
0x2c8: {  	[hbm4b:s16+s4] =	stream.linear.scatter [tilespmem:s24], [sflag:$0xB], $0x80, $0x38;
	[tilespmem:$0x8600] =	vst v63  }
0x2c9: {  	s31 =	simm.s32 $0x6488;
	s30 =	sadd.s32 $0x10, s16  }
0x2ca: {  	[hbm4b:s30+s4] =	stream.linear.scatter [tilespmem:s31], [sflag:$0xB], $0x80, $0x38;
	[tilespmem:$0x8600] =	vst v63  }
0x2cb: {  	s30 =	sadd.s32 $0x20, s16;
	s31 =	simm.s32 $0x6510  }
0x2cc: {  	[hbm4b:s30+s4] =	stream.linear.scatter [tilespmem:s31], [sflag:$0xB], $0x80, $0x38;
	[tilespmem:$0x8600] =	vst v63  }
0x2cd: {  	s30 =	sadd.s32 $0x30, s16;
	s31 =	simm.s32 $0x6598  }
0x2ce: {  	[hbm4b:s30+s4] =	stream.linear.scatter [tilespmem:s31], [sflag:$0xB], $0x80, $0x38;
	[tilespmem:$0x8600] =	vst v63  }
0x2cf: {  	s30 =	sadd.s32 $0x40, s16;
	s31 =	simm.s32 $0x6620  }
0x2d0: {  	[hbm4b:s30+s4] =	stream.linear.scatter [tilespmem:s31], [sflag:$0xB], $0x80, $0x38;
	[tilespmem:$0x8600] =	vst v63  }
0x2d1: {  	s30 =	sadd.s32 $0x50, s16;
	s31 =	simm.s32 $0x66A8  }
0x2d2: {  	[hbm4b:s30+s4] =	stream.linear.scatter [tilespmem:s31], [sflag:$0xB], $0x80, $0x38;
	[tilespmem:$0x8600] =	vst v63  }
0x2d3: {  	s30 =	sadd.s32 $0x60, s16;
	s31 =	simm.s32 $0x6730  }
0x2d4: {  	[hbm4b:s30+s4] =	stream.linear.scatter [tilespmem:s31], [sflag:$0xB], $0x80, $0x38;
	[tilespmem:$0x8600] =	vst v63  }
0x2d5: {  	s30 =	sadd.s32 $0x70, s16;
	s31 =	simm.s32 $0x67B8  }
0x2d6: {  	[hbm4b:s30+s4] =	stream.linear.scatter [tilespmem:s31], [sflag:$0xB], $0x80, $0x38;
	[tilespmem:$0x8600] =	vst v63  }
0x2d7: {  	s30 =	sadd.s32 $0x1000, s16;
	s31 =	simm.s32 $0x6840  }
0x2d8: {  	[hbm4b:s30+s4] =	stream.linear.scatter [tilespmem:s31], [sflag:$0xB], $0x80, $0x38;
	[tilespmem:$0x8600] =	vst v63  }
0x2d9: {  	s30 =	sadd.s32 $0x1010, s16;
	s31 =	simm.s32 $0x68C8  }
0x2da: {  	[hbm4b:s30+s4] =	stream.linear.scatter [tilespmem:s31], [sflag:$0xB], $0x80, $0x38;
	[tilespmem:$0x8600] =	vst v63  }
0x2db: {  	s30 =	sadd.s32 $0x1020, s16;
	s31 =	simm.s32 $0x6950  }
0x2dc: {  	[hbm4b:s30+s4] =	stream.linear.scatter [tilespmem:s31], [sflag:$0xB], $0x80, $0x38;
	[tilespmem:$0x8600] =	vst v63  }
0x2dd: {  	s30 =	sadd.s32 $0x1030, s16;
	s31 =	simm.s32 $0x69D8  }
0x2de: {  	[hbm4b:s30+s4] =	stream.linear.scatter [tilespmem:s31], [sflag:$0xB], $0x80, $0x38;
	[tilespmem:$0x8600] =	vst v63  }
0x2df: {  	s30 =	sadd.s32 $0x1040, s16;
	s31 =	simm.s32 $0x6A60  }
0x2e0: {  	[hbm4b:s30+s4] =	stream.linear.scatter [tilespmem:s31], [sflag:$0xB], $0x80, $0x38;
	[tilespmem:$0x8600] =	vst v63  }
0x2e1: {  	s30 =	sadd.s32 $0x1050, s16;
	s31 =	simm.s32 $0x6AE8  }
0x2e2: {  	[hbm4b:s30+s4] =	stream.linear.scatter [tilespmem:s31], [sflag:$0xB], $0x80, $0x38;
	[tilespmem:$0x8600] =	vst v63  }
0x2e3: {  	s30 =	sadd.s32 $0x1060, s16;
	s31 =	simm.s32 $0x6B70  }
0x2e4: {  	[hbm4b:s30+s4] =	stream.linear.scatter [tilespmem:s31], [sflag:$0xB], $0x80, $0x38;
	[tilespmem:$0x8600] =	vst v63  }
0x2e5: {  	s30 =	sadd.s32 $0x1070, s16;
	s31 =	simm.s32 $0x6BF8  }
0x2e6: {  	[hbm4b:s30+s4] =	stream.linear.scatter [tilespmem:s31], [sflag:$0xB], $0x80, $0x38;
	[tilespmem:$0x8600] =	vst v63  }
0x2e7: {  	s30 =	sadd.s32 $0x2000, s16;
	s31 =	simm.s32 $0x6C80  }
0x2e8: {  	[hbm4b:s30+s4] =	stream.linear.scatter [tilespmem:s31], [sflag:$0xB], $0x80, $0x38;
	[tilespmem:$0x8600] =	vst v63  }
0x2e9: {  	s30 =	sadd.s32 $0x2010, s16;
	s31 =	simm.s32 $0x6D08  }
0x2ea: {  	[hbm4b:s30+s4] =	stream.linear.scatter [tilespmem:s31], [sflag:$0xB], $0x80, $0x38;
	[tilespmem:$0x8600] =	vst v63  }
0x2eb: {  	s30 =	sadd.s32 $0x2020, s16;
	s31 =	simm.s32 $0x6D90  }
0x2ec: {  	[hbm4b:s30+s4] =	stream.linear.scatter [tilespmem:s31], [sflag:$0xB], $0x80, $0x38;
	[tilespmem:$0x8600] =	vst v63  }
0x2ed: {  	s30 =	sadd.s32 $0x2030, s16;
	s31 =	simm.s32 $0x6E18  }
0x2ee: {  	[hbm4b:s30+s4] =	stream.linear.scatter [tilespmem:s31], [sflag:$0xB], $0x80, $0x38;
	[tilespmem:$0x8600] =	vst v63  }
0x2ef: {  	s30 =	sadd.s32 $0x2040, s16;
	s31 =	simm.s32 $0x6EA0  }
0x2f0: {  	[hbm4b:s30+s4] =	stream.linear.scatter [tilespmem:s31], [sflag:$0xB], $0x80, $0x38;
	[tilespmem:$0x8600] =	vst v63  }
0x2f1: {  	s30 =	sadd.s32 $0x2050, s16;
	s31 =	simm.s32 $0x6F28  }
0x2f2: {  	[hbm4b:s30+s4] =	stream.linear.scatter [tilespmem:s31], [sflag:$0xB], $0x80, $0x38;
	[tilespmem:$0x8600] =	vst v63  }
0x2f3: {  	s30 =	sadd.s32 $0x2060, s16;
	s31 =	simm.s32 $0x6FB0  }
0x2f4: {  	[hbm4b:s30+s4] =	stream.linear.scatter [tilespmem:s31], [sflag:$0xB], $0x80, $0x38;
	[tilespmem:$0x8600] =	vst v63  }
0x2f5: {  	s30 =	sadd.s32 $0x2070, s16;
	s31 =	simm.s32 $0x7038  }
0x2f6: {  	[hbm4b:s30+s4] =	stream.linear.scatter [tilespmem:s31], [sflag:$0xB], $0x80, $0x38;
	[tilespmem:$0x8600] =	vst v63  }
0x2f7: {  	s30 =	sadd.s32 $0x3000, s16;
	s31 =	simm.s32 $0x70C0  }
0x2f8: {  	[hbm4b:s30+s4] =	stream.linear.scatter [tilespmem:s31], [sflag:$0xB], $0x80, $0x38;
	[tilespmem:$0x8600] =	vst v63  }
0x2f9: {  	s30 =	sadd.s32 $0x3010, s16;
	s31 =	simm.s32 $0x7148  }
0x2fa: {  	[hbm4b:s30+s4] =	stream.linear.scatter [tilespmem:s31], [sflag:$0xB], $0x80, $0x38;
	[tilespmem:$0x8600] =	vst v63  }
0x2fb: {  	s30 =	sadd.s32 $0x3020, s16;
	s31 =	simm.s32 $0x71D0  }
0x2fc: {  	[hbm4b:s30+s4] =	stream.linear.scatter [tilespmem:s31], [sflag:$0xB], $0x80, $0x38;
	[tilespmem:$0x8600] =	vst v63  }
0x2fd: {  	s30 =	sadd.s32 $0x3030, s16;
	s31 =	simm.s32 $0x7258  }
0x2fe: {  	[hbm4b:s30+s4] =	stream.linear.scatter [tilespmem:s31], [sflag:$0xB], $0x80, $0x38;
	[tilespmem:$0x8600] =	vst v63  }
0x2ff: {  	s30 =	sadd.s32 $0x3040, s16;
	s31 =	simm.s32 $0x72E0  }
0x300: {  	[hbm4b:s30+s4] =	stream.linear.scatter [tilespmem:s31], [sflag:$0xB], $0x80, $0x38;
	[tilespmem:$0x8600] =	vst v63  }
0x301: {  	s30 =	sadd.s32 $0x3050, s16;
	s31 =	simm.s32 $0x7368  }
0x302: {  	[hbm4b:s30+s4] =	stream.linear.scatter [tilespmem:s31], [sflag:$0xB], $0x80, $0x38;
	[tilespmem:$0x8600] =	vst v63  }
0x303: {  	s26 =	sadd.s32 $0x3060, s16;
	s30 =	simm.s32 $0x73F0  }
0x304: {  	[hbm4b:s26+s4] =	stream.linear.scatter [tilespmem:s30], [sflag:$0xB], $0x80, $0x38;
	[tilespmem:$0x8600] =	vst v63  }
0x305: {  	s14 =	sadd.s32 @!p0 $0x7, s14;
	s16 =	sadd.s32 $0x3070, s16;
	s31 =	simm.s32 $0x7478  }
0x306: {  	[hbm4b:s16+s4] =	stream.linear.scatter [tilespmem:s31], [sflag:$0xB], $0x80, $0x38;
	[tilespmem:$0x8600] =	vst v63  }
0x307: {  	s16 =	sshll.u32 @!p0 s14, $0x7;
	s14 =	sshll.u32 @!p0 s14, $0xC  }
0x308: {  	s16 =	sand.u32 @!p0 $0x380, s16;
	s14 =	sand.u32 @!p0 $0x1F8000, s14  }
0x309: {  	s14 =	sor.u32 @!p0 s14, s16  }
0x30a: {  	_ =	swait.ge [sflag:s28], $0x1000;
	s14 =	sor.u32 @!p0 s5, s14  }
0x30b: {  	s20 =	simm.s32 @!p0 $0x180;
	[sflag:s28] =	ssyncset.done $0x0;
	s14 =	sshrl.u32 @!p0 s14, $0x3  }
0x30c: {  	s16 =	simm.s32 @!p0 $0x0;
	[sflag:s28] =	ssyncadd.s32 $0xFFFFF000;
	s14 =	sadd.s32 @!p0 s1, s14  }
0x30d: {  	[tilespmem:s20], [sflag:$0x4] =	stream.linear.gather @!p0 [hbm4b:s14+s16], $0x80, $0x38;
	[tilespmem:$0x8600] =	vst v63  }
0x30e: {  	s14 =	simm.s32 @!p0 $0x2  }
0x30f: {  	_ =	swait.ge @!p0 [sflag:s14], $0x80  }
0x310: {  	s20 =	simm.s32 $0x0;
	[sflag:s14] =	ssyncset.done @!p0 $0x0  }
0x311: {  	s16 =	simm.s32 @!p0 $0x1200;
	v17 =	vmov s20;
	[sflag:s14] =	ssyncadd.s32 @!p0 $0xFFFFFF80;
	s14 =	simm.s32 @!p0 $0x80  }
0x312: {  	v17 =	vshrl.u32 v17, $0x3;
	[tilespmem:s16], [sflag:$0x6] =	stream.indirect.gather @!p0 [hbm4b:s6+s14], $0x20, s14, s14, $0xb8;
	[tilespmem:$0x8600] =	vst v63  }
0x313: {  	v17 =	vshll.u32 v17, v1;
	_ =	swait.ge @p1 [sflag:s8], $0x1000  }
0x314: {  	v17 =	vbroadcast v17, $0x0;
	[sflag:s8] =	ssyncset.done @p1 $0x0  }
0x315: {  	s14 =	simm.s32 $0x3280;
	[sflag:s8] =	ssyncadd.s32 @p1 $0xFFFFF000  }
0x316: {  	v19 =	vadd.s32 v0, v17;
	v18 =	vld [tilespmem:s14+$0xFFFFFF80]  }
0x317: {  	s26 =	simm.s32 $0x1;
	v17 =	vadd.s32 v2, v17;
	v20 =	vld [tilespmem:s14+$0xFFFFFF90]  }
0x318: {  	v57 =	vmov s26  }
0x319: {  	v21 =	vshrl.u32 v57, $0x3  }
0x31a: {  	v21 =	vshll.u32 v21, v1  }
0x31b: {  	[tilespmem:v19+s29+$0x0] =	vst.idx.msk $0xffff, v18;
	v18 =	vbroadcast v21, $0x0  }
0x31c: {  	[tilespmem:v17+s29+$0x0] =	vst.idx.msk $0xffff, v20  }
0x31d: {  	v17 =	vld [tilespmem:s14+$0xFFFFFFA0];
	v19 =	vadd.s32 v3, v18  }
0x31e: {  	s30 =	simm.s32 $0x2;
	v20 =	vld [tilespmem:s14+$0xFFFFFFB0];
	v18 =	vadd.s32 v4, v18  }
0x31f: {  	v58 =	vmov s30  }
0x320: {  	v21 =	vshrl.u32 v58, $0x3  }
0x321: {  	v21 =	vshll.u32 v21, v1  }
0x322: {  	[tilespmem:v19+s29+$0x0] =	vst.idx.msk $0xffff, v17;
	v17 =	vbroadcast v21, $0x0  }
0x323: {  	[tilespmem:v18+s29+$0x0] =	vst.idx.msk $0xffff, v20  }
0x324: {  	v18 =	vld [tilespmem:s14+$0xFFFFFFC0];
	v19 =	vadd.s32 v5, v17  }
0x325: {  	s31 =	simm.s32 $0x3;
	v20 =	vld [tilespmem:s14+$0xFFFFFFD0];
	v17 =	vadd.s32 v6, v17  }
0x326: {  	v59 =	vmov s31  }
0x327: {  	v21 =	vshrl.u32 v59, $0x3  }
0x328: {  	v21 =	vshll.u32 v21, v1  }
0x329: {  	[tilespmem:v19+s29+$0x0] =	vst.idx.msk $0xffff, v18;
	v18 =	vbroadcast v21, $0x0  }
0x32a: {  	[tilespmem:v17+s29+$0x0] =	vst.idx.msk $0xffff, v20  }
0x32b: {  	v17 =	vld [tilespmem:s14+$0xFFFFFFE0];
	v19 =	vadd.s32 v7, v18  }
0x32c: {  	s20 =	simm.s32 $0x4;
	v20 =	vld [tilespmem:s14+$0xFFFFFFF0];
	v18 =	vadd.s32 v8, v18  }
0x32d: {  	v60 =	vmov s20  }
0x32e: {  	v21 =	vshrl.u32 v60, $0x3  }
0x32f: {  	v21 =	vshll.u32 v21, v1  }
0x330: {  	[tilespmem:v19+s29+$0x0] =	vst.idx.msk $0xffff, v17;
	v17 =	vbroadcast v21, $0x0  }
0x331: {  	[tilespmem:v18+s29+$0x0] =	vst.idx.msk $0xffff, v20  }
0x332: {  	v18 =	vld [tilespmem:s14+$0x0];
	v19 =	vadd.s32 v9, v17  }
0x333: {  	s26 =	simm.s32 $0x5;
	v20 =	vld [tilespmem:s14+$0x10];
	v17 =	vadd.s32 v10, v17  }
0x334: {  	v61 =	vmov s26  }
0x335: {  	v21 =	vshrl.u32 v61, $0x3  }
0x336: {  	v21 =	vshll.u32 v21, v1  }
0x337: {  	[tilespmem:v19+s29+$0x0] =	vst.idx.msk $0xffff, v18;
	v18 =	vbroadcast v21, $0x0  }
0x338: {  	[tilespmem:v17+s29+$0x0] =	vst.idx.msk $0xffff, v20  }
0x339: {  	v17 =	vld [tilespmem:s14+$0x20];
	v19 =	vadd.s32 v11, v18  }
0x33a: {  	s30 =	simm.s32 $0x6;
	v20 =	vld [tilespmem:s14+$0x30];
	v18 =	vadd.s32 v12, v18  }
0x33b: {  	v62 =	vmov s30  }
0x33c: {  	v21 =	vshrl.u32 v62, $0x3  }
0x33d: {  	v21 =	vshll.u32 v21, v1  }
0x33e: {  	[tilespmem:v19+s29+$0x0] =	vst.idx.msk $0xffff, v17;
	v17 =	vbroadcast v21, $0x0  }
0x33f: {  	[tilespmem:v18+s29+$0x0] =	vst.idx.msk $0xffff, v20  }
0x340: {  	v18 =	vld [tilespmem:s14+$0x40];
	v19 =	vadd.s32 v13, v17  }
0x341: {  	s31 =	simm.s32 $0x7;
	v20 =	vld [tilespmem:s14+$0x50];
	v17 =	vadd.s32 v14, v17  }
0x342: {  	v63 =	vmov s31  }
0x343: {  	v21 =	vshrl.u32 v63, $0x3  }
0x344: {  	v21 =	vshll.u32 v21, v1  }
0x345: {  	[tilespmem:v19+s29+$0x0] =	vst.idx.msk $0xffff, v18;
	v19 =	vbroadcast v21, $0x0  }
0x346: {  	[tilespmem:v17+s29+$0x0] =	vst.idx.msk $0xffff, v20  }
0x347: {  	v20 =	vld [tilespmem:s14+$0x60];
	v21 =	vadd.s32 v15, v19  }
0x348: {  	s16 =	simm.s32 $0x8  }
0x349: {  	v17 =	vmov s16;
	v18 =	vld [tilespmem:s14+$0x70];
	v19 =	vadd.s32 v16, v19  }
0x34a: {  	v17 =	vshrl.u32 v17, $0x3  }
0x34b: {  	v17 =	vshll.u32 v17, v1  }
0x34c: {  	s20 =	simm.s32 $0x10;
	v17 =	vbroadcast v17, $0x0;
	[tilespmem:v21+s29+$0x0] =	vst.idx.msk $0xffff, v20  }
.LBB2_9:
0x34d: {  	p0 =	slt.u32 s20, $0x78  }
0x34e: {  	[tilespmem:v19+s29+$0x0] =	vst.idx.msk $0xffff, v18;
	s14 =	sadd.s32 $0x100, s14;
	s26 =	smov.u32 s20;
	s20 =	sadd.s32 $0x8, s20  }
0x34f: {  	v18 =	vld [tilespmem:s14+$0xFFFFFF80];
	v19 =	vadd.s32 v0, v17  }
0x350: {  	s30 =	sadd.s32 $0x1, s16;
	v17 =	vadd.s32 v2, v17;
	v20 =	vld [tilespmem:s14+$0xFFFFFF90]  }
0x351: {  	v21 =	vmov s30  }
0x352: {  	v21 =	vshrl.u32 v21, $0x3  }
0x353: {  	v21 =	vshll.u32 v21, v1  }
0x354: {  	[tilespmem:v19+s29+$0x0] =	vst.idx.msk $0xffff, v18;
	v18 =	vbroadcast v21, $0x0  }
0x355: {  	[tilespmem:v17+s29+$0x0] =	vst.idx.msk $0xffff, v20  }
0x356: {  	v17 =	vld [tilespmem:s14+$0xFFFFFFA0];
	v19 =	vadd.s32 v3, v18  }
0x357: {  	s30 =	sadd.s32 $0x2, s16;
	v18 =	vadd.s32 v4, v18;
	v20 =	vld [tilespmem:s14+$0xFFFFFFB0]  }
0x358: {  	v21 =	vmov s30  }
0x359: {  	v21 =	vshrl.u32 v21, $0x3  }
0x35a: {  	v21 =	vshll.u32 v21, v1  }
0x35b: {  	[tilespmem:v19+s29+$0x0] =	vst.idx.msk $0xffff, v17;
	v17 =	vbroadcast v21, $0x0  }
0x35c: {  	[tilespmem:v18+s29+$0x0] =	vst.idx.msk $0xffff, v20  }
0x35d: {  	v18 =	vld [tilespmem:s14+$0xFFFFFFC0];
	v19 =	vadd.s32 v5, v17  }
0x35e: {  	s30 =	sadd.s32 $0x3, s16;
	v17 =	vadd.s32 v6, v17;
	v20 =	vld [tilespmem:s14+$0xFFFFFFD0]  }
0x35f: {  	v21 =	vmov s30  }
0x360: {  	v21 =	vshrl.u32 v21, $0x3  }
0x361: {  	v21 =	vshll.u32 v21, v1  }
0x362: {  	[tilespmem:v19+s29+$0x0] =	vst.idx.msk $0xffff, v18;
	v18 =	vbroadcast v21, $0x0  }
0x363: {  	[tilespmem:v17+s29+$0x0] =	vst.idx.msk $0xffff, v20  }
0x364: {  	v17 =	vld [tilespmem:s14+$0xFFFFFFE0];
	v19 =	vadd.s32 v7, v18  }
0x365: {  	s30 =	sadd.s32 $0x4, s16;
	v18 =	vadd.s32 v8, v18;
	v20 =	vld [tilespmem:s14+$0xFFFFFFF0]  }
0x366: {  	v21 =	vmov s30  }
0x367: {  	v21 =	vshrl.u32 v21, $0x3  }
0x368: {  	v21 =	vshll.u32 v21, v1  }
0x369: {  	[tilespmem:v19+s29+$0x0] =	vst.idx.msk $0xffff, v17;
	v17 =	vbroadcast v21, $0x0  }
0x36a: {  	[tilespmem:v18+s29+$0x0] =	vst.idx.msk $0xffff, v20  }
0x36b: {  	v18 =	vld [tilespmem:s14+$0x0];
	v19 =	vadd.s32 v9, v17  }
0x36c: {  	s30 =	sadd.s32 $0x5, s16;
	v17 =	vadd.s32 v10, v17;
	v20 =	vld [tilespmem:s14+$0x10]  }
0x36d: {  	v21 =	vmov s30  }
0x36e: {  	v21 =	vshrl.u32 v21, $0x3  }
0x36f: {  	v21 =	vshll.u32 v21, v1  }
0x370: {  	[tilespmem:v19+s29+$0x0] =	vst.idx.msk $0xffff, v18;
	v18 =	vbroadcast v21, $0x0  }
0x371: {  	[tilespmem:v17+s29+$0x0] =	vst.idx.msk $0xffff, v20  }
0x372: {  	v17 =	vld [tilespmem:s14+$0x20];
	v19 =	vadd.s32 v11, v18  }
0x373: {  	s30 =	sadd.s32 $0x6, s16;
	v18 =	vadd.s32 v12, v18;
	v20 =	vld [tilespmem:s14+$0x30]  }
0x374: {  	v21 =	vmov s30  }
0x375: {  	v21 =	vshrl.u32 v21, $0x3  }
0x376: {  	v21 =	vshll.u32 v21, v1  }
0x377: {  	[tilespmem:v19+s29+$0x0] =	vst.idx.msk $0xffff, v17;
	v17 =	vbroadcast v21, $0x0  }
0x378: {  	[tilespmem:v18+s29+$0x0] =	vst.idx.msk $0xffff, v20  }
0x379: {  	v18 =	vld [tilespmem:s14+$0x40];
	v19 =	vadd.s32 v13, v17  }
0x37a: {  	s30 =	sadd.s32 $0x7, s16;
	s16 =	smov.u32 s26;
	v17 =	vadd.s32 v14, v17;
	v20 =	vld [tilespmem:s14+$0x50]  }
0x37b: {  	v21 =	vmov s30  }
0x37c: {  	v21 =	vshrl.u32 v21, $0x3  }
0x37d: {  	v21 =	vshll.u32 v21, v1  }
0x37e: {  	[tilespmem:v19+s29+$0x0] =	vst.idx.msk $0xffff, v18;
	v19 =	vbroadcast v21, $0x0  }
0x37f: {  	[tilespmem:v17+s29+$0x0] =	vst.idx.msk $0xffff, v20  }
0x380: {  	v20 =	vld [tilespmem:s14+$0x60];
	v21 =	vadd.s32 v15, v19  }
.Ltmp3:
0x381: {  	v19 =	vadd.s32 v16, v19;
	v18 =	vld [tilespmem:s14+$0x70];
	(pc) =	sbr.rel @p0 .LBB2_9-.Ltmp3, $4  }
0x382: {  	v17 =	vmov s16  }
0x383: {  	v17 =	vshrl.u32 v17, $0x3  }
0x384: {  	v17 =	vshll.u32 v17, v1  }
0x385: {  	v17 =	vbroadcast v17, $0x0;
	[tilespmem:v21+s29+$0x0] =	vst.idx.msk $0xffff, v20  }
0x386: {  	_ =	sdelay $0x3  }
0x387: {  	[tilespmem:v19+s29+$0x0] =	vst.idx.msk $0xffff, v18;
	s14 =	sadd.s32 $0x100, s14  }
0x388: {  	v18 =	vld [tilespmem:s14+$0xFFFFFF80];
	v19 =	vadd.s32 v0, v17  }
0x389: {  	s20 =	sadd.s32 $0x1, s16;
	v20 =	vld [tilespmem:s14+$0xFFFFFF90];
	v17 =	vadd.s32 v2, v17  }
0x38a: {  	v21 =	vmov s20  }
0x38b: {  	v21 =	vshrl.u32 v21, $0x3  }
0x38c: {  	v21 =	vshll.u32 v21, v1  }
0x38d: {  	[tilespmem:v19+s29+$0x0] =	vst.idx.msk $0xffff, v18;
	v18 =	vbroadcast v21, $0x0  }
0x38e: {  	[tilespmem:v17+s29+$0x0] =	vst.idx.msk $0xffff, v20  }
0x38f: {  	v17 =	vld [tilespmem:s14+$0xFFFFFFA0];
	v19 =	vadd.s32 v3, v18  }
0x390: {  	s30 =	sadd.s32 $0x2, s16;
	v20 =	vld [tilespmem:s14+$0xFFFFFFB0];
	v18 =	vadd.s32 v4, v18  }
0x391: {  	v58 =	vmov s30  }
0x392: {  	v21 =	vshrl.u32 v58, $0x3  }
0x393: {  	v21 =	vshll.u32 v21, v1  }
0x394: {  	[tilespmem:v19+s29+$0x0] =	vst.idx.msk $0xffff, v17;
	v17 =	vbroadcast v21, $0x0  }
0x395: {  	[tilespmem:v18+s29+$0x0] =	vst.idx.msk $0xffff, v20  }
0x396: {  	v18 =	vld [tilespmem:s14+$0xFFFFFFC0];
	v19 =	vadd.s32 v5, v17  }
0x397: {  	s31 =	sadd.s32 $0x3, s16;
	v20 =	vld [tilespmem:s14+$0xFFFFFFD0];
	v17 =	vadd.s32 v6, v17  }
0x398: {  	v59 =	vmov s31  }
0x399: {  	v21 =	vshrl.u32 v59, $0x3  }
0x39a: {  	v21 =	vshll.u32 v21, v1  }
0x39b: {  	[tilespmem:v19+s29+$0x0] =	vst.idx.msk $0xffff, v18;
	v18 =	vbroadcast v21, $0x0  }
0x39c: {  	[tilespmem:v17+s29+$0x0] =	vst.idx.msk $0xffff, v20  }
0x39d: {  	v17 =	vld [tilespmem:s14+$0xFFFFFFE0];
	v19 =	vadd.s32 v7, v18  }
0x39e: {  	s26 =	sadd.s32 $0x4, s16;
	v20 =	vld [tilespmem:s14+$0xFFFFFFF0];
	v18 =	vadd.s32 v8, v18  }
0x39f: {  	v60 =	vmov s26  }
0x3a0: {  	v21 =	vshrl.u32 v60, $0x3  }
0x3a1: {  	v21 =	vshll.u32 v21, v1  }
0x3a2: {  	[tilespmem:v19+s29+$0x0] =	vst.idx.msk $0xffff, v17;
	v17 =	vbroadcast v21, $0x0  }
0x3a3: {  	[tilespmem:v18+s29+$0x0] =	vst.idx.msk $0xffff, v20  }
0x3a4: {  	v18 =	vld [tilespmem:s14+$0x0];
	v19 =	vadd.s32 v9, v17  }
0x3a5: {  	s30 =	sadd.s32 $0x5, s16;
	v20 =	vld [tilespmem:s14+$0x10];
	v17 =	vadd.s32 v10, v17  }
0x3a6: {  	v61 =	vmov s30  }
0x3a7: {  	v21 =	vshrl.u32 v61, $0x3  }
0x3a8: {  	v21 =	vshll.u32 v21, v1  }
0x3a9: {  	[tilespmem:v19+s29+$0x0] =	vst.idx.msk $0xffff, v18;
	v18 =	vbroadcast v21, $0x0  }
0x3aa: {  	[tilespmem:v17+s29+$0x0] =	vst.idx.msk $0xffff, v20  }
0x3ab: {  	v17 =	vld [tilespmem:s14+$0x20];
	v19 =	vadd.s32 v11, v18  }
0x3ac: {  	s31 =	sadd.s32 $0x6, s16;
	v20 =	vld [tilespmem:s14+$0x30];
	v18 =	vadd.s32 v12, v18  }
0x3ad: {  	v62 =	vmov s31  }
0x3ae: {  	v21 =	vshrl.u32 v62, $0x3  }
0x3af: {  	v21 =	vshll.u32 v21, v1  }
0x3b0: {  	[tilespmem:v19+s29+$0x0] =	vst.idx.msk $0xffff, v17;
	v17 =	vbroadcast v21, $0x0  }
0x3b1: {  	[tilespmem:v18+s29+$0x0] =	vst.idx.msk $0xffff, v20  }
0x3b2: {  	v18 =	vld [tilespmem:s14+$0x40];
	v19 =	vadd.s32 v13, v17  }
0x3b3: {  	s26 =	sadd.s32 $0x7, s16;
	v20 =	vld [tilespmem:s14+$0x50];
	v17 =	vadd.s32 v14, v17  }
0x3b4: {  	v63 =	vmov s26  }
0x3b5: {  	v21 =	vshrl.u32 v63, $0x3  }
0x3b6: {  	v21 =	vshll.u32 v21, v1  }
0x3b7: {  	[tilespmem:v19+s29+$0x0] =	vst.idx.msk $0xffff, v18;
	v18 =	vbroadcast v21, $0x0  }
0x3b8: {  	[tilespmem:v17+s29+$0x0] =	vst.idx.msk $0xffff, v20  }
0x3b9: {  	v17 =	vld [tilespmem:s14+$0x60];
	v19 =	vadd.s32 v15, v18  }
0x3ba: {  	v20 =	vld [tilespmem:s14+$0x70];
	v18 =	vadd.s32 v16, v18;
	_ =	sdelay $0x3  }
0x3bb: {  	[tilespmem:v19+s29+$0x0] =	vst.idx.msk $0xffff, v17  }
0x3bc: {  	s10 =	sadd.s32 s10, s13;
	[tilespmem:v18+s29+$0x0] =	vst.idx.msk $0xffff, v20  }
0x3bd: {  	[hbm4b:s10+s4] =	stream.linear.scatter [tilespmem:s29], [sflag:$0xC], $0x80, $0x38;
	[tilespmem:$0x8600] =	vst v63  }
0x3be: {  	s30 =	sadd.s32 $0x10, s10;
	s31 =	simm.s32 $0x7588  }
0x3bf: {  	[hbm4b:s30+s4] =	stream.linear.scatter [tilespmem:s31], [sflag:$0xC], $0x80, $0x38;
	[tilespmem:$0x8600] =	vst v63  }
0x3c0: {  	s20 =	sadd.s32 $0x20, s10;
	s26 =	simm.s32 $0x7610  }
0x3c1: {  	[hbm4b:s20+s4] =	stream.linear.scatter [tilespmem:s26], [sflag:$0xC], $0x80, $0x38;
	[tilespmem:$0x8600] =	vst v63  }
0x3c2: {  	s30 =	sadd.s32 $0x30, s10;
	s31 =	simm.s32 $0x7698  }
0x3c3: {  	[hbm4b:s30+s4] =	stream.linear.scatter [tilespmem:s31], [sflag:$0xC], $0x80, $0x38;
	[tilespmem:$0x8600] =	vst v63  }
0x3c4: {  	s20 =	sadd.s32 $0x40, s10;
	s26 =	simm.s32 $0x7720  }
0x3c5: {  	[hbm4b:s20+s4] =	stream.linear.scatter [tilespmem:s26], [sflag:$0xC], $0x80, $0x38;
	[tilespmem:$0x8600] =	vst v63  }
0x3c6: {  	s30 =	sadd.s32 $0x50, s10;
	s31 =	simm.s32 $0x77A8  }
0x3c7: {  	[hbm4b:s30+s4] =	stream.linear.scatter [tilespmem:s31], [sflag:$0xC], $0x80, $0x38;
	[tilespmem:$0x8600] =	vst v63  }
0x3c8: {  	s20 =	sadd.s32 $0x60, s10;
	s26 =	simm.s32 $0x7830  }
0x3c9: {  	[hbm4b:s20+s4] =	stream.linear.scatter [tilespmem:s26], [sflag:$0xC], $0x80, $0x38;
	[tilespmem:$0x8600] =	vst v63  }
0x3ca: {  	s30 =	sadd.s32 $0x70, s10;
	s31 =	simm.s32 $0x78B8  }
0x3cb: {  	[hbm4b:s30+s4] =	stream.linear.scatter [tilespmem:s31], [sflag:$0xC], $0x80, $0x38;
	[tilespmem:$0x8600] =	vst v63  }
0x3cc: {  	s20 =	sadd.s32 $0x1000, s10;
	s26 =	simm.s32 $0x7940  }
0x3cd: {  	[hbm4b:s20+s4] =	stream.linear.scatter [tilespmem:s26], [sflag:$0xC], $0x80, $0x38;
	[tilespmem:$0x8600] =	vst v63  }
0x3ce: {  	s30 =	sadd.s32 $0x1010, s10;
	s31 =	simm.s32 $0x79C8  }
0x3cf: {  	[hbm4b:s30+s4] =	stream.linear.scatter [tilespmem:s31], [sflag:$0xC], $0x80, $0x38;
	[tilespmem:$0x8600] =	vst v63  }
0x3d0: {  	s20 =	sadd.s32 $0x1020, s10;
	s26 =	simm.s32 $0x7A50  }
0x3d1: {  	[hbm4b:s20+s4] =	stream.linear.scatter [tilespmem:s26], [sflag:$0xC], $0x80, $0x38;
	[tilespmem:$0x8600] =	vst v63  }
0x3d2: {  	s30 =	sadd.s32 $0x1030, s10;
	s31 =	simm.s32 $0x7AD8  }
0x3d3: {  	[hbm4b:s30+s4] =	stream.linear.scatter [tilespmem:s31], [sflag:$0xC], $0x80, $0x38;
	[tilespmem:$0x8600] =	vst v63  }
0x3d4: {  	s20 =	sadd.s32 $0x1040, s10;
	s26 =	simm.s32 $0x7B60  }
0x3d5: {  	[hbm4b:s20+s4] =	stream.linear.scatter [tilespmem:s26], [sflag:$0xC], $0x80, $0x38;
	[tilespmem:$0x8600] =	vst v63  }
0x3d6: {  	s30 =	sadd.s32 $0x1050, s10;
	s31 =	simm.s32 $0x7BE8  }
0x3d7: {  	[hbm4b:s30+s4] =	stream.linear.scatter [tilespmem:s31], [sflag:$0xC], $0x80, $0x38;
	[tilespmem:$0x8600] =	vst v63  }
0x3d8: {  	s20 =	sadd.s32 $0x1060, s10;
	s26 =	simm.s32 $0x7C70  }
0x3d9: {  	[hbm4b:s20+s4] =	stream.linear.scatter [tilespmem:s26], [sflag:$0xC], $0x80, $0x38;
	[tilespmem:$0x8600] =	vst v63  }
0x3da: {  	s30 =	sadd.s32 $0x1070, s10;
	s31 =	simm.s32 $0x7CF8  }
0x3db: {  	[hbm4b:s30+s4] =	stream.linear.scatter [tilespmem:s31], [sflag:$0xC], $0x80, $0x38;
	[tilespmem:$0x8600] =	vst v63  }
0x3dc: {  	s20 =	sadd.s32 $0x2000, s10;
	s26 =	simm.s32 $0x7D80  }
0x3dd: {  	[hbm4b:s20+s4] =	stream.linear.scatter [tilespmem:s26], [sflag:$0xC], $0x80, $0x38;
	[tilespmem:$0x8600] =	vst v63  }
0x3de: {  	s30 =	sadd.s32 $0x2010, s10;
	s31 =	simm.s32 $0x7E08  }
0x3df: {  	[hbm4b:s30+s4] =	stream.linear.scatter [tilespmem:s31], [sflag:$0xC], $0x80, $0x38;
	[tilespmem:$0x8600] =	vst v63  }
0x3e0: {  	s20 =	sadd.s32 $0x2020, s10;
	s26 =	simm.s32 $0x7E90  }
0x3e1: {  	[hbm4b:s20+s4] =	stream.linear.scatter [tilespmem:s26], [sflag:$0xC], $0x80, $0x38;
	[tilespmem:$0x8600] =	vst v63  }
0x3e2: {  	s30 =	sadd.s32 $0x2030, s10;
	s31 =	simm.s32 $0x7F18  }
0x3e3: {  	[hbm4b:s30+s4] =	stream.linear.scatter [tilespmem:s31], [sflag:$0xC], $0x80, $0x38;
	[tilespmem:$0x8600] =	vst v63  }
0x3e4: {  	s20 =	sadd.s32 $0x2040, s10;
	s26 =	simm.s32 $0x7FA0  }
0x3e5: {  	[hbm4b:s20+s4] =	stream.linear.scatter [tilespmem:s26], [sflag:$0xC], $0x80, $0x38;
	[tilespmem:$0x8600] =	vst v63  }
0x3e6: {  	s30 =	sadd.s32 $0x2050, s10;
	s31 =	simm.s32 $0x8028  }
0x3e7: {  	[hbm4b:s30+s4] =	stream.linear.scatter [tilespmem:s31], [sflag:$0xC], $0x80, $0x38;
	[tilespmem:$0x8600] =	vst v63  }
0x3e8: {  	s20 =	sadd.s32 $0x2060, s10;
	s26 =	simm.s32 $0x80B0  }
0x3e9: {  	[hbm4b:s20+s4] =	stream.linear.scatter [tilespmem:s26], [sflag:$0xC], $0x80, $0x38;
	[tilespmem:$0x8600] =	vst v63  }
0x3ea: {  	s30 =	sadd.s32 $0x2070, s10;
	s31 =	simm.s32 $0x8138  }
0x3eb: {  	[hbm4b:s30+s4] =	stream.linear.scatter [tilespmem:s31], [sflag:$0xC], $0x80, $0x38;
	[tilespmem:$0x8600] =	vst v63  }
0x3ec: {  	s20 =	sadd.s32 $0x3000, s10;
	s26 =	simm.s32 $0x81C0  }
0x3ed: {  	[hbm4b:s20+s4] =	stream.linear.scatter [tilespmem:s26], [sflag:$0xC], $0x80, $0x38;
	[tilespmem:$0x8600] =	vst v63  }
0x3ee: {  	s30 =	sadd.s32 $0x3010, s10;
	s31 =	simm.s32 $0x8248  }
0x3ef: {  	[hbm4b:s30+s4] =	stream.linear.scatter [tilespmem:s31], [sflag:$0xC], $0x80, $0x38;
	[tilespmem:$0x8600] =	vst v63  }
0x3f0: {  	s20 =	sadd.s32 $0x3020, s10;
	s26 =	simm.s32 $0x82D0  }
0x3f1: {  	[hbm4b:s20+s4] =	stream.linear.scatter [tilespmem:s26], [sflag:$0xC], $0x80, $0x38;
	[tilespmem:$0x8600] =	vst v63  }
0x3f2: {  	s30 =	sadd.s32 $0x3030, s10;
	s31 =	simm.s32 $0x8358  }
0x3f3: {  	[hbm4b:s30+s4] =	stream.linear.scatter [tilespmem:s31], [sflag:$0xC], $0x80, $0x38;
	[tilespmem:$0x8600] =	vst v63  }
0x3f4: {  	s9 =	sadd.s32 $0x1, s9;
	s20 =	sadd.s32 $0x3040, s10;
	s26 =	simm.s32 $0x83E0  }
0x3f5: {  	[hbm4b:s20+s4] =	stream.linear.scatter [tilespmem:s26], [sflag:$0xC], $0x80, $0x38;
	[tilespmem:$0x8600] =	vst v63  }
0x3f6: {  	p0 =	sne.s32 s9, $0x32;
	s30 =	sadd.s32 $0x3050, s10  }
0x3f7: {  	[hbm4b:s30+s4] =	stream.linear.scatter [tilespmem:s0], [sflag:$0xC], $0x80, $0x38;
	[tilespmem:$0x8600] =	vst v63  }
.Ltmp4:
0x3f8: {  	_ = 	snop;
	(pc) =	sbr.rel @p0 .LBB2_2-.Ltmp4, $4  }
0x3f9: {  	s31 =	sadd.s32 $0x3060, s10  }
0x3fa: {  	[hbm4b:s31+s4] =	stream.linear.scatter [tilespmem:s2], [sflag:$0xC], $0x80, $0x38;
	[tilespmem:$0x8600] =	vst v63  }
0x3fb: {  	s10 =	sadd.s32 $0x3070, s10  }
0x3fc: {  	[hbm4b:s10+s4] =	stream.linear.scatter [tilespmem:s19], [sflag:$0xC], $0x80, $0x38;
	[tilespmem:$0x8600] =	vst v63  }
0x3fd: {  	s9 =	simm.s32 $0x9  }
0x3fe: {  	_ =	swait.ge [sflag:s9], $0x1000  }
0x3ff: {  	[sflag:s9] =	ssyncset.done $0x0  }
0x400: {  	s30 =	simm.s32 $0xA;
	[sflag:s9] =	ssyncadd.s32 $0xFFFFF000  }
0x401: {  	_ =	swait.ge [sflag:s30], $0x1000  }
0x402: {  	[sflag:s30] =	ssyncset.done $0x0  }
0x403: {  	[sflag:s30] =	ssyncadd.s32 $0xFFFFF000  }
0x404: {  	_ =	swait.ge [sflag:s21], $0x1000  }
0x405: {  	[sflag:s21] =	ssyncset.done $0x0  }
0x406: {  	[sflag:s21] =	ssyncadd.s32 $0xFFFFF000  }
0x407: {  	_ =	swait.ge [sflag:s8], $0x1000  }
0x408: {  	s10 =	rddreg [dreg:$0x9]  }
0x409: {  	s31 =	rddreg [dreg:$0x8];
	s10 =	sadd.s32 $0x1, s10  }
0x40a: {  	p0 =	sne.s32 s10, s31  }
.Ltmp5:
0x40b: {  	_ = 	snop;
	(pc) =	sbr.rel @p0 .LBB2_1-.Ltmp5, $3  }
0x40c: {  	_ =	sdelay $0x1  }
0x40d: {  	[sflag:s8] =	ssyncset.done $0x0  }
0x40e: {  	[sflag:s8] =	ssyncadd.s32 $0xFFFFF000  }
0x40f: {  	_ =	sfence.sel $0x180000  }
0x410: {  	[bflag:$0x0] =	sbarrier.arrive $0xFFFF  }
0x411: {  	_ =	strace $0x90000047  }
0x412: {  	s0 =	stileid.u32;
	[bflag:$0x2] =	sbarrier.arrive $0xFFFF  }
0x413: {  	p0 =	sne.s32 s0, $0x0;
	s0 =	rddreg [dreg:$0x3]  }
0x414: {  	s0 =	sadd.s32 @!p0 $0x100000, s0  }
0x415: {  	[sflag:s0] =	ssyncadd.tile.s32 @!p0 $0x1;
	_ =	shalt  }
.Lfunc_end2:
_tile_overlayer_lowered:
.L_overlay_start_2:
0x416: {  	(tag) =	ssettag $0x2  }
0x417: {  	s0 =	rddreg [dreg:$0x0];
	s2 =	stileid.u32  }
0x418: {  	s1 =	rddreg [dreg:$0x1];
	p0 =	sne.s32 s2, $0x0  }
0x419: {  	s3 =	rddreg [dreg:$0x2];
	[bflag:$0x3] =	sbarrier.arrive $0xFFFF;
	s2 =	simm.s32 @!p0 $0x1C0D  }
0x41a: {  	[timem:s3], [sflag:s2] =	dma.local @!p0 [hbm:s0], s1  }
0x41b: {  	s0 =	simm.s32 @!p0 $0xD  }
0x41c: {  	_ =	swait.ge @!p0 [sflag:s0], s1  }
0x41d: {  	s1 =	ssub.s32 @!p0 $0x0, s1;
	[sflag:s0] =	ssyncset.done @!p0 $0x0  }
0x41e: {  	[sflag:s0] =	ssyncadd.s32 @!p0 s1  }
0x41f: {  	[bflag:$0x3] =	sbarrier.arrive $0xFFFF  }
0x420: {  	_ =	shalt  }

</sc_bundles>
